<compile_context>
chip_gen: v7x
topology: tpu7x:2x2x1
jax: 0.10.2.dev20260603
libtpu: 0.0.44.dev20260713+nightly
codegen_flags: <defaults>
</compile_context>

<pallas_src>
import functools

import jax
import jax.numpy as jnp
import numpy as np
from jax import lax
from jax.experimental import pallas as pl
from jax.experimental.pallas import tpu as pltpu
from jax.experimental.pallas import tpu_sc as plsc

_LANES = 16
_NUM_WORKERS = 32
_K = 1024

_REG_LEVELS = 5
_STRIDES = (16, 8, 4, 2, 1)

_UNROLL = 14


def _tree_pivot_indices():
    def pidx(p):
        l = p.bit_length()
        k = p - (1 << (l - 1))
        return (2 * k + 1) * (1 << (10 - l)) - 1

    lvl14 = [pidx(max(j, 1)) for j in range(16)]
    lvl5 = [pidx(16 + j) for j in range(16)]
    return np.array(lvl14, np.int32), np.array(lvl5, np.int32)


def _take16(table, idx):
    return lax.gather(
        table, idx[:, None],
        dimension_numbers=lax.GatherDimensionNumbers(
            offset_dims=(), collapsed_slice_dims=(0,), start_index_map=(0,)),
        slice_sizes=(1,),
        mode=lax.GatherScatterMode.PROMISE_IN_BOUNDS)


def _sc_quantize_body(n_per_w, n_groups,
                      x_hbm, tbl_hbm,
                      q_hbm, part_hbm,
                      x_v, q_v, tbl_v, part_v,
                      sem_x, sem_t):
    core = lax.axis_index("c")
    subcore = lax.axis_index("s")
    wid = subcore * 2 + core
    base = wid * n_per_w

    cp_x = pltpu.make_async_copy(x_hbm.at[pl.ds(base, n_per_w)], x_v, sem_x)
    cp_t = pltpu.make_async_copy(tbl_hbm, tbl_v, sem_t)
    cp_x.start()
    cp_t.start()
    cp_x.wait()
    cp_t.wait()

    tree14 = tbl_v[pl.ds(2 * _K, _LANES)]
    tree5 = tbl_v[pl.ds(2 * _K + _LANES, _LANES)]
    one = jnp.ones((_LANES,), jnp.int32)

    def group_body(g, accs):
        base_off = pl.multiple_of(g * (_LANES * _UNROLL), _LANES * _UNROLL)
        xs = [x_v[pl.ds(base_off + j * _LANES, _LANES)]
              for j in range(_UNROLL)]
        nds = [one for _ in range(_UNROLL)]
        for _ in range(4):
            pvs = [_take16(tree14, nd) for nd in nds]
            nds = [nd + nd + (pv <= xv).astype(jnp.int32)
                   for nd, pv, xv in zip(nds, pvs, xs)]
        pvs = [_take16(tree5, nd - _LANES) for nd in nds]
        nds = [nd + nd + (pv <= xv).astype(jnp.int32)
               for nd, pv, xv in zip(nds, pvs, xs)]
        cnts = [(nd - 32) * 32 for nd in nds]
        for stride in _STRIDES:
            idxs = [cnt + (stride - 1 + _K) for cnt in cnts]
            mvals = [plsc.load_gather(tbl_v, [idx]) for idx in idxs]
            cnts = [jnp.where(mval <= xv, cnt + stride, cnt)
                    for cnt, mval, xv in zip(cnts, mvals, xs)]
        qs = [plsc.load_gather(tbl_v, [cnt]) for cnt in cnts]
        new_accs = []
        for j, (qv, xv, acc) in enumerate(zip(qs, xs, accs)):
            q_v[pl.ds(base_off + j * _LANES, _LANES)] = qv
            diff = qv - xv
            new_accs.append(acc + diff * diff)
        return tuple(new_accs)

    accs = lax.fori_loop(0, n_groups // _UNROLL, group_body,
                         tuple(jnp.zeros((_LANES,), jnp.float32)
                               for _ in range(_UNROLL)))
    acc = accs[0]
    for a in accs[1:]:
        acc = acc + a
    part_v[...] = acc

    pltpu.sync_copy(q_v, q_hbm.at[pl.ds(base, n_per_w)])
    pltpu.sync_copy(part_v, part_hbm.at[wid])


def _build_sc_call(n):
    assert n % (_NUM_WORKERS * _LANES * _UNROLL) == 0
    n_per_w = n // _NUM_WORKERS
    n_groups = n_per_w // _LANES
    mesh = plsc.VectorSubcoreMesh(core_axis_name="c", subcore_axis_name="s")
    return pl.kernel(
        functools.partial(_sc_quantize_body, n_per_w, n_groups),
        out_type=(
            jax.ShapeDtypeStruct((n,), jnp.float32),
            jax.ShapeDtypeStruct((_NUM_WORKERS, _LANES), jnp.float32),
        ),
        mesh=mesh,
        scratch_types=(
            pltpu.VMEM((n_per_w,), jnp.float32),
            pltpu.VMEM((n_per_w,), jnp.float32),
            pltpu.VMEM((2 * _K + 2 * _LANES,), jnp.float32),
            pltpu.VMEM((_LANES,), jnp.float32),
            pltpu.SemaphoreType.DMA,
            pltpu.SemaphoreType.DMA,
        ),
        compiler_params=pltpu.CompilerParams(needs_layout_passes=False),
    )


def _mt_gather_indices():
    idx14, idx5 = _tree_pivot_indices()
    a = np.concatenate([np.arange(1023), [1023], idx14, idx5]).astype(np.int32)
    b = np.concatenate([np.arange(1, 1024), [1023], idx14 + 1,
                        idx5 + 1]).astype(np.int32)
    return a, b


def kernel(pre_quantized, weight):
    b, c, h, w = pre_quantized.shape
    n = b * c * h * w
    x = pre_quantized.reshape(n)

    code = jnp.sort(weight[:, 0], stable=False)
    ga, gb = _mt_gather_indices()
    mt = (code[ga] + code[gb]) * 0.5
    tbl = jnp.concatenate([code, mt])

    q_flat, partials = _build_sc_call(n)(x, tbl)

    loss = (jnp.sum(partials) / n) * 1.25
    quanted_out = q_flat.reshape(b, c, h, w)
    return quanted_out, loss

# --- scband reference (transcript-rebuilt; emitter-appended) ---
"""Pipeline reference for scband-latent-space-56719338111582 (READ-ONLY COPY).

The authoritative reference and input builder live on the scoring server;
editing this copy changes nothing except your own understanding.
"""

import jax, jax.numpy as jnp
import numpy as np

K = 1024  # num_embedding
D = 1     # embedding_dim fixed by module

def setup_inputs(seed: int = 0) -> dict:
    key = jax.random.key(seed)
    k1, k2 = jax.random.split(key)
    pre_quantized = jax.random.normal(k1, (2, 1, 224, 224), dtype=jnp.float32)
    # nn.Embedding default init: N(0, 1)
    weight = jax.random.normal(k2, (K, D), dtype=jnp.float32)
    return {"pre_quantized": pre_quantized, "weight": weight}

def _cdist(x, c):
    # x: [B, N, D], c: [K, D] -> [B, N, K] euclidean distances (matches torch.cdist)
    x2 = jnp.sum(x * x, axis=-1)              # [B, N]
    c2 = jnp.sum(c * c, axis=-1)              # [K]
    xc = jnp.einsum('bnd,kd->bnk', x, c)      # [B, N, K]
    sq = x2[:, :, None] - 2.0 * xc + c2[None, None, :]
    return jnp.sqrt(jnp.maximum(sq, 0.0))

def reference(pre_quantized, weight):
    B, C, H, W = pre_quantized.shape
    data_perm = jnp.transpose(pre_quantized, (0, 2, 3, 1))       # [B, H, W, C]
    quanted_in = data_perm.reshape(B, H * W, C)                  # [B, HW, C]
    dist = _cdist(quanted_in, weight)                            # [B, HW, K]
    min_distance_indexes = jnp.argmin(dist, axis=-1)             # [B, HW]
    quanted_out = jnp.take(weight, min_distance_indexes, axis=0) # [B, HW, D]
    loss1 = jnp.mean((jax.lax.stop_gradient(quanted_out) - quanted_in) ** 2)
    loss2 = jnp.mean((quanted_out - jax.lax.stop_gradient(quanted_in)) ** 2)
    loss_quantize = loss1 + 0.25 * loss2
    quanted_out = quanted_in + jax.lax.stop_gradient(quanted_out - quanted_in)
    quanted_out_reshaped = jnp.transpose(quanted_out.reshape(B, H, W, C), (0, 3, 1, 2))
    return (quanted_out_reshaped, loss_quantize)

if __name__ == "__main__":
    import jax
    _d = setup_inputs()
    print(jax.jit(kernel)(*tuple(_d.values())))

</pallas_src>

<mosaic_0001>
#map = affine_map<(d0, d1) -> (0)>
#map1 = affine_map<(d0, d1) -> (0, 0)>
module attributes {stable_mosaic.version = 14 : i64} {
  func.func @_sc_quantize_body(%arg0: i32, %arg1: i32, %arg2: memref<100352xf32, #tpu.memory_space<hbm>>, %arg3: memref<2080xf32, #tpu.memory_space<hbm>>, %arg4: memref<100352xf32, #tpu.memory_space<hbm>>, %arg5: memref<32x16xf32, #tpu.memory_space<hbm>>, %arg6: memref<3136xf32, #tpu.memory_space<vmem>>, %arg7: memref<3136xf32, #tpu.memory_space<vmem>>, %arg8: memref<2080xf32, #tpu.memory_space<vmem>>, %arg9: memref<16xf32, #tpu.memory_space<vmem>>, %arg10: memref<!tpu.dma_semaphore, #tpu.memory_space<semaphore_mem>>, %arg11: memref<!tpu.dma_semaphore, #tpu.memory_space<semaphore_mem>>) attributes {dimension_semantics = [#tpu.dimension_semantics<core_parallel>, #tpu.dimension_semantics<subcore_parallel>], iteration_bounds = array<i64: 2, 16>, scalar_prefetch = 0 : i64, scratch_operands = 6 : i64, tpu.core_type = #tpu.core_type<sc_vector_subcore>, window_params = [{transform_indices = #map}, {transform_indices = #map}, {transform_indices = #map}, {transform_indices = #map1}]} {
    %mul3A = arith.constant 2 : i32
    %mul3A_0 = arith.muli %arg1, %mul3A : i32
    %add3A = arith.addi %mul3A_0, %arg0 : i32
    %mul3A_1 = arith.constant 3136 : i32
    %mul3A_2 = arith.muli %add3A, %mul3A_1 : i32
    %dma_start3A = tpu.memref_slice %arg2[%mul3A_2] : memref<100352xf32, #tpu.memory_space<hbm>> -> memref<3136xf32, #tpu.memory_space<hbm>>
    %dma_start3A_3 = tpu.memref_slice %arg2[%mul3A_2] : memref<100352xf32, #tpu.memory_space<hbm>> -> memref<3136xf32, #tpu.memory_space<hbm>>
    tpu.enqueue_dma source(%dma_start3A_3 : memref<3136xf32, #tpu.memory_space<hbm>>) target(%arg6 : memref<3136xf32, #tpu.memory_space<vmem>>) target_semaphore(%arg10 : memref<!tpu.dma_semaphore, #tpu.memory_space<semaphore_mem>>)
    tpu.enqueue_dma source(%arg3 : memref<2080xf32, #tpu.memory_space<hbm>>) target(%arg8 : memref<2080xf32, #tpu.memory_space<vmem>>) target_semaphore(%arg11 : memref<!tpu.dma_semaphore, #tpu.memory_space<semaphore_mem>>)
    %dma_wait3A = tpu.memref_slice %arg2[%mul3A_2] : memref<100352xf32, #tpu.memory_space<hbm>> -> memref<3136xf32, #tpu.memory_space<hbm>>
    %dma_wait3A_4 = tpu.memref_slice %arg2[%mul3A_2] : memref<100352xf32, #tpu.memory_space<hbm>> -> memref<3136xf32, #tpu.memory_space<hbm>>
    tpu.wait_dma2 semaphore(%arg10 : memref<!tpu.dma_semaphore, #tpu.memory_space<semaphore_mem>>) src(%dma_wait3A_4 : memref<3136xf32, #tpu.memory_space<hbm>>) dst(%arg6 : memref<3136xf32, #tpu.memory_space<vmem>>)
    tpu.wait_dma2 semaphore(%arg11 : memref<!tpu.dma_semaphore, #tpu.memory_space<semaphore_mem>>) src(%arg3 : memref<2080xf32, #tpu.memory_space<hbm>>) dst(%arg8 : memref<2080xf32, #tpu.memory_space<vmem>>)
    %get3A = arith.constant 2048 : index
    %get3A_5 = tpu.vector_load %arg8[%get3A] {strides = array<i32>} : memref<2080xf32, #tpu.memory_space<vmem>>, vector<16xf32>,
    %get3A_6 = arith.constant 2064 : index
    %get3A_7 = tpu.vector_load %arg8[%get3A_6] {strides = array<i32>} : memref<2080xf32, #tpu.memory_space<vmem>>, vector<16xf32>,
    %broadcast_in_dim3A = arith.constant 1 : i32
    %broadcast_in_dim3A_8 = vector.broadcast %broadcast_in_dim3A : i32 to vector<16xi32>
    %broadcast_in_dim3A_9 = arith.constant 0.000000e+00 : f32
    %broadcast_in_dim3A_10 = vector.broadcast %broadcast_in_dim3A_9 : f32 to vector<16xf32>
    %broadcast_in_dim3A_11 = arith.constant 0.000000e+00 : f32
    %broadcast_in_dim3A_12 = vector.broadcast %broadcast_in_dim3A_11 : f32 to vector<16xf32>
    %broadcast_in_dim3A_13 = arith.constant 0.000000e+00 : f32
    %broadcast_in_dim3A_14 = vector.broadcast %broadcast_in_dim3A_13 : f32 to vector<16xf32>
    %broadcast_in_dim3A_15 = arith.constant 0.000000e+00 : f32
    %broadcast_in_dim3A_16 = vector.broadcast %broadcast_in_dim3A_15 : f32 to vector<16xf32>
    %broadcast_in_dim3A_17 = arith.constant 0.000000e+00 : f32
    %broadcast_in_dim3A_18 = vector.broadcast %broadcast_in_dim3A_17 : f32 to vector<16xf32>
    %broadcast_in_dim3A_19 = arith.constant 0.000000e+00 : f32
    %broadcast_in_dim3A_20 = vector.broadcast %broadcast_in_dim3A_19 : f32 to vector<16xf32>
    %broadcast_in_dim3A_21 = arith.constant 0.000000e+00 : f32
    %broadcast_in_dim3A_22 = vector.broadcast %broadcast_in_dim3A_21 : f32 to vector<16xf32>
    %broadcast_in_dim3A_23 = arith.constant 0.000000e+00 : f32
    %broadcast_in_dim3A_24 = vector.broadcast %broadcast_in_dim3A_23 : f32 to vector<16xf32>
    %broadcast_in_dim3A_25 = arith.constant 0.000000e+00 : f32
    %broadcast_in_dim3A_26 = vector.broadcast %broadcast_in_dim3A_25 : f32 to vector<16xf32>
    %broadcast_in_dim3A_27 = arith.constant 0.000000e+00 : f32
    %broadcast_in_dim3A_28 = vector.broadcast %broadcast_in_dim3A_27 : f32 to vector<16xf32>
    %broadcast_in_dim3A_29 = arith.constant 0.000000e+00 : f32
    %broadcast_in_dim3A_30 = vector.broadcast %broadcast_in_dim3A_29 : f32 to vector<16xf32>
    %broadcast_in_dim3A_31 = arith.constant 0.000000e+00 : f32
    %broadcast_in_dim3A_32 = vector.broadcast %broadcast_in_dim3A_31 : f32 to vector<16xf32>
    %broadcast_in_dim3A_33 = arith.constant 0.000000e+00 : f32
    %broadcast_in_dim3A_34 = vector.broadcast %broadcast_in_dim3A_33 : f32 to vector<16xf32>
    %broadcast_in_dim3A_35 = arith.constant 0.000000e+00 : f32
    %broadcast_in_dim3A_36 = vector.broadcast %broadcast_in_dim3A_35 : f32 to vector<16xf32>
    %scan3A = arith.constant 0 : i32
    %scan3A_37 = arith.constant 14 : i32
    %scan3A_38 = arith.addi %scan3A, %scan3A_37 : i32
    %scan3A_39 = arith.constant 1 : i32
    %scan3A_40:14 = scf.for %scan3A_56 = %scan3A to %scan3A_38 step %scan3A_39 iter_args(%scan3A_57 = %broadcast_in_dim3A_10, %scan3A_58 = %broadcast_in_dim3A_12, %scan3A_59 = %broadcast_in_dim3A_14, %scan3A_60 = %broadcast_in_dim3A_16, %scan3A_61 = %broadcast_in_dim3A_18, %scan3A_62 = %broadcast_in_dim3A_20, %scan3A_63 = %broadcast_in_dim3A_22, %scan3A_64 = %broadcast_in_dim3A_24, %scan3A_65 = %broadcast_in_dim3A_26, %scan3A_66 = %broadcast_in_dim3A_28, %scan3A_67 = %broadcast_in_dim3A_30, %scan3A_68 = %broadcast_in_dim3A_32, %scan3A_69 = %broadcast_in_dim3A_34, %scan3A_70 = %broadcast_in_dim3A_36) -> (vector<16xf32>, vector<16xf32>, vector<16xf32>, vector<16xf32>, vector<16xf32>, vector<16xf32>, vector<16xf32>, vector<16xf32>, vector<16xf32>, vector<16xf32>, vector<16xf32>, vector<16xf32>, vector<16xf32>, vector<16xf32>)  : i32 {
      %mul3A_71 = arith.constant 224 : i32
      %mul3A_72 = arith.muli %scan3A_56, %mul3A_71 : i32
      %multiple_of3A = tpu.assume_multiple %mul3A_72, 224 : i32
      %add3A_73 = arith.constant 0 : i32
      %add3A_74 = arith.addi %multiple_of3A, %add3A_73 : i32
      %get3A_75 = arith.index_cast %add3A_74 : i32 to index
      %get3A_76 = tpu.vector_load %arg6[%get3A_75] {strides = array<i32>} : memref<3136xf32, #tpu.memory_space<vmem>>, vector<16xf32>,
      %add3A_77 = arith.constant 16 : i32
      %add3A_78 = arith.addi %multiple_of3A, %add3A_77 : i32
      %get3A_79 = arith.index_cast %add3A_78 : i32 to index
      %get3A_80 = tpu.vector_load %arg6[%get3A_79] {strides = array<i32>} : memref<3136xf32, #tpu.memory_space<vmem>>, vector<16xf32>,
      %add3A_81 = arith.constant 32 : i32
      %add3A_82 = arith.addi %multiple_of3A, %add3A_81 : i32
      %get3A_83 = arith.index_cast %add3A_82 : i32 to index
      %get3A_84 = tpu.vector_load %arg6[%get3A_83] {strides = array<i32>} : memref<3136xf32, #tpu.memory_space<vmem>>, vector<16xf32>,
      %add3A_85 = arith.constant 48 : i32
      %add3A_86 = arith.addi %multiple_of3A, %add3A_85 : i32
      %get3A_87 = arith.index_cast %add3A_86 : i32 to index
      %get3A_88 = tpu.vector_load %arg6[%get3A_87] {strides = array<i32>} : memref<3136xf32, #tpu.memory_space<vmem>>, vector<16xf32>,
      %add3A_89 = arith.constant 64 : i32
      %add3A_90 = arith.addi %multiple_of3A, %add3A_89 : i32
      %get3A_91 = arith.index_cast %add3A_90 : i32 to index
      %get3A_92 = tpu.vector_load %arg6[%get3A_91] {strides = array<i32>} : memref<3136xf32, #tpu.memory_space<vmem>>, vector<16xf32>,
      %add3A_93 = arith.constant 80 : i32
      %add3A_94 = arith.addi %multiple_of3A, %add3A_93 : i32
      %get3A_95 = arith.index_cast %add3A_94 : i32 to index
      %get3A_96 = tpu.vector_load %arg6[%get3A_95] {strides = array<i32>} : memref<3136xf32, #tpu.memory_space<vmem>>, vector<16xf32>,
      %add3A_97 = arith.constant 96 : i32
      %add3A_98 = arith.addi %multiple_of3A, %add3A_97 : i32
      %get3A_99 = arith.index_cast %add3A_98 : i32 to index
      %get3A_100 = tpu.vector_load %arg6[%get3A_99] {strides = array<i32>} : memref<3136xf32, #tpu.memory_space<vmem>>, vector<16xf32>,
      %add3A_101 = arith.constant 112 : i32
      %add3A_102 = arith.addi %multiple_of3A, %add3A_101 : i32
      %get3A_103 = arith.index_cast %add3A_102 : i32 to index
      %get3A_104 = tpu.vector_load %arg6[%get3A_103] {strides = array<i32>} : memref<3136xf32, #tpu.memory_space<vmem>>, vector<16xf32>,
      %add3A_105 = arith.constant 128 : i32
      %add3A_106 = arith.addi %multiple_of3A, %add3A_105 : i32
      %get3A_107 = arith.index_cast %add3A_106 : i32 to index
      %get3A_108 = tpu.vector_load %arg6[%get3A_107] {strides = array<i32>} : memref<3136xf32, #tpu.memory_space<vmem>>, vector<16xf32>,
      %add3A_109 = arith.constant 144 : i32
      %add3A_110 = arith.addi %multiple_of3A, %add3A_109 : i32
      %get3A_111 = arith.index_cast %add3A_110 : i32 to index
      %get3A_112 = tpu.vector_load %arg6[%get3A_111] {strides = array<i32>} : memref<3136xf32, #tpu.memory_space<vmem>>, vector<16xf32>,
      %add3A_113 = arith.constant 160 : i32
      %add3A_114 = arith.addi %multiple_of3A, %add3A_113 : i32
      %get3A_115 = arith.index_cast %add3A_114 : i32 to index
      %get3A_116 = tpu.vector_load %arg6[%get3A_115] {strides = array<i32>} : memref<3136xf32, #tpu.memory_space<vmem>>, vector<16xf32>,
      %add3A_117 = arith.constant 176 : i32
      %add3A_118 = arith.addi %multiple_of3A, %add3A_117 : i32
      %get3A_119 = arith.index_cast %add3A_118 : i32 to index
      %get3A_120 = tpu.vector_load %arg6[%get3A_119] {strides = array<i32>} : memref<3136xf32, #tpu.memory_space<vmem>>, vector<16xf32>,
      %add3A_121 = arith.constant 192 : i32
      %add3A_122 = arith.addi %multiple_of3A, %add3A_121 : i32
      %get3A_123 = arith.index_cast %add3A_122 : i32 to index
      %get3A_124 = tpu.vector_load %arg6[%get3A_123] {strides = array<i32>} : memref<3136xf32, #tpu.memory_space<vmem>>, vector<16xf32>,
      %add3A_125 = arith.constant 208 : i32
      %add3A_126 = arith.addi %multiple_of3A, %add3A_125 : i32
      %get3A_127 = arith.index_cast %add3A_126 : i32 to index
      %get3A_128 = tpu.vector_load %arg6[%get3A_127] {strides = array<i32>} : memref<3136xf32, #tpu.memory_space<vmem>>, vector<16xf32>,
      %broadcast_in_dim3A_129 = vector.shape_cast %broadcast_in_dim3A_8 : vector<16xi32> to vector<16x1xi32>
      %gather3A = vector.shape_cast %broadcast_in_dim3A_129 : vector<16x1xi32> to vector<16xi32>
      %gather3A_130 = tpu.dynamic_gather %get3A_5[%gather3A] in [0] : vector<16xf32>, vector<16xi32> -> vector<16xf32>
      %broadcast_in_dim3A_131 = vector.shape_cast %broadcast_in_dim3A_8 : vector<16xi32> to vector<16x1xi32>
      %gather3A_132 = vector.shape_cast %broadcast_in_dim3A_131 : vector<16x1xi32> to vector<16xi32>
      %gather3A_133 = tpu.dynamic_gather %get3A_5[%gather3A_132] in [0] : vector<16xf32>, vector<16xi32> -> vector<16xf32>
      %broadcast_in_dim3A_134 = vector.shape_cast %broadcast_in_dim3A_8 : vector<16xi32> to vector<16x1xi32>
      %gather3A_135 = vector.shape_cast %broadcast_in_dim3A_134 : vector<16x1xi32> to vector<16xi32>
      %gather3A_136 = tpu.dynamic_gather %get3A_5[%gather3A_135] in [0] : vector<16xf32>, vector<16xi32> -> vector<16xf32>
      %broadcast_in_dim3A_137 = vector.shape_cast %broadcast_in_dim3A_8 : vector<16xi32> to vector<16x1xi32>
      %gather3A_138 = vector.shape_cast %broadcast_in_dim3A_137 : vector<16x1xi32> to vector<16xi32>
      %gather3A_139 = tpu.dynamic_gather %get3A_5[%gather3A_138] in [0] : vector<16xf32>, vector<16xi32> -> vector<16xf32>
      %broadcast_in_dim3A_140 = vector.shape_cast %broadcast_in_dim3A_8 : vector<16xi32> to vector<16x1xi32>
      %gather3A_141 = vector.shape_cast %broadcast_in_dim3A_140 : vector<16x1xi32> to vector<16xi32>
      %gather3A_142 = tpu.dynamic_gather %get3A_5[%gather3A_141] in [0] : vector<16xf32>, vector<16xi32> -> vector<16xf32>
      %broadcast_in_dim3A_143 = vector.shape_cast %broadcast_in_dim3A_8 : vector<16xi32> to vector<16x1xi32>
      %gather3A_144 = vector.shape_cast %broadcast_in_dim3A_143 : vector<16x1xi32> to vector<16xi32>
      %gather3A_145 = tpu.dynamic_gather %get3A_5[%gather3A_144] in [0] : vector<16xf32>, vector<16xi32> -> vector<16xf32>
      %broadcast_in_dim3A_146 = vector.shape_cast %broadcast_in_dim3A_8 : vector<16xi32> to vector<16x1xi32>
      %gather3A_147 = vector.shape_cast %broadcast_in_dim3A_146 : vector<16x1xi32> to vector<16xi32>
      %gather3A_148 = tpu.dynamic_gather %get3A_5[%gather3A_147] in [0] : vector<16xf32>, vector<16xi32> -> vector<16xf32>
      %broadcast_in_dim3A_149 = vector.shape_cast %broadcast_in_dim3A_8 : vector<16xi32> to vector<16x1xi32>
      %gather3A_150 = vector.shape_cast %broadcast_in_dim3A_149 : vector<16x1xi32> to vector<16xi32>
      %gather3A_151 = tpu.dynamic_gather %get3A_5[%gather3A_150] in [0] : vector<16xf32>, vector<16xi32> -> vector<16xf32>
      %broadcast_in_dim3A_152 = vector.shape_cast %broadcast_in_dim3A_8 : vector<16xi32> to vector<16x1xi32>
      %gather3A_153 = vector.shape_cast %broadcast_in_dim3A_152 : vector<16x1xi32> to vector<16xi32>
      %gather3A_154 = tpu.dynamic_gather %get3A_5[%gather3A_153] in [0] : vector<16xf32>, vector<16xi32> -> vector<16xf32>
      %broadcast_in_dim3A_155 = vector.shape_cast %broadcast_in_dim3A_8 : vector<16xi32> to vector<16x1xi32>
      %gather3A_156 = vector.shape_cast %broadcast_in_dim3A_155 : vector<16x1xi32> to vector<16xi32>
      %gather3A_157 = tpu.dynamic_gather %get3A_5[%gather3A_156] in [0] : vector<16xf32>, vector<16xi32> -> vector<16xf32>
      %broadcast_in_dim3A_158 = vector.shape_cast %broadcast_in_dim3A_8 : vector<16xi32> to vector<16x1xi32>
      %gather3A_159 = vector.shape_cast %broadcast_in_dim3A_158 : vector<16x1xi32> to vector<16xi32>
      %gather3A_160 = tpu.dynamic_gather %get3A_5[%gather3A_159] in [0] : vector<16xf32>, vector<16xi32> -> vector<16xf32>
      %broadcast_in_dim3A_161 = vector.shape_cast %broadcast_in_dim3A_8 : vector<16xi32> to vector<16x1xi32>
      %gather3A_162 = vector.shape_cast %broadcast_in_dim3A_161 : vector<16x1xi32> to vector<16xi32>
      %gather3A_163 = tpu.dynamic_gather %get3A_5[%gather3A_162] in [0] : vector<16xf32>, vector<16xi32> -> vector<16xf32>
      %broadcast_in_dim3A_164 = vector.shape_cast %broadcast_in_dim3A_8 : vector<16xi32> to vector<16x1xi32>
      %gather3A_165 = vector.shape_cast %broadcast_in_dim3A_164 : vector<16x1xi32> to vector<16xi32>
      %gather3A_166 = tpu.dynamic_gather %get3A_5[%gather3A_165] in [0] : vector<16xf32>, vector<16xi32> -> vector<16xf32>
      %broadcast_in_dim3A_167 = vector.shape_cast %broadcast_in_dim3A_8 : vector<16xi32> to vector<16x1xi32>
      %gather3A_168 = vector.shape_cast %broadcast_in_dim3A_167 : vector<16x1xi32> to vector<16xi32>
      %gather3A_169 = tpu.dynamic_gather %get3A_5[%gather3A_168] in [0] : vector<16xf32>, vector<16xi32> -> vector<16xf32>
      %add3A_170 = arith.addi %broadcast_in_dim3A_8, %broadcast_in_dim3A_8 : vector<16xi32>
      %le3A = arith.cmpf ole, %gather3A_130, %get3A_76 : vector<16xf32>
      %convert_element_type3A = arith.extui %le3A : vector<16xi1> to vector<16xi32>
      %add3A_171 = arith.addi %add3A_170, %convert_element_type3A : vector<16xi32>
      %add3A_172 = arith.addi %broadcast_in_dim3A_8, %broadcast_in_dim3A_8 : vector<16xi32>
      %le3A_173 = arith.cmpf ole, %gather3A_133, %get3A_80 : vector<16xf32>
      %convert_element_type3A_174 = arith.extui %le3A_173 : vector<16xi1> to vector<16xi32>
      %add3A_175 = arith.addi %add3A_172, %convert_element_type3A_174 : vector<16xi32>
      %add3A_176 = arith.addi %broadcast_in_dim3A_8, %broadcast_in_dim3A_8 : vector<16xi32>
      %le3A_177 = arith.cmpf ole, %gather3A_136, %get3A_84 : vector<16xf32>
      %convert_element_type3A_178 = arith.extui %le3A_177 : vector<16xi1> to vector<16xi32>
      %add3A_179 = arith.addi %add3A_176, %convert_element_type3A_178 : vector<16xi32>
      %add3A_180 = arith.addi %broadcast_in_dim3A_8, %broadcast_in_dim3A_8 : vector<16xi32>
      %le3A_181 = arith.cmpf ole, %gather3A_139, %get3A_88 : vector<16xf32>
      %convert_element_type3A_182 = arith.extui %le3A_181 : vector<16xi1> to vector<16xi32>
      %add3A_183 = arith.addi %add3A_180, %convert_element_type3A_182 : vector<16xi32>
      %add3A_184 = arith.addi %broadcast_in_dim3A_8, %broadcast_in_dim3A_8 : vector<16xi32>
      %le3A_185 = arith.cmpf ole, %gather3A_142, %get3A_92 : vector<16xf32>
      %convert_element_type3A_186 = arith.extui %le3A_185 : vector<16xi1> to vector<16xi32>
      %add3A_187 = arith.addi %add3A_184, %convert_element_type3A_186 : vector<16xi32>
      %add3A_188 = arith.addi %broadcast_in_dim3A_8, %broadcast_in_dim3A_8 : vector<16xi32>
      %le3A_189 = arith.cmpf ole, %gather3A_145, %get3A_96 : vector<16xf32>
      %convert_element_type3A_190 = arith.extui %le3A_189 : vector<16xi1> to vector<16xi32>
      %add3A_191 = arith.addi %add3A_188, %convert_element_type3A_190 : vector<16xi32>
      %add3A_192 = arith.addi %broadcast_in_dim3A_8, %broadcast_in_dim3A_8 : vector<16xi32>
      %le3A_193 = arith.cmpf ole, %gather3A_148, %get3A_100 : vector<16xf32>
      %convert_element_type3A_194 = arith.extui %le3A_193 : vector<16xi1> to vector<16xi32>
      %add3A_195 = arith.addi %add3A_192, %convert_element_type3A_194 : vector<16xi32>
      %add3A_196 = arith.addi %broadcast_in_dim3A_8, %broadcast_in_dim3A_8 : vector<16xi32>
      %le3A_197 = arith.cmpf ole, %gather3A_151, %get3A_104 : vector<16xf32>
      %convert_element_type3A_198 = arith.extui %le3A_197 : vector<16xi1> to vector<16xi32>
      %add3A_199 = arith.addi %add3A_196, %convert_element_type3A_198 : vector<16xi32>
      %add3A_200 = arith.addi %broadcast_in_dim3A_8, %broadcast_in_dim3A_8 : vector<16xi32>
      %le3A_201 = arith.cmpf ole, %gather3A_154, %get3A_108 : vector<16xf32>
      %convert_element_type3A_202 = arith.extui %le3A_201 : vector<16xi1> to vector<16xi32>
      %add3A_203 = arith.addi %add3A_200, %convert_element_type3A_202 : vector<16xi32>
      %add3A_204 = arith.addi %broadcast_in_dim3A_8, %broadcast_in_dim3A_8 : vector<16xi32>
      %le3A_205 = arith.cmpf ole, %gather3A_157, %get3A_112 : vector<16xf32>
      %convert_element_type3A_206 = arith.extui %le3A_205 : vector<16xi1> to vector<16xi32>
      %add3A_207 = arith.addi %add3A_204, %convert_element_type3A_206 : vector<16xi32>
      %add3A_208 = arith.addi %broadcast_in_dim3A_8, %broadcast_in_dim3A_8 : vector<16xi32>
      %le3A_209 = arith.cmpf ole, %gather3A_160, %get3A_116 : vector<16xf32>
      %convert_element_type3A_210 = arith.extui %le3A_209 : vector<16xi1> to vector<16xi32>
      %add3A_211 = arith.addi %add3A_208, %convert_element_type3A_210 : vector<16xi32>
      %add3A_212 = arith.addi %broadcast_in_dim3A_8, %broadcast_in_dim3A_8 : vector<16xi32>
      %le3A_213 = arith.cmpf ole, %gather3A_163, %get3A_120 : vector<16xf32>
      %convert_element_type3A_214 = arith.extui %le3A_213 : vector<16xi1> to vector<16xi32>
      %add3A_215 = arith.addi %add3A_212, %convert_element_type3A_214 : vector<16xi32>
      %add3A_216 = arith.addi %broadcast_in_dim3A_8, %broadcast_in_dim3A_8 : vector<16xi32>
      %le3A_217 = arith.cmpf ole, %gather3A_166, %get3A_124 : vector<16xf32>
      %convert_element_type3A_218 = arith.extui %le3A_217 : vector<16xi1> to vector<16xi32>
      %add3A_219 = arith.addi %add3A_216, %convert_element_type3A_218 : vector<16xi32>
      %add3A_220 = arith.addi %broadcast_in_dim3A_8, %broadcast_in_dim3A_8 : vector<16xi32>
      %le3A_221 = arith.cmpf ole, %gather3A_169, %get3A_128 : vector<16xf32>
      %convert_element_type3A_222 = arith.extui %le3A_221 : vector<16xi1> to vector<16xi32>
      %add3A_223 = arith.addi %add3A_220, %convert_element_type3A_222 : vector<16xi32>
      %broadcast_in_dim3A_224 = vector.shape_cast %add3A_171 : vector<16xi32> to vector<16x1xi32>
      %gather3A_225 = vector.shape_cast %broadcast_in_dim3A_224 : vector<16x1xi32> to vector<16xi32>
      %gather3A_226 = tpu.dynamic_gather %get3A_5[%gather3A_225] in [0] : vector<16xf32>, vector<16xi32> -> vector<16xf32>
      %broadcast_in_dim3A_227 = vector.shape_cast %add3A_175 : vector<16xi32> to vector<16x1xi32>
      %gather3A_228 = vector.shape_cast %broadcast_in_dim3A_227 : vector<16x1xi32> to vector<16xi32>
      %gather3A_229 = tpu.dynamic_gather %get3A_5[%gather3A_228] in [0] : vector<16xf32>, vector<16xi32> -> vector<16xf32>
      %broadcast_in_dim3A_230 = vector.shape_cast %add3A_179 : vector<16xi32> to vector<16x1xi32>
      %gather3A_231 = vector.shape_cast %broadcast_in_dim3A_230 : vector<16x1xi32> to vector<16xi32>
      %gather3A_232 = tpu.dynamic_gather %get3A_5[%gather3A_231] in [0] : vector<16xf32>, vector<16xi32> -> vector<16xf32>
      %broadcast_in_dim3A_233 = vector.shape_cast %add3A_183 : vector<16xi32> to vector<16x1xi32>
      %gather3A_234 = vector.shape_cast %broadcast_in_dim3A_233 : vector<16x1xi32> to vector<16xi32>
      %gather3A_235 = tpu.dynamic_gather %get3A_5[%gather3A_234] in [0] : vector<16xf32>, vector<16xi32> -> vector<16xf32>
      %broadcast_in_dim3A_236 = vector.shape_cast %add3A_187 : vector<16xi32> to vector<16x1xi32>
      %gather3A_237 = vector.shape_cast %broadcast_in_dim3A_236 : vector<16x1xi32> to vector<16xi32>
      %gather3A_238 = tpu.dynamic_gather %get3A_5[%gather3A_237] in [0] : vector<16xf32>, vector<16xi32> -> vector<16xf32>
      %broadcast_in_dim3A_239 = vector.shape_cast %add3A_191 : vector<16xi32> to vector<16x1xi32>
      %gather3A_240 = vector.shape_cast %broadcast_in_dim3A_239 : vector<16x1xi32> to vector<16xi32>
      %gather3A_241 = tpu.dynamic_gather %get3A_5[%gather3A_240] in [0] : vector<16xf32>, vector<16xi32> -> vector<16xf32>
      %broadcast_in_dim3A_242 = vector.shape_cast %add3A_195 : vector<16xi32> to vector<16x1xi32>
      %gather3A_243 = vector.shape_cast %broadcast_in_dim3A_242 : vector<16x1xi32> to vector<16xi32>
      %gather3A_244 = tpu.dynamic_gather %get3A_5[%gather3A_243] in [0] : vector<16xf32>, vector<16xi32> -> vector<16xf32>
      %broadcast_in_dim3A_245 = vector.shape_cast %add3A_199 : vector<16xi32> to vector<16x1xi32>
      %gather3A_246 = vector.shape_cast %broadcast_in_dim3A_245 : vector<16x1xi32> to vector<16xi32>
      %gather3A_247 = tpu.dynamic_gather %get3A_5[%gather3A_246] in [0] : vector<16xf32>, vector<16xi32> -> vector<16xf32>
      %broadcast_in_dim3A_248 = vector.shape_cast %add3A_203 : vector<16xi32> to vector<16x1xi32>
      %gather3A_249 = vector.shape_cast %broadcast_in_dim3A_248 : vector<16x1xi32> to vector<16xi32>
      %gather3A_250 = tpu.dynamic_gather %get3A_5[%gather3A_249] in [0] : vector<16xf32>, vector<16xi32> -> vector<16xf32>
      %broadcast_in_dim3A_251 = vector.shape_cast %add3A_207 : vector<16xi32> to vector<16x1xi32>
      %gather3A_252 = vector.shape_cast %broadcast_in_dim3A_251 : vector<16x1xi32> to vector<16xi32>
      %gather3A_253 = tpu.dynamic_gather %get3A_5[%gather3A_252] in [0] : vector<16xf32>, vector<16xi32> -> vector<16xf32>
      %broadcast_in_dim3A_254 = vector.shape_cast %add3A_211 : vector<16xi32> to vector<16x1xi32>
      %gather3A_255 = vector.shape_cast %broadcast_in_dim3A_254 : vector<16x1xi32> to vector<16xi32>
      %gather3A_256 = tpu.dynamic_gather %get3A_5[%gather3A_255] in [0] : vector<16xf32>, vector<16xi32> -> vector<16xf32>
      %broadcast_in_dim3A_257 = vector.shape_cast %add3A_215 : vector<16xi32> to vector<16x1xi32>
      %gather3A_258 = vector.shape_cast %broadcast_in_dim3A_257 : vector<16x1xi32> to vector<16xi32>
      %gather3A_259 = tpu.dynamic_gather %get3A_5[%gather3A_258] in [0] : vector<16xf32>, vector<16xi32> -> vector<16xf32>
      %broadcast_in_dim3A_260 = vector.shape_cast %add3A_219 : vector<16xi32> to vector<16x1xi32>
      %gather3A_261 = vector.shape_cast %broadcast_in_dim3A_260 : vector<16x1xi32> to vector<16xi32>
      %gather3A_262 = tpu.dynamic_gather %get3A_5[%gather3A_261] in [0] : vector<16xf32>, vector<16xi32> -> vector<16xf32>
      %broadcast_in_dim3A_263 = vector.shape_cast %add3A_223 : vector<16xi32> to vector<16x1xi32>
      %gather3A_264 = vector.shape_cast %broadcast_in_dim3A_263 : vector<16x1xi32> to vector<16xi32>
      %gather3A_265 = tpu.dynamic_gather %get3A_5[%gather3A_264] in [0] : vector<16xf32>, vector<16xi32> -> vector<16xf32>
      %add3A_266 = arith.addi %add3A_171, %add3A_171 : vector<16xi32>
      %le3A_267 = arith.cmpf ole, %gather3A_226, %get3A_76 : vector<16xf32>
      %convert_element_type3A_268 = arith.extui %le3A_267 : vector<16xi1> to vector<16xi32>
      %add3A_269 = arith.addi %add3A_266, %convert_element_type3A_268 : vector<16xi32>
      %add3A_270 = arith.addi %add3A_175, %add3A_175 : vector<16xi32>
      %le3A_271 = arith.cmpf ole, %gather3A_229, %get3A_80 : vector<16xf32>
      %convert_element_type3A_272 = arith.extui %le3A_271 : vector<16xi1> to vector<16xi32>
      %add3A_273 = arith.addi %add3A_270, %convert_element_type3A_272 : vector<16xi32>
      %add3A_274 = arith.addi %add3A_179, %add3A_179 : vector<16xi32>
      %le3A_275 = arith.cmpf ole, %gather3A_232, %get3A_84 : vector<16xf32>
      %convert_element_type3A_276 = arith.extui %le3A_275 : vector<16xi1> to vector<16xi32>
      %add3A_277 = arith.addi %add3A_274, %convert_element_type3A_276 : vector<16xi32>
      %add3A_278 = arith.addi %add3A_183, %add3A_183 : vector<16xi32>
      %le3A_279 = arith.cmpf ole, %gather3A_235, %get3A_88 : vector<16xf32>
      %convert_element_type3A_280 = arith.extui %le3A_279 : vector<16xi1> to vector<16xi32>
      %add3A_281 = arith.addi %add3A_278, %convert_element_type3A_280 : vector<16xi32>
      %add3A_282 = arith.addi %add3A_187, %add3A_187 : vector<16xi32>
      %le3A_283 = arith.cmpf ole, %gather3A_238, %get3A_92 : vector<16xf32>
      %convert_element_type3A_284 = arith.extui %le3A_283 : vector<16xi1> to vector<16xi32>
      %add3A_285 = arith.addi %add3A_282, %convert_element_type3A_284 : vector<16xi32>
      %add3A_286 = arith.addi %add3A_191, %add3A_191 : vector<16xi32>
      %le3A_287 = arith.cmpf ole, %gather3A_241, %get3A_96 : vector<16xf32>
      %convert_element_type3A_288 = arith.extui %le3A_287 : vector<16xi1> to vector<16xi32>
      %add3A_289 = arith.addi %add3A_286, %convert_element_type3A_288 : vector<16xi32>
      %add3A_290 = arith.addi %add3A_195, %add3A_195 : vector<16xi32>
      %le3A_291 = arith.cmpf ole, %gather3A_244, %get3A_100 : vector<16xf32>
      %convert_element_type3A_292 = arith.extui %le3A_291 : vector<16xi1> to vector<16xi32>
      %add3A_293 = arith.addi %add3A_290, %convert_element_type3A_292 : vector<16xi32>
      %add3A_294 = arith.addi %add3A_199, %add3A_199 : vector<16xi32>
      %le3A_295 = arith.cmpf ole, %gather3A_247, %get3A_104 : vector<16xf32>
      %convert_element_type3A_296 = arith.extui %le3A_295 : vector<16xi1> to vector<16xi32>
      %add3A_297 = arith.addi %add3A_294, %convert_element_type3A_296 : vector<16xi32>
      %add3A_298 = arith.addi %add3A_203, %add3A_203 : vector<16xi32>
      %le3A_299 = arith.cmpf ole, %gather3A_250, %get3A_108 : vector<16xf32>
      %convert_element_type3A_300 = arith.extui %le3A_299 : vector<16xi1> to vector<16xi32>
      %add3A_301 = arith.addi %add3A_298, %convert_element_type3A_300 : vector<16xi32>
      %add3A_302 = arith.addi %add3A_207, %add3A_207 : vector<16xi32>
      %le3A_303 = arith.cmpf ole, %gather3A_253, %get3A_112 : vector<16xf32>
      %convert_element_type3A_304 = arith.extui %le3A_303 : vector<16xi1> to vector<16xi32>
      %add3A_305 = arith.addi %add3A_302, %convert_element_type3A_304 : vector<16xi32>
      %add3A_306 = arith.addi %add3A_211, %add3A_211 : vector<16xi32>
      %le3A_307 = arith.cmpf ole, %gather3A_256, %get3A_116 : vector<16xf32>
      %convert_element_type3A_308 = arith.extui %le3A_307 : vector<16xi1> to vector<16xi32>
      %add3A_309 = arith.addi %add3A_306, %convert_element_type3A_308 : vector<16xi32>
      %add3A_310 = arith.addi %add3A_215, %add3A_215 : vector<16xi32>
      %le3A_311 = arith.cmpf ole, %gather3A_259, %get3A_120 : vector<16xf32>
      %convert_element_type3A_312 = arith.extui %le3A_311 : vector<16xi1> to vector<16xi32>
      %add3A_313 = arith.addi %add3A_310, %convert_element_type3A_312 : vector<16xi32>
      %add3A_314 = arith.addi %add3A_219, %add3A_219 : vector<16xi32>
      %le3A_315 = arith.cmpf ole, %gather3A_262, %get3A_124 : vector<16xf32>
      %convert_element_type3A_316 = arith.extui %le3A_315 : vector<16xi1> to vector<16xi32>
      %add3A_317 = arith.addi %add3A_314, %convert_element_type3A_316 : vector<16xi32>
      %add3A_318 = arith.addi %add3A_223, %add3A_223 : vector<16xi32>
      %le3A_319 = arith.cmpf ole, %gather3A_265, %get3A_128 : vector<16xf32>
      %convert_element_type3A_320 = arith.extui %le3A_319 : vector<16xi1> to vector<16xi32>
      %add3A_321 = arith.addi %add3A_318, %convert_element_type3A_320 : vector<16xi32>
      %broadcast_in_dim3A_322 = vector.shape_cast %add3A_269 : vector<16xi32> to vector<16x1xi32>
      %gather3A_323 = vector.shape_cast %broadcast_in_dim3A_322 : vector<16x1xi32> to vector<16xi32>
      %gather3A_324 = tpu.dynamic_gather %get3A_5[%gather3A_323] in [0] : vector<16xf32>, vector<16xi32> -> vector<16xf32>
      %broadcast_in_dim3A_325 = vector.shape_cast %add3A_273 : vector<16xi32> to vector<16x1xi32>
      %gather3A_326 = vector.shape_cast %broadcast_in_dim3A_325 : vector<16x1xi32> to vector<16xi32>
      %gather3A_327 = tpu.dynamic_gather %get3A_5[%gather3A_326] in [0] : vector<16xf32>, vector<16xi32> -> vector<16xf32>
      %broadcast_in_dim3A_328 = vector.shape_cast %add3A_277 : vector<16xi32> to vector<16x1xi32>
      %gather3A_329 = vector.shape_cast %broadcast_in_dim3A_328 : vector<16x1xi32> to vector<16xi32>
      %gather3A_330 = tpu.dynamic_gather %get3A_5[%gather3A_329] in [0] : vector<16xf32>, vector<16xi32> -> vector<16xf32>
      %broadcast_in_dim3A_331 = vector.shape_cast %add3A_281 : vector<16xi32> to vector<16x1xi32>
      %gather3A_332 = vector.shape_cast %broadcast_in_dim3A_331 : vector<16x1xi32> to vector<16xi32>
      %gather3A_333 = tpu.dynamic_gather %get3A_5[%gather3A_332] in [0] : vector<16xf32>, vector<16xi32> -> vector<16xf32>
      %broadcast_in_dim3A_334 = vector.shape_cast %add3A_285 : vector<16xi32> to vector<16x1xi32>
      %gather3A_335 = vector.shape_cast %broadcast_in_dim3A_334 : vector<16x1xi32> to vector<16xi32>
      %gather3A_336 = tpu.dynamic_gather %get3A_5[%gather3A_335] in [0] : vector<16xf32>, vector<16xi32> -> vector<16xf32>
      %broadcast_in_dim3A_337 = vector.shape_cast %add3A_289 : vector<16xi32> to vector<16x1xi32>
      %gather3A_338 = vector.shape_cast %broadcast_in_dim3A_337 : vector<16x1xi32> to vector<16xi32>
      %gather3A_339 = tpu.dynamic_gather %get3A_5[%gather3A_338] in [0] : vector<16xf32>, vector<16xi32> -> vector<16xf32>
      %broadcast_in_dim3A_340 = vector.shape_cast %add3A_293 : vector<16xi32> to vector<16x1xi32>
      %gather3A_341 = vector.shape_cast %broadcast_in_dim3A_340 : vector<16x1xi32> to vector<16xi32>
      %gather3A_342 = tpu.dynamic_gather %get3A_5[%gather3A_341] in [0] : vector<16xf32>, vector<16xi32> -> vector<16xf32>
      %broadcast_in_dim3A_343 = vector.shape_cast %add3A_297 : vector<16xi32> to vector<16x1xi32>
      %gather3A_344 = vector.shape_cast %broadcast_in_dim3A_343 : vector<16x1xi32> to vector<16xi32>
      %gather3A_345 = tpu.dynamic_gather %get3A_5[%gather3A_344] in [0] : vector<16xf32>, vector<16xi32> -> vector<16xf32>
      %broadcast_in_dim3A_346 = vector.shape_cast %add3A_301 : vector<16xi32> to vector<16x1xi32>
      %gather3A_347 = vector.shape_cast %broadcast_in_dim3A_346 : vector<16x1xi32> to vector<16xi32>
      %gather3A_348 = tpu.dynamic_gather %get3A_5[%gather3A_347] in [0] : vector<16xf32>, vector<16xi32> -> vector<16xf32>
      %broadcast_in_dim3A_349 = vector.shape_cast %add3A_305 : vector<16xi32> to vector<16x1xi32>
      %gather3A_350 = vector.shape_cast %broadcast_in_dim3A_349 : vector<16x1xi32> to vector<16xi32>
      %gather3A_351 = tpu.dynamic_gather %get3A_5[%gather3A_350] in [0] : vector<16xf32>, vector<16xi32> -> vector<16xf32>
      %broadcast_in_dim3A_352 = vector.shape_cast %add3A_309 : vector<16xi32> to vector<16x1xi32>
      %gather3A_353 = vector.shape_cast %broadcast_in_dim3A_352 : vector<16x1xi32> to vector<16xi32>
      %gather3A_354 = tpu.dynamic_gather %get3A_5[%gather3A_353] in [0] : vector<16xf32>, vector<16xi32> -> vector<16xf32>
      %broadcast_in_dim3A_355 = vector.shape_cast %add3A_313 : vector<16xi32> to vector<16x1xi32>
      %gather3A_356 = vector.shape_cast %broadcast_in_dim3A_355 : vector<16x1xi32> to vector<16xi32>
      %gather3A_357 = tpu.dynamic_gather %get3A_5[%gather3A_356] in [0] : vector<16xf32>, vector<16xi32> -> vector<16xf32>
      %broadcast_in_dim3A_358 = vector.shape_cast %add3A_317 : vector<16xi32> to vector<16x1xi32>
      %gather3A_359 = vector.shape_cast %broadcast_in_dim3A_358 : vector<16x1xi32> to vector<16xi32>
      %gather3A_360 = tpu.dynamic_gather %get3A_5[%gather3A_359] in [0] : vector<16xf32>, vector<16xi32> -> vector<16xf32>
      %broadcast_in_dim3A_361 = vector.shape_cast %add3A_321 : vector<16xi32> to vector<16x1xi32>
      %gather3A_362 = vector.shape_cast %broadcast_in_dim3A_361 : vector<16x1xi32> to vector<16xi32>
      %gather3A_363 = tpu.dynamic_gather %get3A_5[%gather3A_362] in [0] : vector<16xf32>, vector<16xi32> -> vector<16xf32>
      %add3A_364 = arith.addi %add3A_269, %add3A_269 : vector<16xi32>
      %le3A_365 = arith.cmpf ole, %gather3A_324, %get3A_76 : vector<16xf32>
      %convert_element_type3A_366 = arith.extui %le3A_365 : vector<16xi1> to vector<16xi32>
      %add3A_367 = arith.addi %add3A_364, %convert_element_type3A_366 : vector<16xi32>
      %add3A_368 = arith.addi %add3A_273, %add3A_273 : vector<16xi32>
      %le3A_369 = arith.cmpf ole, %gather3A_327, %get3A_80 : vector<16xf32>
      %convert_element_type3A_370 = arith.extui %le3A_369 : vector<16xi1> to vector<16xi32>
      %add3A_371 = arith.addi %add3A_368, %convert_element_type3A_370 : vector<16xi32>
      %add3A_372 = arith.addi %add3A_277, %add3A_277 : vector<16xi32>
      %le3A_373 = arith.cmpf ole, %gather3A_330, %get3A_84 : vector<16xf32>
      %convert_element_type3A_374 = arith.extui %le3A_373 : vector<16xi1> to vector<16xi32>
      %add3A_375 = arith.addi %add3A_372, %convert_element_type3A_374 : vector<16xi32>
      %add3A_376 = arith.addi %add3A_281, %add3A_281 : vector<16xi32>
      %le3A_377 = arith.cmpf ole, %gather3A_333, %get3A_88 : vector<16xf32>
      %convert_element_type3A_378 = arith.extui %le3A_377 : vector<16xi1> to vector<16xi32>
      %add3A_379 = arith.addi %add3A_376, %convert_element_type3A_378 : vector<16xi32>
      %add3A_380 = arith.addi %add3A_285, %add3A_285 : vector<16xi32>
      %le3A_381 = arith.cmpf ole, %gather3A_336, %get3A_92 : vector<16xf32>
      %convert_element_type3A_382 = arith.extui %le3A_381 : vector<16xi1> to vector<16xi32>
      %add3A_383 = arith.addi %add3A_380, %convert_element_type3A_382 : vector<16xi32>
      %add3A_384 = arith.addi %add3A_289, %add3A_289 : vector<16xi32>
      %le3A_385 = arith.cmpf ole, %gather3A_339, %get3A_96 : vector<16xf32>
      %convert_element_type3A_386 = arith.extui %le3A_385 : vector<16xi1> to vector<16xi32>
      %add3A_387 = arith.addi %add3A_384, %convert_element_type3A_386 : vector<16xi32>
      %add3A_388 = arith.addi %add3A_293, %add3A_293 : vector<16xi32>
      %le3A_389 = arith.cmpf ole, %gather3A_342, %get3A_100 : vector<16xf32>
      %convert_element_type3A_390 = arith.extui %le3A_389 : vector<16xi1> to vector<16xi32>
      %add3A_391 = arith.addi %add3A_388, %convert_element_type3A_390 : vector<16xi32>
      %add3A_392 = arith.addi %add3A_297, %add3A_297 : vector<16xi32>
      %le3A_393 = arith.cmpf ole, %gather3A_345, %get3A_104 : vector<16xf32>
      %convert_element_type3A_394 = arith.extui %le3A_393 : vector<16xi1> to vector<16xi32>
      %add3A_395 = arith.addi %add3A_392, %convert_element_type3A_394 : vector<16xi32>
      %add3A_396 = arith.addi %add3A_301, %add3A_301 : vector<16xi32>
      %le3A_397 = arith.cmpf ole, %gather3A_348, %get3A_108 : vector<16xf32>
      %convert_element_type3A_398 = arith.extui %le3A_397 : vector<16xi1> to vector<16xi32>
      %add3A_399 = arith.addi %add3A_396, %convert_element_type3A_398 : vector<16xi32>
      %add3A_400 = arith.addi %add3A_305, %add3A_305 : vector<16xi32>
      %le3A_401 = arith.cmpf ole, %gather3A_351, %get3A_112 : vector<16xf32>
      %convert_element_type3A_402 = arith.extui %le3A_401 : vector<16xi1> to vector<16xi32>
      %add3A_403 = arith.addi %add3A_400, %convert_element_type3A_402 : vector<16xi32>
      %add3A_404 = arith.addi %add3A_309, %add3A_309 : vector<16xi32>
      %le3A_405 = arith.cmpf ole, %gather3A_354, %get3A_116 : vector<16xf32>
      %convert_element_type3A_406 = arith.extui %le3A_405 : vector<16xi1> to vector<16xi32>
      %add3A_407 = arith.addi %add3A_404, %convert_element_type3A_406 : vector<16xi32>
      %add3A_408 = arith.addi %add3A_313, %add3A_313 : vector<16xi32>
      %le3A_409 = arith.cmpf ole, %gather3A_357, %get3A_120 : vector<16xf32>
      %convert_element_type3A_410 = arith.extui %le3A_409 : vector<16xi1> to vector<16xi32>
      %add3A_411 = arith.addi %add3A_408, %convert_element_type3A_410 : vector<16xi32>
      %add3A_412 = arith.addi %add3A_317, %add3A_317 : vector<16xi32>
      %le3A_413 = arith.cmpf ole, %gather3A_360, %get3A_124 : vector<16xf32>
      %convert_element_type3A_414 = arith.extui %le3A_413 : vector<16xi1> to vector<16xi32>
      %add3A_415 = arith.addi %add3A_412, %convert_element_type3A_414 : vector<16xi32>
      %add3A_416 = arith.addi %add3A_321, %add3A_321 : vector<16xi32>
      %le3A_417 = arith.cmpf ole, %gather3A_363, %get3A_128 : vector<16xf32>
      %convert_element_type3A_418 = arith.extui %le3A_417 : vector<16xi1> to vector<16xi32>
      %add3A_419 = arith.addi %add3A_416, %convert_element_type3A_418 : vector<16xi32>
      %broadcast_in_dim3A_420 = vector.shape_cast %add3A_367 : vector<16xi32> to vector<16x1xi32>
      %gather3A_421 = vector.shape_cast %broadcast_in_dim3A_420 : vector<16x1xi32> to vector<16xi32>
      %gather3A_422 = tpu.dynamic_gather %get3A_5[%gather3A_421] in [0] : vector<16xf32>, vector<16xi32> -> vector<16xf32>
      %broadcast_in_dim3A_423 = vector.shape_cast %add3A_371 : vector<16xi32> to vector<16x1xi32>
      %gather3A_424 = vector.shape_cast %broadcast_in_dim3A_423 : vector<16x1xi32> to vector<16xi32>
      %gather3A_425 = tpu.dynamic_gather %get3A_5[%gather3A_424] in [0] : vector<16xf32>, vector<16xi32> -> vector<16xf32>
      %broadcast_in_dim3A_426 = vector.shape_cast %add3A_375 : vector<16xi32> to vector<16x1xi32>
      %gather3A_427 = vector.shape_cast %broadcast_in_dim3A_426 : vector<16x1xi32> to vector<16xi32>
      %gather3A_428 = tpu.dynamic_gather %get3A_5[%gather3A_427] in [0] : vector<16xf32>, vector<16xi32> -> vector<16xf32>
      %broadcast_in_dim3A_429 = vector.shape_cast %add3A_379 : vector<16xi32> to vector<16x1xi32>
      %gather3A_430 = vector.shape_cast %broadcast_in_dim3A_429 : vector<16x1xi32> to vector<16xi32>
      %gather3A_431 = tpu.dynamic_gather %get3A_5[%gather3A_430] in [0] : vector<16xf32>, vector<16xi32> -> vector<16xf32>
      %broadcast_in_dim3A_432 = vector.shape_cast %add3A_383 : vector<16xi32> to vector<16x1xi32>
      %gather3A_433 = vector.shape_cast %broadcast_in_dim3A_432 : vector<16x1xi32> to vector<16xi32>
      %gather3A_434 = tpu.dynamic_gather %get3A_5[%gather3A_433] in [0] : vector<16xf32>, vector<16xi32> -> vector<16xf32>
      %broadcast_in_dim3A_435 = vector.shape_cast %add3A_387 : vector<16xi32> to vector<16x1xi32>
      %gather3A_436 = vector.shape_cast %broadcast_in_dim3A_435 : vector<16x1xi32> to vector<16xi32>
      %gather3A_437 = tpu.dynamic_gather %get3A_5[%gather3A_436] in [0] : vector<16xf32>, vector<16xi32> -> vector<16xf32>
      %broadcast_in_dim3A_438 = vector.shape_cast %add3A_391 : vector<16xi32> to vector<16x1xi32>
      %gather3A_439 = vector.shape_cast %broadcast_in_dim3A_438 : vector<16x1xi32> to vector<16xi32>
      %gather3A_440 = tpu.dynamic_gather %get3A_5[%gather3A_439] in [0] : vector<16xf32>, vector<16xi32> -> vector<16xf32>
      %broadcast_in_dim3A_441 = vector.shape_cast %add3A_395 : vector<16xi32> to vector<16x1xi32>
      %gather3A_442 = vector.shape_cast %broadcast_in_dim3A_441 : vector<16x1xi32> to vector<16xi32>
      %gather3A_443 = tpu.dynamic_gather %get3A_5[%gather3A_442] in [0] : vector<16xf32>, vector<16xi32> -> vector<16xf32>
      %broadcast_in_dim3A_444 = vector.shape_cast %add3A_399 : vector<16xi32> to vector<16x1xi32>
      %gather3A_445 = vector.shape_cast %broadcast_in_dim3A_444 : vector<16x1xi32> to vector<16xi32>
      %gather3A_446 = tpu.dynamic_gather %get3A_5[%gather3A_445] in [0] : vector<16xf32>, vector<16xi32> -> vector<16xf32>
      %broadcast_in_dim3A_447 = vector.shape_cast %add3A_403 : vector<16xi32> to vector<16x1xi32>
      %gather3A_448 = vector.shape_cast %broadcast_in_dim3A_447 : vector<16x1xi32> to vector<16xi32>
      %gather3A_449 = tpu.dynamic_gather %get3A_5[%gather3A_448] in [0] : vector<16xf32>, vector<16xi32> -> vector<16xf32>
      %broadcast_in_dim3A_450 = vector.shape_cast %add3A_407 : vector<16xi32> to vector<16x1xi32>
      %gather3A_451 = vector.shape_cast %broadcast_in_dim3A_450 : vector<16x1xi32> to vector<16xi32>
      %gather3A_452 = tpu.dynamic_gather %get3A_5[%gather3A_451] in [0] : vector<16xf32>, vector<16xi32> -> vector<16xf32>
      %broadcast_in_dim3A_453 = vector.shape_cast %add3A_411 : vector<16xi32> to vector<16x1xi32>
      %gather3A_454 = vector.shape_cast %broadcast_in_dim3A_453 : vector<16x1xi32> to vector<16xi32>
      %gather3A_455 = tpu.dynamic_gather %get3A_5[%gather3A_454] in [0] : vector<16xf32>, vector<16xi32> -> vector<16xf32>
      %broadcast_in_dim3A_456 = vector.shape_cast %add3A_415 : vector<16xi32> to vector<16x1xi32>
      %gather3A_457 = vector.shape_cast %broadcast_in_dim3A_456 : vector<16x1xi32> to vector<16xi32>
      %gather3A_458 = tpu.dynamic_gather %get3A_5[%gather3A_457] in [0] : vector<16xf32>, vector<16xi32> -> vector<16xf32>
      %broadcast_in_dim3A_459 = vector.shape_cast %add3A_419 : vector<16xi32> to vector<16x1xi32>
      %gather3A_460 = vector.shape_cast %broadcast_in_dim3A_459 : vector<16x1xi32> to vector<16xi32>
      %gather3A_461 = tpu.dynamic_gather %get3A_5[%gather3A_460] in [0] : vector<16xf32>, vector<16xi32> -> vector<16xf32>
      %add3A_462 = arith.addi %add3A_367, %add3A_367 : vector<16xi32>
      %le3A_463 = arith.cmpf ole, %gather3A_422, %get3A_76 : vector<16xf32>
      %convert_element_type3A_464 = arith.extui %le3A_463 : vector<16xi1> to vector<16xi32>
      %add3A_465 = arith.addi %add3A_462, %convert_element_type3A_464 : vector<16xi32>
      %add3A_466 = arith.addi %add3A_371, %add3A_371 : vector<16xi32>
      %le3A_467 = arith.cmpf ole, %gather3A_425, %get3A_80 : vector<16xf32>
      %convert_element_type3A_468 = arith.extui %le3A_467 : vector<16xi1> to vector<16xi32>
      %add3A_469 = arith.addi %add3A_466, %convert_element_type3A_468 : vector<16xi32>
      %add3A_470 = arith.addi %add3A_375, %add3A_375 : vector<16xi32>
      %le3A_471 = arith.cmpf ole, %gather3A_428, %get3A_84 : vector<16xf32>
      %convert_element_type3A_472 = arith.extui %le3A_471 : vector<16xi1> to vector<16xi32>
      %add3A_473 = arith.addi %add3A_470, %convert_element_type3A_472 : vector<16xi32>
      %add3A_474 = arith.addi %add3A_379, %add3A_379 : vector<16xi32>
      %le3A_475 = arith.cmpf ole, %gather3A_431, %get3A_88 : vector<16xf32>
      %convert_element_type3A_476 = arith.extui %le3A_475 : vector<16xi1> to vector<16xi32>
      %add3A_477 = arith.addi %add3A_474, %convert_element_type3A_476 : vector<16xi32>
      %add3A_478 = arith.addi %add3A_383, %add3A_383 : vector<16xi32>
      %le3A_479 = arith.cmpf ole, %gather3A_434, %get3A_92 : vector<16xf32>
      %convert_element_type3A_480 = arith.extui %le3A_479 : vector<16xi1> to vector<16xi32>
      %add3A_481 = arith.addi %add3A_478, %convert_element_type3A_480 : vector<16xi32>
      %add3A_482 = arith.addi %add3A_387, %add3A_387 : vector<16xi32>
      %le3A_483 = arith.cmpf ole, %gather3A_437, %get3A_96 : vector<16xf32>
      %convert_element_type3A_484 = arith.extui %le3A_483 : vector<16xi1> to vector<16xi32>
      %add3A_485 = arith.addi %add3A_482, %convert_element_type3A_484 : vector<16xi32>
      %add3A_486 = arith.addi %add3A_391, %add3A_391 : vector<16xi32>
      %le3A_487 = arith.cmpf ole, %gather3A_440, %get3A_100 : vector<16xf32>
      %convert_element_type3A_488 = arith.extui %le3A_487 : vector<16xi1> to vector<16xi32>
      %add3A_489 = arith.addi %add3A_486, %convert_element_type3A_488 : vector<16xi32>
      %add3A_490 = arith.addi %add3A_395, %add3A_395 : vector<16xi32>
      %le3A_491 = arith.cmpf ole, %gather3A_443, %get3A_104 : vector<16xf32>
      %convert_element_type3A_492 = arith.extui %le3A_491 : vector<16xi1> to vector<16xi32>
      %add3A_493 = arith.addi %add3A_490, %convert_element_type3A_492 : vector<16xi32>
      %add3A_494 = arith.addi %add3A_399, %add3A_399 : vector<16xi32>
      %le3A_495 = arith.cmpf ole, %gather3A_446, %get3A_108 : vector<16xf32>
      %convert_element_type3A_496 = arith.extui %le3A_495 : vector<16xi1> to vector<16xi32>
      %add3A_497 = arith.addi %add3A_494, %convert_element_type3A_496 : vector<16xi32>
      %add3A_498 = arith.addi %add3A_403, %add3A_403 : vector<16xi32>
      %le3A_499 = arith.cmpf ole, %gather3A_449, %get3A_112 : vector<16xf32>
      %convert_element_type3A_500 = arith.extui %le3A_499 : vector<16xi1> to vector<16xi32>
      %add3A_501 = arith.addi %add3A_498, %convert_element_type3A_500 : vector<16xi32>
      %add3A_502 = arith.addi %add3A_407, %add3A_407 : vector<16xi32>
      %le3A_503 = arith.cmpf ole, %gather3A_452, %get3A_116 : vector<16xf32>
      %convert_element_type3A_504 = arith.extui %le3A_503 : vector<16xi1> to vector<16xi32>
      %add3A_505 = arith.addi %add3A_502, %convert_element_type3A_504 : vector<16xi32>
      %add3A_506 = arith.addi %add3A_411, %add3A_411 : vector<16xi32>
      %le3A_507 = arith.cmpf ole, %gather3A_455, %get3A_120 : vector<16xf32>
      %convert_element_type3A_508 = arith.extui %le3A_507 : vector<16xi1> to vector<16xi32>
      %add3A_509 = arith.addi %add3A_506, %convert_element_type3A_508 : vector<16xi32>
      %add3A_510 = arith.addi %add3A_415, %add3A_415 : vector<16xi32>
      %le3A_511 = arith.cmpf ole, %gather3A_458, %get3A_124 : vector<16xf32>
      %convert_element_type3A_512 = arith.extui %le3A_511 : vector<16xi1> to vector<16xi32>
      %add3A_513 = arith.addi %add3A_510, %convert_element_type3A_512 : vector<16xi32>
      %add3A_514 = arith.addi %add3A_419, %add3A_419 : vector<16xi32>
      %le3A_515 = arith.cmpf ole, %gather3A_461, %get3A_128 : vector<16xf32>
      %convert_element_type3A_516 = arith.extui %le3A_515 : vector<16xi1> to vector<16xi32>
      %add3A_517 = arith.addi %add3A_514, %convert_element_type3A_516 : vector<16xi32>
      %sub3A = arith.constant 16 : i32
      %sub3A_518 = vector.broadcast %sub3A : i32 to vector<16xi32>
      %sub3A_519 = arith.subi %add3A_465, %sub3A_518 : vector<16xi32>
      %broadcast_in_dim3A_520 = vector.shape_cast %sub3A_519 : vector<16xi32> to vector<16x1xi32>
      %gather3A_521 = vector.shape_cast %broadcast_in_dim3A_520 : vector<16x1xi32> to vector<16xi32>
      %gather3A_522 = tpu.dynamic_gather %get3A_7[%gather3A_521] in [0] : vector<16xf32>, vector<16xi32> -> vector<16xf32>
      %sub3A_523 = arith.constant 16 : i32
      %sub3A_524 = vector.broadcast %sub3A_523 : i32 to vector<16xi32>
      %sub3A_525 = arith.subi %add3A_469, %sub3A_524 : vector<16xi32>
      %broadcast_in_dim3A_526 = vector.shape_cast %sub3A_525 : vector<16xi32> to vector<16x1xi32>
      %gather3A_527 = vector.shape_cast %broadcast_in_dim3A_526 : vector<16x1xi32> to vector<16xi32>
      %gather3A_528 = tpu.dynamic_gather %get3A_7[%gather3A_527] in [0] : vector<16xf32>, vector<16xi32> -> vector<16xf32>
      %sub3A_529 = arith.constant 16 : i32
      %sub3A_530 = vector.broadcast %sub3A_529 : i32 to vector<16xi32>
      %sub3A_531 = arith.subi %add3A_473, %sub3A_530 : vector<16xi32>
      %broadcast_in_dim3A_532 = vector.shape_cast %sub3A_531 : vector<16xi32> to vector<16x1xi32>
      %gather3A_533 = vector.shape_cast %broadcast_in_dim3A_532 : vector<16x1xi32> to vector<16xi32>
      %gather3A_534 = tpu.dynamic_gather %get3A_7[%gather3A_533] in [0] : vector<16xf32>, vector<16xi32> -> vector<16xf32>
      %sub3A_535 = arith.constant 16 : i32
      %sub3A_536 = vector.broadcast %sub3A_535 : i32 to vector<16xi32>
      %sub3A_537 = arith.subi %add3A_477, %sub3A_536 : vector<16xi32>
      %broadcast_in_dim3A_538 = vector.shape_cast %sub3A_537 : vector<16xi32> to vector<16x1xi32>
      %gather3A_539 = vector.shape_cast %broadcast_in_dim3A_538 : vector<16x1xi32> to vector<16xi32>
      %gather3A_540 = tpu.dynamic_gather %get3A_7[%gather3A_539] in [0] : vector<16xf32>, vector<16xi32> -> vector<16xf32>
      %sub3A_541 = arith.constant 16 : i32
      %sub3A_542 = vector.broadcast %sub3A_541 : i32 to vector<16xi32>
      %sub3A_543 = arith.subi %add3A_481, %sub3A_542 : vector<16xi32>
      %broadcast_in_dim3A_544 = vector.shape_cast %sub3A_543 : vector<16xi32> to vector<16x1xi32>
      %gather3A_545 = vector.shape_cast %broadcast_in_dim3A_544 : vector<16x1xi32> to vector<16xi32>
      %gather3A_546 = tpu.dynamic_gather %get3A_7[%gather3A_545] in [0] : vector<16xf32>, vector<16xi32> -> vector<16xf32>
      %sub3A_547 = arith.constant 16 : i32
      %sub3A_548 = vector.broadcast %sub3A_547 : i32 to vector<16xi32>
      %sub3A_549 = arith.subi %add3A_485, %sub3A_548 : vector<16xi32>
      %broadcast_in_dim3A_550 = vector.shape_cast %sub3A_549 : vector<16xi32> to vector<16x1xi32>
      %gather3A_551 = vector.shape_cast %broadcast_in_dim3A_550 : vector<16x1xi32> to vector<16xi32>
      %gather3A_552 = tpu.dynamic_gather %get3A_7[%gather3A_551] in [0] : vector<16xf32>, vector<16xi32> -> vector<16xf32>
      %sub3A_553 = arith.constant 16 : i32
      %sub3A_554 = vector.broadcast %sub3A_553 : i32 to vector<16xi32>
      %sub3A_555 = arith.subi %add3A_489, %sub3A_554 : vector<16xi32>
      %broadcast_in_dim3A_556 = vector.shape_cast %sub3A_555 : vector<16xi32> to vector<16x1xi32>
      %gather3A_557 = vector.shape_cast %broadcast_in_dim3A_556 : vector<16x1xi32> to vector<16xi32>
      %gather3A_558 = tpu.dynamic_gather %get3A_7[%gather3A_557] in [0] : vector<16xf32>, vector<16xi32> -> vector<16xf32>
      %sub3A_559 = arith.constant 16 : i32
      %sub3A_560 = vector.broadcast %sub3A_559 : i32 to vector<16xi32>
      %sub3A_561 = arith.subi %add3A_493, %sub3A_560 : vector<16xi32>
      %broadcast_in_dim3A_562 = vector.shape_cast %sub3A_561 : vector<16xi32> to vector<16x1xi32>
      %gather3A_563 = vector.shape_cast %broadcast_in_dim3A_562 : vector<16x1xi32> to vector<16xi32>
      %gather3A_564 = tpu.dynamic_gather %get3A_7[%gather3A_563] in [0] : vector<16xf32>, vector<16xi32> -> vector<16xf32>
      %sub3A_565 = arith.constant 16 : i32
      %sub3A_566 = vector.broadcast %sub3A_565 : i32 to vector<16xi32>
      %sub3A_567 = arith.subi %add3A_497, %sub3A_566 : vector<16xi32>
      %broadcast_in_dim3A_568 = vector.shape_cast %sub3A_567 : vector<16xi32> to vector<16x1xi32>
      %gather3A_569 = vector.shape_cast %broadcast_in_dim3A_568 : vector<16x1xi32> to vector<16xi32>
      %gather3A_570 = tpu.dynamic_gather %get3A_7[%gather3A_569] in [0] : vector<16xf32>, vector<16xi32> -> vector<16xf32>
      %sub3A_571 = arith.constant 16 : i32
      %sub3A_572 = vector.broadcast %sub3A_571 : i32 to vector<16xi32>
      %sub3A_573 = arith.subi %add3A_501, %sub3A_572 : vector<16xi32>
      %broadcast_in_dim3A_574 = vector.shape_cast %sub3A_573 : vector<16xi32> to vector<16x1xi32>
      %gather3A_575 = vector.shape_cast %broadcast_in_dim3A_574 : vector<16x1xi32> to vector<16xi32>
      %gather3A_576 = tpu.dynamic_gather %get3A_7[%gather3A_575] in [0] : vector<16xf32>, vector<16xi32> -> vector<16xf32>
      %sub3A_577 = arith.constant 16 : i32
      %sub3A_578 = vector.broadcast %sub3A_577 : i32 to vector<16xi32>
      %sub3A_579 = arith.subi %add3A_505, %sub3A_578 : vector<16xi32>
      %broadcast_in_dim3A_580 = vector.shape_cast %sub3A_579 : vector<16xi32> to vector<16x1xi32>
      %gather3A_581 = vector.shape_cast %broadcast_in_dim3A_580 : vector<16x1xi32> to vector<16xi32>
      %gather3A_582 = tpu.dynamic_gather %get3A_7[%gather3A_581] in [0] : vector<16xf32>, vector<16xi32> -> vector<16xf32>
      %sub3A_583 = arith.constant 16 : i32
      %sub3A_584 = vector.broadcast %sub3A_583 : i32 to vector<16xi32>
      %sub3A_585 = arith.subi %add3A_509, %sub3A_584 : vector<16xi32>
      %broadcast_in_dim3A_586 = vector.shape_cast %sub3A_585 : vector<16xi32> to vector<16x1xi32>
      %gather3A_587 = vector.shape_cast %broadcast_in_dim3A_586 : vector<16x1xi32> to vector<16xi32>
      %gather3A_588 = tpu.dynamic_gather %get3A_7[%gather3A_587] in [0] : vector<16xf32>, vector<16xi32> -> vector<16xf32>
      %sub3A_589 = arith.constant 16 : i32
      %sub3A_590 = vector.broadcast %sub3A_589 : i32 to vector<16xi32>
      %sub3A_591 = arith.subi %add3A_513, %sub3A_590 : vector<16xi32>
      %broadcast_in_dim3A_592 = vector.shape_cast %sub3A_591 : vector<16xi32> to vector<16x1xi32>
      %gather3A_593 = vector.shape_cast %broadcast_in_dim3A_592 : vector<16x1xi32> to vector<16xi32>
      %gather3A_594 = tpu.dynamic_gather %get3A_7[%gather3A_593] in [0] : vector<16xf32>, vector<16xi32> -> vector<16xf32>
      %sub3A_595 = arith.constant 16 : i32
      %sub3A_596 = vector.broadcast %sub3A_595 : i32 to vector<16xi32>
      %sub3A_597 = arith.subi %add3A_517, %sub3A_596 : vector<16xi32>
      %broadcast_in_dim3A_598 = vector.shape_cast %sub3A_597 : vector<16xi32> to vector<16x1xi32>
      %gather3A_599 = vector.shape_cast %broadcast_in_dim3A_598 : vector<16x1xi32> to vector<16xi32>
      %gather3A_600 = tpu.dynamic_gather %get3A_7[%gather3A_599] in [0] : vector<16xf32>, vector<16xi32> -> vector<16xf32>
      %add3A_601 = arith.addi %add3A_465, %add3A_465 : vector<16xi32>
      %le3A_602 = arith.cmpf ole, %gather3A_522, %get3A_76 : vector<16xf32>
      %convert_element_type3A_603 = arith.extui %le3A_602 : vector<16xi1> to vector<16xi32>
      %add3A_604 = arith.addi %add3A_601, %convert_element_type3A_603 : vector<16xi32>
      %add3A_605 = arith.addi %add3A_469, %add3A_469 : vector<16xi32>
      %le3A_606 = arith.cmpf ole, %gather3A_528, %get3A_80 : vector<16xf32>
      %convert_element_type3A_607 = arith.extui %le3A_606 : vector<16xi1> to vector<16xi32>
      %add3A_608 = arith.addi %add3A_605, %convert_element_type3A_607 : vector<16xi32>
      %add3A_609 = arith.addi %add3A_473, %add3A_473 : vector<16xi32>
      %le3A_610 = arith.cmpf ole, %gather3A_534, %get3A_84 : vector<16xf32>
      %convert_element_type3A_611 = arith.extui %le3A_610 : vector<16xi1> to vector<16xi32>
      %add3A_612 = arith.addi %add3A_609, %convert_element_type3A_611 : vector<16xi32>
      %add3A_613 = arith.addi %add3A_477, %add3A_477 : vector<16xi32>
      %le3A_614 = arith.cmpf ole, %gather3A_540, %get3A_88 : vector<16xf32>
      %convert_element_type3A_615 = arith.extui %le3A_614 : vector<16xi1> to vector<16xi32>
      %add3A_616 = arith.addi %add3A_613, %convert_element_type3A_615 : vector<16xi32>
      %add3A_617 = arith.addi %add3A_481, %add3A_481 : vector<16xi32>
      %le3A_618 = arith.cmpf ole, %gather3A_546, %get3A_92 : vector<16xf32>
      %convert_element_type3A_619 = arith.extui %le3A_618 : vector<16xi1> to vector<16xi32>
      %add3A_620 = arith.addi %add3A_617, %convert_element_type3A_619 : vector<16xi32>
      %add3A_621 = arith.addi %add3A_485, %add3A_485 : vector<16xi32>
      %le3A_622 = arith.cmpf ole, %gather3A_552, %get3A_96 : vector<16xf32>
      %convert_element_type3A_623 = arith.extui %le3A_622 : vector<16xi1> to vector<16xi32>
      %add3A_624 = arith.addi %add3A_621, %convert_element_type3A_623 : vector<16xi32>
      %add3A_625 = arith.addi %add3A_489, %add3A_489 : vector<16xi32>
      %le3A_626 = arith.cmpf ole, %gather3A_558, %get3A_100 : vector<16xf32>
      %convert_element_type3A_627 = arith.extui %le3A_626 : vector<16xi1> to vector<16xi32>
      %add3A_628 = arith.addi %add3A_625, %convert_element_type3A_627 : vector<16xi32>
      %add3A_629 = arith.addi %add3A_493, %add3A_493 : vector<16xi32>
      %le3A_630 = arith.cmpf ole, %gather3A_564, %get3A_104 : vector<16xf32>
      %convert_element_type3A_631 = arith.extui %le3A_630 : vector<16xi1> to vector<16xi32>
      %add3A_632 = arith.addi %add3A_629, %convert_element_type3A_631 : vector<16xi32>
      %add3A_633 = arith.addi %add3A_497, %add3A_497 : vector<16xi32>
      %le3A_634 = arith.cmpf ole, %gather3A_570, %get3A_108 : vector<16xf32>
      %convert_element_type3A_635 = arith.extui %le3A_634 : vector<16xi1> to vector<16xi32>
      %add3A_636 = arith.addi %add3A_633, %convert_element_type3A_635 : vector<16xi32>
      %add3A_637 = arith.addi %add3A_501, %add3A_501 : vector<16xi32>
      %le3A_638 = arith.cmpf ole, %gather3A_576, %get3A_112 : vector<16xf32>
      %convert_element_type3A_639 = arith.extui %le3A_638 : vector<16xi1> to vector<16xi32>
      %add3A_640 = arith.addi %add3A_637, %convert_element_type3A_639 : vector<16xi32>
      %add3A_641 = arith.addi %add3A_505, %add3A_505 : vector<16xi32>
      %le3A_642 = arith.cmpf ole, %gather3A_582, %get3A_116 : vector<16xf32>
      %convert_element_type3A_643 = arith.extui %le3A_642 : vector<16xi1> to vector<16xi32>
      %add3A_644 = arith.addi %add3A_641, %convert_element_type3A_643 : vector<16xi32>
      %add3A_645 = arith.addi %add3A_509, %add3A_509 : vector<16xi32>
      %le3A_646 = arith.cmpf ole, %gather3A_588, %get3A_120 : vector<16xf32>
      %convert_element_type3A_647 = arith.extui %le3A_646 : vector<16xi1> to vector<16xi32>
      %add3A_648 = arith.addi %add3A_645, %convert_element_type3A_647 : vector<16xi32>
      %add3A_649 = arith.addi %add3A_513, %add3A_513 : vector<16xi32>
      %le3A_650 = arith.cmpf ole, %gather3A_594, %get3A_124 : vector<16xf32>
      %convert_element_type3A_651 = arith.extui %le3A_650 : vector<16xi1> to vector<16xi32>
      %add3A_652 = arith.addi %add3A_649, %convert_element_type3A_651 : vector<16xi32>
      %add3A_653 = arith.addi %add3A_517, %add3A_517 : vector<16xi32>
      %le3A_654 = arith.cmpf ole, %gather3A_600, %get3A_128 : vector<16xf32>
      %convert_element_type3A_655 = arith.extui %le3A_654 : vector<16xi1> to vector<16xi32>
      %add3A_656 = arith.addi %add3A_653, %convert_element_type3A_655 : vector<16xi32>
      %sub3A_657 = arith.constant 32 : i32
      %sub3A_658 = vector.broadcast %sub3A_657 : i32 to vector<16xi32>
      %sub3A_659 = arith.subi %add3A_604, %sub3A_658 : vector<16xi32>
      %mul3A_660 = arith.constant 32 : i32
      %mul3A_661 = vector.broadcast %mul3A_660 : i32 to vector<16xi32>
      %mul3A_662 = arith.muli %sub3A_659, %mul3A_661 : vector<16xi32>
      %sub3A_663 = arith.constant 32 : i32
      %sub3A_664 = vector.broadcast %sub3A_663 : i32 to vector<16xi32>
      %sub3A_665 = arith.subi %add3A_608, %sub3A_664 : vector<16xi32>
      %mul3A_666 = arith.constant 32 : i32
      %mul3A_667 = vector.broadcast %mul3A_666 : i32 to vector<16xi32>
      %mul3A_668 = arith.muli %sub3A_665, %mul3A_667 : vector<16xi32>
      %sub3A_669 = arith.constant 32 : i32
      %sub3A_670 = vector.broadcast %sub3A_669 : i32 to vector<16xi32>
      %sub3A_671 = arith.subi %add3A_612, %sub3A_670 : vector<16xi32>
      %mul3A_672 = arith.constant 32 : i32
      %mul3A_673 = vector.broadcast %mul3A_672 : i32 to vector<16xi32>
      %mul3A_674 = arith.muli %sub3A_671, %mul3A_673 : vector<16xi32>
      %sub3A_675 = arith.constant 32 : i32
      %sub3A_676 = vector.broadcast %sub3A_675 : i32 to vector<16xi32>
      %sub3A_677 = arith.subi %add3A_616, %sub3A_676 : vector<16xi32>
      %mul3A_678 = arith.constant 32 : i32
      %mul3A_679 = vector.broadcast %mul3A_678 : i32 to vector<16xi32>
      %mul3A_680 = arith.muli %sub3A_677, %mul3A_679 : vector<16xi32>
      %sub3A_681 = arith.constant 32 : i32
      %sub3A_682 = vector.broadcast %sub3A_681 : i32 to vector<16xi32>
      %sub3A_683 = arith.subi %add3A_620, %sub3A_682 : vector<16xi32>
      %mul3A_684 = arith.constant 32 : i32
      %mul3A_685 = vector.broadcast %mul3A_684 : i32 to vector<16xi32>
      %mul3A_686 = arith.muli %sub3A_683, %mul3A_685 : vector<16xi32>
      %sub3A_687 = arith.constant 32 : i32
      %sub3A_688 = vector.broadcast %sub3A_687 : i32 to vector<16xi32>
      %sub3A_689 = arith.subi %add3A_624, %sub3A_688 : vector<16xi32>
      %mul3A_690 = arith.constant 32 : i32
      %mul3A_691 = vector.broadcast %mul3A_690 : i32 to vector<16xi32>
      %mul3A_692 = arith.muli %sub3A_689, %mul3A_691 : vector<16xi32>
      %sub3A_693 = arith.constant 32 : i32
      %sub3A_694 = vector.broadcast %sub3A_693 : i32 to vector<16xi32>
      %sub3A_695 = arith.subi %add3A_628, %sub3A_694 : vector<16xi32>
      %mul3A_696 = arith.constant 32 : i32
      %mul3A_697 = vector.broadcast %mul3A_696 : i32 to vector<16xi32>
      %mul3A_698 = arith.muli %sub3A_695, %mul3A_697 : vector<16xi32>
      %sub3A_699 = arith.constant 32 : i32
      %sub3A_700 = vector.broadcast %sub3A_699 : i32 to vector<16xi32>
      %sub3A_701 = arith.subi %add3A_632, %sub3A_700 : vector<16xi32>
      %mul3A_702 = arith.constant 32 : i32
      %mul3A_703 = vector.broadcast %mul3A_702 : i32 to vector<16xi32>
      %mul3A_704 = arith.muli %sub3A_701, %mul3A_703 : vector<16xi32>
      %sub3A_705 = arith.constant 32 : i32
      %sub3A_706 = vector.broadcast %sub3A_705 : i32 to vector<16xi32>
      %sub3A_707 = arith.subi %add3A_636, %sub3A_706 : vector<16xi32>
      %mul3A_708 = arith.constant 32 : i32
      %mul3A_709 = vector.broadcast %mul3A_708 : i32 to vector<16xi32>
      %mul3A_710 = arith.muli %sub3A_707, %mul3A_709 : vector<16xi32>
      %sub3A_711 = arith.constant 32 : i32
      %sub3A_712 = vector.broadcast %sub3A_711 : i32 to vector<16xi32>
      %sub3A_713 = arith.subi %add3A_640, %sub3A_712 : vector<16xi32>
      %mul3A_714 = arith.constant 32 : i32
      %mul3A_715 = vector.broadcast %mul3A_714 : i32 to vector<16xi32>
      %mul3A_716 = arith.muli %sub3A_713, %mul3A_715 : vector<16xi32>
      %sub3A_717 = arith.constant 32 : i32
      %sub3A_718 = vector.broadcast %sub3A_717 : i32 to vector<16xi32>
      %sub3A_719 = arith.subi %add3A_644, %sub3A_718 : vector<16xi32>
      %mul3A_720 = arith.constant 32 : i32
      %mul3A_721 = vector.broadcast %mul3A_720 : i32 to vector<16xi32>
      %mul3A_722 = arith.muli %sub3A_719, %mul3A_721 : vector<16xi32>
      %sub3A_723 = arith.constant 32 : i32
      %sub3A_724 = vector.broadcast %sub3A_723 : i32 to vector<16xi32>
      %sub3A_725 = arith.subi %add3A_648, %sub3A_724 : vector<16xi32>
      %mul3A_726 = arith.constant 32 : i32
      %mul3A_727 = vector.broadcast %mul3A_726 : i32 to vector<16xi32>
      %mul3A_728 = arith.muli %sub3A_725, %mul3A_727 : vector<16xi32>
      %sub3A_729 = arith.constant 32 : i32
      %sub3A_730 = vector.broadcast %sub3A_729 : i32 to vector<16xi32>
      %sub3A_731 = arith.subi %add3A_652, %sub3A_730 : vector<16xi32>
      %mul3A_732 = arith.constant 32 : i32
      %mul3A_733 = vector.broadcast %mul3A_732 : i32 to vector<16xi32>
      %mul3A_734 = arith.muli %sub3A_731, %mul3A_733 : vector<16xi32>
      %sub3A_735 = arith.constant 32 : i32
      %sub3A_736 = vector.broadcast %sub3A_735 : i32 to vector<16xi32>
      %sub3A_737 = arith.subi %add3A_656, %sub3A_736 : vector<16xi32>
      %mul3A_738 = arith.constant 32 : i32
      %mul3A_739 = vector.broadcast %mul3A_738 : i32 to vector<16xi32>
      %mul3A_740 = arith.muli %sub3A_737, %mul3A_739 : vector<16xi32>
      %add3A_741 = arith.constant 1039 : i32
      %add3A_742 = vector.broadcast %add3A_741 : i32 to vector<16xi32>
      %add3A_743 = arith.addi %mul3A_662, %add3A_742 : vector<16xi32>
      %add3A_744 = arith.constant 1039 : i32
      %add3A_745 = vector.broadcast %add3A_744 : i32 to vector<16xi32>
      %add3A_746 = arith.addi %mul3A_668, %add3A_745 : vector<16xi32>
      %add3A_747 = arith.constant 1039 : i32
      %add3A_748 = vector.broadcast %add3A_747 : i32 to vector<16xi32>
      %add3A_749 = arith.addi %mul3A_674, %add3A_748 : vector<16xi32>
      %add3A_750 = arith.constant 1039 : i32
      %add3A_751 = vector.broadcast %add3A_750 : i32 to vector<16xi32>
      %add3A_752 = arith.addi %mul3A_680, %add3A_751 : vector<16xi32>
      %add3A_753 = arith.constant 1039 : i32
      %add3A_754 = vector.broadcast %add3A_753 : i32 to vector<16xi32>
      %add3A_755 = arith.addi %mul3A_686, %add3A_754 : vector<16xi32>
      %add3A_756 = arith.constant 1039 : i32
      %add3A_757 = vector.broadcast %add3A_756 : i32 to vector<16xi32>
      %add3A_758 = arith.addi %mul3A_692, %add3A_757 : vector<16xi32>
      %add3A_759 = arith.constant 1039 : i32
      %add3A_760 = vector.broadcast %add3A_759 : i32 to vector<16xi32>
      %add3A_761 = arith.addi %mul3A_698, %add3A_760 : vector<16xi32>
      %add3A_762 = arith.constant 1039 : i32
      %add3A_763 = vector.broadcast %add3A_762 : i32 to vector<16xi32>
      %add3A_764 = arith.addi %mul3A_704, %add3A_763 : vector<16xi32>
      %add3A_765 = arith.constant 1039 : i32
      %add3A_766 = vector.broadcast %add3A_765 : i32 to vector<16xi32>
      %add3A_767 = arith.addi %mul3A_710, %add3A_766 : vector<16xi32>
      %add3A_768 = arith.constant 1039 : i32
      %add3A_769 = vector.broadcast %add3A_768 : i32 to vector<16xi32>
      %add3A_770 = arith.addi %mul3A_716, %add3A_769 : vector<16xi32>
      %add3A_771 = arith.constant 1039 : i32
      %add3A_772 = vector.broadcast %add3A_771 : i32 to vector<16xi32>
      %add3A_773 = arith.addi %mul3A_722, %add3A_772 : vector<16xi32>
      %add3A_774 = arith.constant 1039 : i32
      %add3A_775 = vector.broadcast %add3A_774 : i32 to vector<16xi32>
      %add3A_776 = arith.addi %mul3A_728, %add3A_775 : vector<16xi32>
      %add3A_777 = arith.constant 1039 : i32
      %add3A_778 = vector.broadcast %add3A_777 : i32 to vector<16xi32>
      %add3A_779 = arith.addi %mul3A_734, %add3A_778 : vector<16xi32>
      %add3A_780 = arith.constant 1039 : i32
      %add3A_781 = vector.broadcast %add3A_780 : i32 to vector<16xi32>
      %add3A_782 = arith.addi %mul3A_740, %add3A_781 : vector<16xi32>
      %gather3A_783 = tpu.vector_load_idx %arg8[%add3A_743] : memref<2080xf32, #tpu.memory_space<vmem>>[vector<16xi32>], vector<16xf32>,
      %gather3A_784 = tpu.vector_load_idx %arg8[%add3A_746] : memref<2080xf32, #tpu.memory_space<vmem>>[vector<16xi32>], vector<16xf32>,
      %gather3A_785 = tpu.vector_load_idx %arg8[%add3A_749] : memref<2080xf32, #tpu.memory_space<vmem>>[vector<16xi32>], vector<16xf32>,
      %gather3A_786 = tpu.vector_load_idx %arg8[%add3A_752] : memref<2080xf32, #tpu.memory_space<vmem>>[vector<16xi32>], vector<16xf32>,
      %gather3A_787 = tpu.vector_load_idx %arg8[%add3A_755] : memref<2080xf32, #tpu.memory_space<vmem>>[vector<16xi32>], vector<16xf32>,
      %gather3A_788 = tpu.vector_load_idx %arg8[%add3A_758] : memref<2080xf32, #tpu.memory_space<vmem>>[vector<16xi32>], vector<16xf32>,
      %gather3A_789 = tpu.vector_load_idx %arg8[%add3A_761] : memref<2080xf32, #tpu.memory_space<vmem>>[vector<16xi32>], vector<16xf32>,
      %gather3A_790 = tpu.vector_load_idx %arg8[%add3A_764] : memref<2080xf32, #tpu.memory_space<vmem>>[vector<16xi32>], vector<16xf32>,
      %gather3A_791 = tpu.vector_load_idx %arg8[%add3A_767] : memref<2080xf32, #tpu.memory_space<vmem>>[vector<16xi32>], vector<16xf32>,
      %gather3A_792 = tpu.vector_load_idx %arg8[%add3A_770] : memref<2080xf32, #tpu.memory_space<vmem>>[vector<16xi32>], vector<16xf32>,
      %gather3A_793 = tpu.vector_load_idx %arg8[%add3A_773] : memref<2080xf32, #tpu.memory_space<vmem>>[vector<16xi32>], vector<16xf32>,
      %gather3A_794 = tpu.vector_load_idx %arg8[%add3A_776] : memref<2080xf32, #tpu.memory_space<vmem>>[vector<16xi32>], vector<16xf32>,
      %gather3A_795 = tpu.vector_load_idx %arg8[%add3A_779] : memref<2080xf32, #tpu.memory_space<vmem>>[vector<16xi32>], vector<16xf32>,
      %gather3A_796 = tpu.vector_load_idx %arg8[%add3A_782] : memref<2080xf32, #tpu.memory_space<vmem>>[vector<16xi32>], vector<16xf32>,
      %le3A_797 = arith.cmpf ole, %gather3A_783, %get3A_76 : vector<16xf32>
      %add3A_798 = arith.constant 16 : i32
      %add3A_799 = vector.broadcast %add3A_798 : i32 to vector<16xi32>
      %add3A_800 = arith.addi %mul3A_662, %add3A_799 : vector<16xi32>
      %select_n3A = arith.select %le3A_797, %add3A_800, %mul3A_662 : vector<16xi1>, vector<16xi32>
      %le3A_801 = arith.cmpf ole, %gather3A_784, %get3A_80 : vector<16xf32>
      %add3A_802 = arith.constant 16 : i32
      %add3A_803 = vector.broadcast %add3A_802 : i32 to vector<16xi32>
      %add3A_804 = arith.addi %mul3A_668, %add3A_803 : vector<16xi32>
      %select_n3A_805 = arith.select %le3A_801, %add3A_804, %mul3A_668 : vector<16xi1>, vector<16xi32>
      %le3A_806 = arith.cmpf ole, %gather3A_785, %get3A_84 : vector<16xf32>
      %add3A_807 = arith.constant 16 : i32
      %add3A_808 = vector.broadcast %add3A_807 : i32 to vector<16xi32>
      %add3A_809 = arith.addi %mul3A_674, %add3A_808 : vector<16xi32>
      %select_n3A_810 = arith.select %le3A_806, %add3A_809, %mul3A_674 : vector<16xi1>, vector<16xi32>
      %le3A_811 = arith.cmpf ole, %gather3A_786, %get3A_88 : vector<16xf32>
      %add3A_812 = arith.constant 16 : i32
      %add3A_813 = vector.broadcast %add3A_812 : i32 to vector<16xi32>
      %add3A_814 = arith.addi %mul3A_680, %add3A_813 : vector<16xi32>
      %select_n3A_815 = arith.select %le3A_811, %add3A_814, %mul3A_680 : vector<16xi1>, vector<16xi32>
      %le3A_816 = arith.cmpf ole, %gather3A_787, %get3A_92 : vector<16xf32>
      %add3A_817 = arith.constant 16 : i32
      %add3A_818 = vector.broadcast %add3A_817 : i32 to vector<16xi32>
      %add3A_819 = arith.addi %mul3A_686, %add3A_818 : vector<16xi32>
      %select_n3A_820 = arith.select %le3A_816, %add3A_819, %mul3A_686 : vector<16xi1>, vector<16xi32>
      %le3A_821 = arith.cmpf ole, %gather3A_788, %get3A_96 : vector<16xf32>
      %add3A_822 = arith.constant 16 : i32
      %add3A_823 = vector.broadcast %add3A_822 : i32 to vector<16xi32>
      %add3A_824 = arith.addi %mul3A_692, %add3A_823 : vector<16xi32>
      %select_n3A_825 = arith.select %le3A_821, %add3A_824, %mul3A_692 : vector<16xi1>, vector<16xi32>
      %le3A_826 = arith.cmpf ole, %gather3A_789, %get3A_100 : vector<16xf32>
      %add3A_827 = arith.constant 16 : i32
      %add3A_828 = vector.broadcast %add3A_827 : i32 to vector<16xi32>
      %add3A_829 = arith.addi %mul3A_698, %add3A_828 : vector<16xi32>
      %select_n3A_830 = arith.select %le3A_826, %add3A_829, %mul3A_698 : vector<16xi1>, vector<16xi32>
      %le3A_831 = arith.cmpf ole, %gather3A_790, %get3A_104 : vector<16xf32>
      %add3A_832 = arith.constant 16 : i32
      %add3A_833 = vector.broadcast %add3A_832 : i32 to vector<16xi32>
      %add3A_834 = arith.addi %mul3A_704, %add3A_833 : vector<16xi32>
      %select_n3A_835 = arith.select %le3A_831, %add3A_834, %mul3A_704 : vector<16xi1>, vector<16xi32>
      %le3A_836 = arith.cmpf ole, %gather3A_791, %get3A_108 : vector<16xf32>
      %add3A_837 = arith.constant 16 : i32
      %add3A_838 = vector.broadcast %add3A_837 : i32 to vector<16xi32>
      %add3A_839 = arith.addi %mul3A_710, %add3A_838 : vector<16xi32>
      %select_n3A_840 = arith.select %le3A_836, %add3A_839, %mul3A_710 : vector<16xi1>, vector<16xi32>
      %le3A_841 = arith.cmpf ole, %gather3A_792, %get3A_112 : vector<16xf32>
      %add3A_842 = arith.constant 16 : i32
      %add3A_843 = vector.broadcast %add3A_842 : i32 to vector<16xi32>
      %add3A_844 = arith.addi %mul3A_716, %add3A_843 : vector<16xi32>
      %select_n3A_845 = arith.select %le3A_841, %add3A_844, %mul3A_716 : vector<16xi1>, vector<16xi32>
      %le3A_846 = arith.cmpf ole, %gather3A_793, %get3A_116 : vector<16xf32>
      %add3A_847 = arith.constant 16 : i32
      %add3A_848 = vector.broadcast %add3A_847 : i32 to vector<16xi32>
      %add3A_849 = arith.addi %mul3A_722, %add3A_848 : vector<16xi32>
      %select_n3A_850 = arith.select %le3A_846, %add3A_849, %mul3A_722 : vector<16xi1>, vector<16xi32>
      %le3A_851 = arith.cmpf ole, %gather3A_794, %get3A_120 : vector<16xf32>
      %add3A_852 = arith.constant 16 : i32
      %add3A_853 = vector.broadcast %add3A_852 : i32 to vector<16xi32>
      %add3A_854 = arith.addi %mul3A_728, %add3A_853 : vector<16xi32>
      %select_n3A_855 = arith.select %le3A_851, %add3A_854, %mul3A_728 : vector<16xi1>, vector<16xi32>
      %le3A_856 = arith.cmpf ole, %gather3A_795, %get3A_124 : vector<16xf32>
      %add3A_857 = arith.constant 16 : i32
      %add3A_858 = vector.broadcast %add3A_857 : i32 to vector<16xi32>
      %add3A_859 = arith.addi %mul3A_734, %add3A_858 : vector<16xi32>
      %select_n3A_860 = arith.select %le3A_856, %add3A_859, %mul3A_734 : vector<16xi1>, vector<16xi32>
      %le3A_861 = arith.cmpf ole, %gather3A_796, %get3A_128 : vector<16xf32>
      %add3A_862 = arith.constant 16 : i32
      %add3A_863 = vector.broadcast %add3A_862 : i32 to vector<16xi32>
      %add3A_864 = arith.addi %mul3A_740, %add3A_863 : vector<16xi32>
      %select_n3A_865 = arith.select %le3A_861, %add3A_864, %mul3A_740 : vector<16xi1>, vector<16xi32>
      %add3A_866 = arith.constant 1031 : i32
      %add3A_867 = vector.broadcast %add3A_866 : i32 to vector<16xi32>
      %add3A_868 = arith.addi %select_n3A, %add3A_867 : vector<16xi32>
      %add3A_869 = arith.constant 1031 : i32
      %add3A_870 = vector.broadcast %add3A_869 : i32 to vector<16xi32>
      %add3A_871 = arith.addi %select_n3A_805, %add3A_870 : vector<16xi32>
      %add3A_872 = arith.constant 1031 : i32
      %add3A_873 = vector.broadcast %add3A_872 : i32 to vector<16xi32>
      %add3A_874 = arith.addi %select_n3A_810, %add3A_873 : vector<16xi32>
      %add3A_875 = arith.constant 1031 : i32
      %add3A_876 = vector.broadcast %add3A_875 : i32 to vector<16xi32>
      %add3A_877 = arith.addi %select_n3A_815, %add3A_876 : vector<16xi32>
      %add3A_878 = arith.constant 1031 : i32
      %add3A_879 = vector.broadcast %add3A_878 : i32 to vector<16xi32>
      %add3A_880 = arith.addi %select_n3A_820, %add3A_879 : vector<16xi32>
      %add3A_881 = arith.constant 1031 : i32
      %add3A_882 = vector.broadcast %add3A_881 : i32 to vector<16xi32>
      %add3A_883 = arith.addi %select_n3A_825, %add3A_882 : vector<16xi32>
      %add3A_884 = arith.constant 1031 : i32
      %add3A_885 = vector.broadcast %add3A_884 : i32 to vector<16xi32>
      %add3A_886 = arith.addi %select_n3A_830, %add3A_885 : vector<16xi32>
      %add3A_887 = arith.constant 1031 : i32
      %add3A_888 = vector.broadcast %add3A_887 : i32 to vector<16xi32>
      %add3A_889 = arith.addi %select_n3A_835, %add3A_888 : vector<16xi32>
      %add3A_890 = arith.constant 1031 : i32
      %add3A_891 = vector.broadcast %add3A_890 : i32 to vector<16xi32>
      %add3A_892 = arith.addi %select_n3A_840, %add3A_891 : vector<16xi32>
      %add3A_893 = arith.constant 1031 : i32
      %add3A_894 = vector.broadcast %add3A_893 : i32 to vector<16xi32>
      %add3A_895 = arith.addi %select_n3A_845, %add3A_894 : vector<16xi32>
      %add3A_896 = arith.constant 1031 : i32
      %add3A_897 = vector.broadcast %add3A_896 : i32 to vector<16xi32>
      %add3A_898 = arith.addi %select_n3A_850, %add3A_897 : vector<16xi32>
      %add3A_899 = arith.constant 1031 : i32
      %add3A_900 = vector.broadcast %add3A_899 : i32 to vector<16xi32>
      %add3A_901 = arith.addi %select_n3A_855, %add3A_900 : vector<16xi32>
      %add3A_902 = arith.constant 1031 : i32
      %add3A_903 = vector.broadcast %add3A_902 : i32 to vector<16xi32>
      %add3A_904 = arith.addi %select_n3A_860, %add3A_903 : vector<16xi32>
      %add3A_905 = arith.constant 1031 : i32
      %add3A_906 = vector.broadcast %add3A_905 : i32 to vector<16xi32>
      %add3A_907 = arith.addi %select_n3A_865, %add3A_906 : vector<16xi32>
      %gather3A_908 = tpu.vector_load_idx %arg8[%add3A_868] : memref<2080xf32, #tpu.memory_space<vmem>>[vector<16xi32>], vector<16xf32>,
      %gather3A_909 = tpu.vector_load_idx %arg8[%add3A_871] : memref<2080xf32, #tpu.memory_space<vmem>>[vector<16xi32>], vector<16xf32>,
      %gather3A_910 = tpu.vector_load_idx %arg8[%add3A_874] : memref<2080xf32, #tpu.memory_space<vmem>>[vector<16xi32>], vector<16xf32>,
      %gather3A_911 = tpu.vector_load_idx %arg8[%add3A_877] : memref<2080xf32, #tpu.memory_space<vmem>>[vector<16xi32>], vector<16xf32>,
      %gather3A_912 = tpu.vector_load_idx %arg8[%add3A_880] : memref<2080xf32, #tpu.memory_space<vmem>>[vector<16xi32>], vector<16xf32>,
      %gather3A_913 = tpu.vector_load_idx %arg8[%add3A_883] : memref<2080xf32, #tpu.memory_space<vmem>>[vector<16xi32>], vector<16xf32>,
      %gather3A_914 = tpu.vector_load_idx %arg8[%add3A_886] : memref<2080xf32, #tpu.memory_space<vmem>>[vector<16xi32>], vector<16xf32>,
      %gather3A_915 = tpu.vector_load_idx %arg8[%add3A_889] : memref<2080xf32, #tpu.memory_space<vmem>>[vector<16xi32>], vector<16xf32>,
      %gather3A_916 = tpu.vector_load_idx %arg8[%add3A_892] : memref<2080xf32, #tpu.memory_space<vmem>>[vector<16xi32>], vector<16xf32>,
      %gather3A_917 = tpu.vector_load_idx %arg8[%add3A_895] : memref<2080xf32, #tpu.memory_space<vmem>>[vector<16xi32>], vector<16xf32>,
      %gather3A_918 = tpu.vector_load_idx %arg8[%add3A_898] : memref<2080xf32, #tpu.memory_space<vmem>>[vector<16xi32>], vector<16xf32>,
      %gather3A_919 = tpu.vector_load_idx %arg8[%add3A_901] : memref<2080xf32, #tpu.memory_space<vmem>>[vector<16xi32>], vector<16xf32>,
      %gather3A_920 = tpu.vector_load_idx %arg8[%add3A_904] : memref<2080xf32, #tpu.memory_space<vmem>>[vector<16xi32>], vector<16xf32>,
      %gather3A_921 = tpu.vector_load_idx %arg8[%add3A_907] : memref<2080xf32, #tpu.memory_space<vmem>>[vector<16xi32>], vector<16xf32>,
      %le3A_922 = arith.cmpf ole, %gather3A_908, %get3A_76 : vector<16xf32>
      %add3A_923 = arith.constant 8 : i32
      %add3A_924 = vector.broadcast %add3A_923 : i32 to vector<16xi32>
      %add3A_925 = arith.addi %select_n3A, %add3A_924 : vector<16xi32>
      %select_n3A_926 = arith.select %le3A_922, %add3A_925, %select_n3A : vector<16xi1>, vector<16xi32>
      %le3A_927 = arith.cmpf ole, %gather3A_909, %get3A_80 : vector<16xf32>
      %add3A_928 = arith.constant 8 : i32
      %add3A_929 = vector.broadcast %add3A_928 : i32 to vector<16xi32>
      %add3A_930 = arith.addi %select_n3A_805, %add3A_929 : vector<16xi32>
      %select_n3A_931 = arith.select %le3A_927, %add3A_930, %select_n3A_805 : vector<16xi1>, vector<16xi32>
      %le3A_932 = arith.cmpf ole, %gather3A_910, %get3A_84 : vector<16xf32>
      %add3A_933 = arith.constant 8 : i32
      %add3A_934 = vector.broadcast %add3A_933 : i32 to vector<16xi32>
      %add3A_935 = arith.addi %select_n3A_810, %add3A_934 : vector<16xi32>
      %select_n3A_936 = arith.select %le3A_932, %add3A_935, %select_n3A_810 : vector<16xi1>, vector<16xi32>
      %le3A_937 = arith.cmpf ole, %gather3A_911, %get3A_88 : vector<16xf32>
      %add3A_938 = arith.constant 8 : i32
      %add3A_939 = vector.broadcast %add3A_938 : i32 to vector<16xi32>
      %add3A_940 = arith.addi %select_n3A_815, %add3A_939 : vector<16xi32>
      %select_n3A_941 = arith.select %le3A_937, %add3A_940, %select_n3A_815 : vector<16xi1>, vector<16xi32>
      %le3A_942 = arith.cmpf ole, %gather3A_912, %get3A_92 : vector<16xf32>
      %add3A_943 = arith.constant 8 : i32
      %add3A_944 = vector.broadcast %add3A_943 : i32 to vector<16xi32>
      %add3A_945 = arith.addi %select_n3A_820, %add3A_944 : vector<16xi32>
      %select_n3A_946 = arith.select %le3A_942, %add3A_945, %select_n3A_820 : vector<16xi1>, vector<16xi32>
      %le3A_947 = arith.cmpf ole, %gather3A_913, %get3A_96 : vector<16xf32>
      %add3A_948 = arith.constant 8 : i32
      %add3A_949 = vector.broadcast %add3A_948 : i32 to vector<16xi32>
      %add3A_950 = arith.addi %select_n3A_825, %add3A_949 : vector<16xi32>
      %select_n3A_951 = arith.select %le3A_947, %add3A_950, %select_n3A_825 : vector<16xi1>, vector<16xi32>
      %le3A_952 = arith.cmpf ole, %gather3A_914, %get3A_100 : vector<16xf32>
      %add3A_953 = arith.constant 8 : i32
      %add3A_954 = vector.broadcast %add3A_953 : i32 to vector<16xi32>
      %add3A_955 = arith.addi %select_n3A_830, %add3A_954 : vector<16xi32>
      %select_n3A_956 = arith.select %le3A_952, %add3A_955, %select_n3A_830 : vector<16xi1>, vector<16xi32>
      %le3A_957 = arith.cmpf ole, %gather3A_915, %get3A_104 : vector<16xf32>
      %add3A_958 = arith.constant 8 : i32
      %add3A_959 = vector.broadcast %add3A_958 : i32 to vector<16xi32>
      %add3A_960 = arith.addi %select_n3A_835, %add3A_959 : vector<16xi32>
      %select_n3A_961 = arith.select %le3A_957, %add3A_960, %select_n3A_835 : vector<16xi1>, vector<16xi32>
      %le3A_962 = arith.cmpf ole, %gather3A_916, %get3A_108 : vector<16xf32>
      %add3A_963 = arith.constant 8 : i32
      %add3A_964 = vector.broadcast %add3A_963 : i32 to vector<16xi32>
      %add3A_965 = arith.addi %select_n3A_840, %add3A_964 : vector<16xi32>
      %select_n3A_966 = arith.select %le3A_962, %add3A_965, %select_n3A_840 : vector<16xi1>, vector<16xi32>
      %le3A_967 = arith.cmpf ole, %gather3A_917, %get3A_112 : vector<16xf32>
      %add3A_968 = arith.constant 8 : i32
      %add3A_969 = vector.broadcast %add3A_968 : i32 to vector<16xi32>
      %add3A_970 = arith.addi %select_n3A_845, %add3A_969 : vector<16xi32>
      %select_n3A_971 = arith.select %le3A_967, %add3A_970, %select_n3A_845 : vector<16xi1>, vector<16xi32>
      %le3A_972 = arith.cmpf ole, %gather3A_918, %get3A_116 : vector<16xf32>
      %add3A_973 = arith.constant 8 : i32
      %add3A_974 = vector.broadcast %add3A_973 : i32 to vector<16xi32>
      %add3A_975 = arith.addi %select_n3A_850, %add3A_974 : vector<16xi32>
      %select_n3A_976 = arith.select %le3A_972, %add3A_975, %select_n3A_850 : vector<16xi1>, vector<16xi32>
      %le3A_977 = arith.cmpf ole, %gather3A_919, %get3A_120 : vector<16xf32>
      %add3A_978 = arith.constant 8 : i32
      %add3A_979 = vector.broadcast %add3A_978 : i32 to vector<16xi32>
      %add3A_980 = arith.addi %select_n3A_855, %add3A_979 : vector<16xi32>
      %select_n3A_981 = arith.select %le3A_977, %add3A_980, %select_n3A_855 : vector<16xi1>, vector<16xi32>
      %le3A_982 = arith.cmpf ole, %gather3A_920, %get3A_124 : vector<16xf32>
      %add3A_983 = arith.constant 8 : i32
      %add3A_984 = vector.broadcast %add3A_983 : i32 to vector<16xi32>
      %add3A_985 = arith.addi %select_n3A_860, %add3A_984 : vector<16xi32>
      %select_n3A_986 = arith.select %le3A_982, %add3A_985, %select_n3A_860 : vector<16xi1>, vector<16xi32>
      %le3A_987 = arith.cmpf ole, %gather3A_921, %get3A_128 : vector<16xf32>
      %add3A_988 = arith.constant 8 : i32
      %add3A_989 = vector.broadcast %add3A_988 : i32 to vector<16xi32>
      %add3A_990 = arith.addi %select_n3A_865, %add3A_989 : vector<16xi32>
      %select_n3A_991 = arith.select %le3A_987, %add3A_990, %select_n3A_865 : vector<16xi1>, vector<16xi32>
      %add3A_992 = arith.constant 1027 : i32
      %add3A_993 = vector.broadcast %add3A_992 : i32 to vector<16xi32>
      %add3A_994 = arith.addi %select_n3A_926, %add3A_993 : vector<16xi32>
      %add3A_995 = arith.constant 1027 : i32
      %add3A_996 = vector.broadcast %add3A_995 : i32 to vector<16xi32>
      %add3A_997 = arith.addi %select_n3A_931, %add3A_996 : vector<16xi32>
      %add3A_998 = arith.constant 1027 : i32
      %add3A_999 = vector.broadcast %add3A_998 : i32 to vector<16xi32>
      %add3A_1000 = arith.addi %select_n3A_936, %add3A_999 : vector<16xi32>
      %add3A_1001 = arith.constant 1027 : i32
      %add3A_1002 = vector.broadcast %add3A_1001 : i32 to vector<16xi32>
      %add3A_1003 = arith.addi %select_n3A_941, %add3A_1002 : vector<16xi32>
      %add3A_1004 = arith.constant 1027 : i32
      %add3A_1005 = vector.broadcast %add3A_1004 : i32 to vector<16xi32>
      %add3A_1006 = arith.addi %select_n3A_946, %add3A_1005 : vector<16xi32>
      %add3A_1007 = arith.constant 1027 : i32
      %add3A_1008 = vector.broadcast %add3A_1007 : i32 to vector<16xi32>
      %add3A_1009 = arith.addi %select_n3A_951, %add3A_1008 : vector<16xi32>
      %add3A_1010 = arith.constant 1027 : i32
      %add3A_1011 = vector.broadcast %add3A_1010 : i32 to vector<16xi32>
      %add3A_1012 = arith.addi %select_n3A_956, %add3A_1011 : vector<16xi32>
      %add3A_1013 = arith.constant 1027 : i32
      %add3A_1014 = vector.broadcast %add3A_1013 : i32 to vector<16xi32>
      %add3A_1015 = arith.addi %select_n3A_961, %add3A_1014 : vector<16xi32>
      %add3A_1016 = arith.constant 1027 : i32
      %add3A_1017 = vector.broadcast %add3A_1016 : i32 to vector<16xi32>
      %add3A_1018 = arith.addi %select_n3A_966, %add3A_1017 : vector<16xi32>
      %add3A_1019 = arith.constant 1027 : i32
      %add3A_1020 = vector.broadcast %add3A_1019 : i32 to vector<16xi32>
      %add3A_1021 = arith.addi %select_n3A_971, %add3A_1020 : vector<16xi32>
      %add3A_1022 = arith.constant 1027 : i32
      %add3A_1023 = vector.broadcast %add3A_1022 : i32 to vector<16xi32>
      %add3A_1024 = arith.addi %select_n3A_976, %add3A_1023 : vector<16xi32>
      %add3A_1025 = arith.constant 1027 : i32
      %add3A_1026 = vector.broadcast %add3A_1025 : i32 to vector<16xi32>
      %add3A_1027 = arith.addi %select_n3A_981, %add3A_1026 : vector<16xi32>
      %add3A_1028 = arith.constant 1027 : i32
      %add3A_1029 = vector.broadcast %add3A_1028 : i32 to vector<16xi32>
      %add3A_1030 = arith.addi %select_n3A_986, %add3A_1029 : vector<16xi32>
      %add3A_1031 = arith.constant 1027 : i32
      %add3A_1032 = vector.broadcast %add3A_1031 : i32 to vector<16xi32>
      %add3A_1033 = arith.addi %select_n3A_991, %add3A_1032 : vector<16xi32>
      %gather3A_1034 = tpu.vector_load_idx %arg8[%add3A_994] : memref<2080xf32, #tpu.memory_space<vmem>>[vector<16xi32>], vector<16xf32>,
      %gather3A_1035 = tpu.vector_load_idx %arg8[%add3A_997] : memref<2080xf32, #tpu.memory_space<vmem>>[vector<16xi32>], vector<16xf32>,
      %gather3A_1036 = tpu.vector_load_idx %arg8[%add3A_1000] : memref<2080xf32, #tpu.memory_space<vmem>>[vector<16xi32>], vector<16xf32>,
      %gather3A_1037 = tpu.vector_load_idx %arg8[%add3A_1003] : memref<2080xf32, #tpu.memory_space<vmem>>[vector<16xi32>], vector<16xf32>,
      %gather3A_1038 = tpu.vector_load_idx %arg8[%add3A_1006] : memref<2080xf32, #tpu.memory_space<vmem>>[vector<16xi32>], vector<16xf32>,
      %gather3A_1039 = tpu.vector_load_idx %arg8[%add3A_1009] : memref<2080xf32, #tpu.memory_space<vmem>>[vector<16xi32>], vector<16xf32>,
      %gather3A_1040 = tpu.vector_load_idx %arg8[%add3A_1012] : memref<2080xf32, #tpu.memory_space<vmem>>[vector<16xi32>], vector<16xf32>,
      %gather3A_1041 = tpu.vector_load_idx %arg8[%add3A_1015] : memref<2080xf32, #tpu.memory_space<vmem>>[vector<16xi32>], vector<16xf32>,
      %gather3A_1042 = tpu.vector_load_idx %arg8[%add3A_1018] : memref<2080xf32, #tpu.memory_space<vmem>>[vector<16xi32>], vector<16xf32>,
      %gather3A_1043 = tpu.vector_load_idx %arg8[%add3A_1021] : memref<2080xf32, #tpu.memory_space<vmem>>[vector<16xi32>], vector<16xf32>,
      %gather3A_1044 = tpu.vector_load_idx %arg8[%add3A_1024] : memref<2080xf32, #tpu.memory_space<vmem>>[vector<16xi32>], vector<16xf32>,
      %gather3A_1045 = tpu.vector_load_idx %arg8[%add3A_1027] : memref<2080xf32, #tpu.memory_space<vmem>>[vector<16xi32>], vector<16xf32>,
      %gather3A_1046 = tpu.vector_load_idx %arg8[%add3A_1030] : memref<2080xf32, #tpu.memory_space<vmem>>[vector<16xi32>], vector<16xf32>,
      %gather3A_1047 = tpu.vector_load_idx %arg8[%add3A_1033] : memref<2080xf32, #tpu.memory_space<vmem>>[vector<16xi32>], vector<16xf32>,
      %le3A_1048 = arith.cmpf ole, %gather3A_1034, %get3A_76 : vector<16xf32>
      %add3A_1049 = arith.constant 4 : i32
      %add3A_1050 = vector.broadcast %add3A_1049 : i32 to vector<16xi32>
      %add3A_1051 = arith.addi %select_n3A_926, %add3A_1050 : vector<16xi32>
      %select_n3A_1052 = arith.select %le3A_1048, %add3A_1051, %select_n3A_926 : vector<16xi1>, vector<16xi32>
      %le3A_1053 = arith.cmpf ole, %gather3A_1035, %get3A_80 : vector<16xf32>
      %add3A_1054 = arith.constant 4 : i32
      %add3A_1055 = vector.broadcast %add3A_1054 : i32 to vector<16xi32>
      %add3A_1056 = arith.addi %select_n3A_931, %add3A_1055 : vector<16xi32>
      %select_n3A_1057 = arith.select %le3A_1053, %add3A_1056, %select_n3A_931 : vector<16xi1>, vector<16xi32>
      %le3A_1058 = arith.cmpf ole, %gather3A_1036, %get3A_84 : vector<16xf32>
      %add3A_1059 = arith.constant 4 : i32
      %add3A_1060 = vector.broadcast %add3A_1059 : i32 to vector<16xi32>
      %add3A_1061 = arith.addi %select_n3A_936, %add3A_1060 : vector<16xi32>
      %select_n3A_1062 = arith.select %le3A_1058, %add3A_1061, %select_n3A_936 : vector<16xi1>, vector<16xi32>
      %le3A_1063 = arith.cmpf ole, %gather3A_1037, %get3A_88 : vector<16xf32>
      %add3A_1064 = arith.constant 4 : i32
      %add3A_1065 = vector.broadcast %add3A_1064 : i32 to vector<16xi32>
      %add3A_1066 = arith.addi %select_n3A_941, %add3A_1065 : vector<16xi32>
      %select_n3A_1067 = arith.select %le3A_1063, %add3A_1066, %select_n3A_941 : vector<16xi1>, vector<16xi32>
      %le3A_1068 = arith.cmpf ole, %gather3A_1038, %get3A_92 : vector<16xf32>
      %add3A_1069 = arith.constant 4 : i32
      %add3A_1070 = vector.broadcast %add3A_1069 : i32 to vector<16xi32>
      %add3A_1071 = arith.addi %select_n3A_946, %add3A_1070 : vector<16xi32>
      %select_n3A_1072 = arith.select %le3A_1068, %add3A_1071, %select_n3A_946 : vector<16xi1>, vector<16xi32>
      %le3A_1073 = arith.cmpf ole, %gather3A_1039, %get3A_96 : vector<16xf32>
      %add3A_1074 = arith.constant 4 : i32
      %add3A_1075 = vector.broadcast %add3A_1074 : i32 to vector<16xi32>
      %add3A_1076 = arith.addi %select_n3A_951, %add3A_1075 : vector<16xi32>
      %select_n3A_1077 = arith.select %le3A_1073, %add3A_1076, %select_n3A_951 : vector<16xi1>, vector<16xi32>
      %le3A_1078 = arith.cmpf ole, %gather3A_1040, %get3A_100 : vector<16xf32>
      %add3A_1079 = arith.constant 4 : i32
      %add3A_1080 = vector.broadcast %add3A_1079 : i32 to vector<16xi32>
      %add3A_1081 = arith.addi %select_n3A_956, %add3A_1080 : vector<16xi32>
      %select_n3A_1082 = arith.select %le3A_1078, %add3A_1081, %select_n3A_956 : vector<16xi1>, vector<16xi32>
      %le3A_1083 = arith.cmpf ole, %gather3A_1041, %get3A_104 : vector<16xf32>
      %add3A_1084 = arith.constant 4 : i32
      %add3A_1085 = vector.broadcast %add3A_1084 : i32 to vector<16xi32>
      %add3A_1086 = arith.addi %select_n3A_961, %add3A_1085 : vector<16xi32>
      %select_n3A_1087 = arith.select %le3A_1083, %add3A_1086, %select_n3A_961 : vector<16xi1>, vector<16xi32>
      %le3A_1088 = arith.cmpf ole, %gather3A_1042, %get3A_108 : vector<16xf32>
      %add3A_1089 = arith.constant 4 : i32
      %add3A_1090 = vector.broadcast %add3A_1089 : i32 to vector<16xi32>
      %add3A_1091 = arith.addi %select_n3A_966, %add3A_1090 : vector<16xi32>
      %select_n3A_1092 = arith.select %le3A_1088, %add3A_1091, %select_n3A_966 : vector<16xi1>, vector<16xi32>
      %le3A_1093 = arith.cmpf ole, %gather3A_1043, %get3A_112 : vector<16xf32>
      %add3A_1094 = arith.constant 4 : i32
      %add3A_1095 = vector.broadcast %add3A_1094 : i32 to vector<16xi32>
      %add3A_1096 = arith.addi %select_n3A_971, %add3A_1095 : vector<16xi32>
      %select_n3A_1097 = arith.select %le3A_1093, %add3A_1096, %select_n3A_971 : vector<16xi1>, vector<16xi32>
      %le3A_1098 = arith.cmpf ole, %gather3A_1044, %get3A_116 : vector<16xf32>
      %add3A_1099 = arith.constant 4 : i32
      %add3A_1100 = vector.broadcast %add3A_1099 : i32 to vector<16xi32>
      %add3A_1101 = arith.addi %select_n3A_976, %add3A_1100 : vector<16xi32>
      %select_n3A_1102 = arith.select %le3A_1098, %add3A_1101, %select_n3A_976 : vector<16xi1>, vector<16xi32>
      %le3A_1103 = arith.cmpf ole, %gather3A_1045, %get3A_120 : vector<16xf32>
      %add3A_1104 = arith.constant 4 : i32
      %add3A_1105 = vector.broadcast %add3A_1104 : i32 to vector<16xi32>
      %add3A_1106 = arith.addi %select_n3A_981, %add3A_1105 : vector<16xi32>
      %select_n3A_1107 = arith.select %le3A_1103, %add3A_1106, %select_n3A_981 : vector<16xi1>, vector<16xi32>
      %le3A_1108 = arith.cmpf ole, %gather3A_1046, %get3A_124 : vector<16xf32>
      %add3A_1109 = arith.constant 4 : i32
      %add3A_1110 = vector.broadcast %add3A_1109 : i32 to vector<16xi32>
      %add3A_1111 = arith.addi %select_n3A_986, %add3A_1110 : vector<16xi32>
      %select_n3A_1112 = arith.select %le3A_1108, %add3A_1111, %select_n3A_986 : vector<16xi1>, vector<16xi32>
      %le3A_1113 = arith.cmpf ole, %gather3A_1047, %get3A_128 : vector<16xf32>
      %add3A_1114 = arith.constant 4 : i32
      %add3A_1115 = vector.broadcast %add3A_1114 : i32 to vector<16xi32>
      %add3A_1116 = arith.addi %select_n3A_991, %add3A_1115 : vector<16xi32>
      %select_n3A_1117 = arith.select %le3A_1113, %add3A_1116, %select_n3A_991 : vector<16xi1>, vector<16xi32>
      %add3A_1118 = arith.constant 1025 : i32
      %add3A_1119 = vector.broadcast %add3A_1118 : i32 to vector<16xi32>
      %add3A_1120 = arith.addi %select_n3A_1052, %add3A_1119 : vector<16xi32>
      %add3A_1121 = arith.constant 1025 : i32
      %add3A_1122 = vector.broadcast %add3A_1121 : i32 to vector<16xi32>
      %add3A_1123 = arith.addi %select_n3A_1057, %add3A_1122 : vector<16xi32>
      %add3A_1124 = arith.constant 1025 : i32
      %add3A_1125 = vector.broadcast %add3A_1124 : i32 to vector<16xi32>
      %add3A_1126 = arith.addi %select_n3A_1062, %add3A_1125 : vector<16xi32>
      %add3A_1127 = arith.constant 1025 : i32
      %add3A_1128 = vector.broadcast %add3A_1127 : i32 to vector<16xi32>
      %add3A_1129 = arith.addi %select_n3A_1067, %add3A_1128 : vector<16xi32>
      %add3A_1130 = arith.constant 1025 : i32
      %add3A_1131 = vector.broadcast %add3A_1130 : i32 to vector<16xi32>
      %add3A_1132 = arith.addi %select_n3A_1072, %add3A_1131 : vector<16xi32>
      %add3A_1133 = arith.constant 1025 : i32
      %add3A_1134 = vector.broadcast %add3A_1133 : i32 to vector<16xi32>
      %add3A_1135 = arith.addi %select_n3A_1077, %add3A_1134 : vector<16xi32>
      %add3A_1136 = arith.constant 1025 : i32
      %add3A_1137 = vector.broadcast %add3A_1136 : i32 to vector<16xi32>
      %add3A_1138 = arith.addi %select_n3A_1082, %add3A_1137 : vector<16xi32>
      %add3A_1139 = arith.constant 1025 : i32
      %add3A_1140 = vector.broadcast %add3A_1139 : i32 to vector<16xi32>
      %add3A_1141 = arith.addi %select_n3A_1087, %add3A_1140 : vector<16xi32>
      %add3A_1142 = arith.constant 1025 : i32
      %add3A_1143 = vector.broadcast %add3A_1142 : i32 to vector<16xi32>
      %add3A_1144 = arith.addi %select_n3A_1092, %add3A_1143 : vector<16xi32>
      %add3A_1145 = arith.constant 1025 : i32
      %add3A_1146 = vector.broadcast %add3A_1145 : i32 to vector<16xi32>
      %add3A_1147 = arith.addi %select_n3A_1097, %add3A_1146 : vector<16xi32>
      %add3A_1148 = arith.constant 1025 : i32
      %add3A_1149 = vector.broadcast %add3A_1148 : i32 to vector<16xi32>
      %add3A_1150 = arith.addi %select_n3A_1102, %add3A_1149 : vector<16xi32>
      %add3A_1151 = arith.constant 1025 : i32
      %add3A_1152 = vector.broadcast %add3A_1151 : i32 to vector<16xi32>
      %add3A_1153 = arith.addi %select_n3A_1107, %add3A_1152 : vector<16xi32>
      %add3A_1154 = arith.constant 1025 : i32
      %add3A_1155 = vector.broadcast %add3A_1154 : i32 to vector<16xi32>
      %add3A_1156 = arith.addi %select_n3A_1112, %add3A_1155 : vector<16xi32>
      %add3A_1157 = arith.constant 1025 : i32
      %add3A_1158 = vector.broadcast %add3A_1157 : i32 to vector<16xi32>
      %add3A_1159 = arith.addi %select_n3A_1117, %add3A_1158 : vector<16xi32>
      %gather3A_1160 = tpu.vector_load_idx %arg8[%add3A_1120] : memref<2080xf32, #tpu.memory_space<vmem>>[vector<16xi32>], vector<16xf32>,
      %gather3A_1161 = tpu.vector_load_idx %arg8[%add3A_1123] : memref<2080xf32, #tpu.memory_space<vmem>>[vector<16xi32>], vector<16xf32>,
      %gather3A_1162 = tpu.vector_load_idx %arg8[%add3A_1126] : memref<2080xf32, #tpu.memory_space<vmem>>[vector<16xi32>], vector<16xf32>,
      %gather3A_1163 = tpu.vector_load_idx %arg8[%add3A_1129] : memref<2080xf32, #tpu.memory_space<vmem>>[vector<16xi32>], vector<16xf32>,
      %gather3A_1164 = tpu.vector_load_idx %arg8[%add3A_1132] : memref<2080xf32, #tpu.memory_space<vmem>>[vector<16xi32>], vector<16xf32>,
      %gather3A_1165 = tpu.vector_load_idx %arg8[%add3A_1135] : memref<2080xf32, #tpu.memory_space<vmem>>[vector<16xi32>], vector<16xf32>,
      %gather3A_1166 = tpu.vector_load_idx %arg8[%add3A_1138] : memref<2080xf32, #tpu.memory_space<vmem>>[vector<16xi32>], vector<16xf32>,
      %gather3A_1167 = tpu.vector_load_idx %arg8[%add3A_1141] : memref<2080xf32, #tpu.memory_space<vmem>>[vector<16xi32>], vector<16xf32>,
      %gather3A_1168 = tpu.vector_load_idx %arg8[%add3A_1144] : memref<2080xf32, #tpu.memory_space<vmem>>[vector<16xi32>], vector<16xf32>,
      %gather3A_1169 = tpu.vector_load_idx %arg8[%add3A_1147] : memref<2080xf32, #tpu.memory_space<vmem>>[vector<16xi32>], vector<16xf32>,
      %gather3A_1170 = tpu.vector_load_idx %arg8[%add3A_1150] : memref<2080xf32, #tpu.memory_space<vmem>>[vector<16xi32>], vector<16xf32>,
      %gather3A_1171 = tpu.vector_load_idx %arg8[%add3A_1153] : memref<2080xf32, #tpu.memory_space<vmem>>[vector<16xi32>], vector<16xf32>,
      %gather3A_1172 = tpu.vector_load_idx %arg8[%add3A_1156] : memref<2080xf32, #tpu.memory_space<vmem>>[vector<16xi32>], vector<16xf32>,
      %gather3A_1173 = tpu.vector_load_idx %arg8[%add3A_1159] : memref<2080xf32, #tpu.memory_space<vmem>>[vector<16xi32>], vector<16xf32>,
      %le3A_1174 = arith.cmpf ole, %gather3A_1160, %get3A_76 : vector<16xf32>
      %add3A_1175 = arith.constant 2 : i32
      %add3A_1176 = vector.broadcast %add3A_1175 : i32 to vector<16xi32>
      %add3A_1177 = arith.addi %select_n3A_1052, %add3A_1176 : vector<16xi32>
      %select_n3A_1178 = arith.select %le3A_1174, %add3A_1177, %select_n3A_1052 : vector<16xi1>, vector<16xi32>
      %le3A_1179 = arith.cmpf ole, %gather3A_1161, %get3A_80 : vector<16xf32>
      %add3A_1180 = arith.constant 2 : i32
      %add3A_1181 = vector.broadcast %add3A_1180 : i32 to vector<16xi32>
      %add3A_1182 = arith.addi %select_n3A_1057, %add3A_1181 : vector<16xi32>
      %select_n3A_1183 = arith.select %le3A_1179, %add3A_1182, %select_n3A_1057 : vector<16xi1>, vector<16xi32>
      %le3A_1184 = arith.cmpf ole, %gather3A_1162, %get3A_84 : vector<16xf32>
      %add3A_1185 = arith.constant 2 : i32
      %add3A_1186 = vector.broadcast %add3A_1185 : i32 to vector<16xi32>
      %add3A_1187 = arith.addi %select_n3A_1062, %add3A_1186 : vector<16xi32>
      %select_n3A_1188 = arith.select %le3A_1184, %add3A_1187, %select_n3A_1062 : vector<16xi1>, vector<16xi32>
      %le3A_1189 = arith.cmpf ole, %gather3A_1163, %get3A_88 : vector<16xf32>
      %add3A_1190 = arith.constant 2 : i32
      %add3A_1191 = vector.broadcast %add3A_1190 : i32 to vector<16xi32>
      %add3A_1192 = arith.addi %select_n3A_1067, %add3A_1191 : vector<16xi32>
      %select_n3A_1193 = arith.select %le3A_1189, %add3A_1192, %select_n3A_1067 : vector<16xi1>, vector<16xi32>
      %le3A_1194 = arith.cmpf ole, %gather3A_1164, %get3A_92 : vector<16xf32>
      %add3A_1195 = arith.constant 2 : i32
      %add3A_1196 = vector.broadcast %add3A_1195 : i32 to vector<16xi32>
      %add3A_1197 = arith.addi %select_n3A_1072, %add3A_1196 : vector<16xi32>
      %select_n3A_1198 = arith.select %le3A_1194, %add3A_1197, %select_n3A_1072 : vector<16xi1>, vector<16xi32>
      %le3A_1199 = arith.cmpf ole, %gather3A_1165, %get3A_96 : vector<16xf32>
      %add3A_1200 = arith.constant 2 : i32
      %add3A_1201 = vector.broadcast %add3A_1200 : i32 to vector<16xi32>
      %add3A_1202 = arith.addi %select_n3A_1077, %add3A_1201 : vector<16xi32>
      %select_n3A_1203 = arith.select %le3A_1199, %add3A_1202, %select_n3A_1077 : vector<16xi1>, vector<16xi32>
      %le3A_1204 = arith.cmpf ole, %gather3A_1166, %get3A_100 : vector<16xf32>
      %add3A_1205 = arith.constant 2 : i32
      %add3A_1206 = vector.broadcast %add3A_1205 : i32 to vector<16xi32>
      %add3A_1207 = arith.addi %select_n3A_1082, %add3A_1206 : vector<16xi32>
      %select_n3A_1208 = arith.select %le3A_1204, %add3A_1207, %select_n3A_1082 : vector<16xi1>, vector<16xi32>
      %le3A_1209 = arith.cmpf ole, %gather3A_1167, %get3A_104 : vector<16xf32>
      %add3A_1210 = arith.constant 2 : i32
      %add3A_1211 = vector.broadcast %add3A_1210 : i32 to vector<16xi32>
      %add3A_1212 = arith.addi %select_n3A_1087, %add3A_1211 : vector<16xi32>
      %select_n3A_1213 = arith.select %le3A_1209, %add3A_1212, %select_n3A_1087 : vector<16xi1>, vector<16xi32>
      %le3A_1214 = arith.cmpf ole, %gather3A_1168, %get3A_108 : vector<16xf32>
      %add3A_1215 = arith.constant 2 : i32
      %add3A_1216 = vector.broadcast %add3A_1215 : i32 to vector<16xi32>
      %add3A_1217 = arith.addi %select_n3A_1092, %add3A_1216 : vector<16xi32>
      %select_n3A_1218 = arith.select %le3A_1214, %add3A_1217, %select_n3A_1092 : vector<16xi1>, vector<16xi32>
      %le3A_1219 = arith.cmpf ole, %gather3A_1169, %get3A_112 : vector<16xf32>
      %add3A_1220 = arith.constant 2 : i32
      %add3A_1221 = vector.broadcast %add3A_1220 : i32 to vector<16xi32>
      %add3A_1222 = arith.addi %select_n3A_1097, %add3A_1221 : vector<16xi32>
      %select_n3A_1223 = arith.select %le3A_1219, %add3A_1222, %select_n3A_1097 : vector<16xi1>, vector<16xi32>
      %le3A_1224 = arith.cmpf ole, %gather3A_1170, %get3A_116 : vector<16xf32>
      %add3A_1225 = arith.constant 2 : i32
      %add3A_1226 = vector.broadcast %add3A_1225 : i32 to vector<16xi32>
      %add3A_1227 = arith.addi %select_n3A_1102, %add3A_1226 : vector<16xi32>
      %select_n3A_1228 = arith.select %le3A_1224, %add3A_1227, %select_n3A_1102 : vector<16xi1>, vector<16xi32>
      %le3A_1229 = arith.cmpf ole, %gather3A_1171, %get3A_120 : vector<16xf32>
      %add3A_1230 = arith.constant 2 : i32
      %add3A_1231 = vector.broadcast %add3A_1230 : i32 to vector<16xi32>
      %add3A_1232 = arith.addi %select_n3A_1107, %add3A_1231 : vector<16xi32>
      %select_n3A_1233 = arith.select %le3A_1229, %add3A_1232, %select_n3A_1107 : vector<16xi1>, vector<16xi32>
      %le3A_1234 = arith.cmpf ole, %gather3A_1172, %get3A_124 : vector<16xf32>
      %add3A_1235 = arith.constant 2 : i32
      %add3A_1236 = vector.broadcast %add3A_1235 : i32 to vector<16xi32>
      %add3A_1237 = arith.addi %select_n3A_1112, %add3A_1236 : vector<16xi32>
      %select_n3A_1238 = arith.select %le3A_1234, %add3A_1237, %select_n3A_1112 : vector<16xi1>, vector<16xi32>
      %le3A_1239 = arith.cmpf ole, %gather3A_1173, %get3A_128 : vector<16xf32>
      %add3A_1240 = arith.constant 2 : i32
      %add3A_1241 = vector.broadcast %add3A_1240 : i32 to vector<16xi32>
      %add3A_1242 = arith.addi %select_n3A_1117, %add3A_1241 : vector<16xi32>
      %select_n3A_1243 = arith.select %le3A_1239, %add3A_1242, %select_n3A_1117 : vector<16xi1>, vector<16xi32>
      %add3A_1244 = arith.constant 1024 : i32
      %add3A_1245 = vector.broadcast %add3A_1244 : i32 to vector<16xi32>
      %add3A_1246 = arith.addi %select_n3A_1178, %add3A_1245 : vector<16xi32>
      %add3A_1247 = arith.constant 1024 : i32
      %add3A_1248 = vector.broadcast %add3A_1247 : i32 to vector<16xi32>
      %add3A_1249 = arith.addi %select_n3A_1183, %add3A_1248 : vector<16xi32>
      %add3A_1250 = arith.constant 1024 : i32
      %add3A_1251 = vector.broadcast %add3A_1250 : i32 to vector<16xi32>
      %add3A_1252 = arith.addi %select_n3A_1188, %add3A_1251 : vector<16xi32>
      %add3A_1253 = arith.constant 1024 : i32
      %add3A_1254 = vector.broadcast %add3A_1253 : i32 to vector<16xi32>
      %add3A_1255 = arith.addi %select_n3A_1193, %add3A_1254 : vector<16xi32>
      %add3A_1256 = arith.constant 1024 : i32
      %add3A_1257 = vector.broadcast %add3A_1256 : i32 to vector<16xi32>
      %add3A_1258 = arith.addi %select_n3A_1198, %add3A_1257 : vector<16xi32>
      %add3A_1259 = arith.constant 1024 : i32
      %add3A_1260 = vector.broadcast %add3A_1259 : i32 to vector<16xi32>
      %add3A_1261 = arith.addi %select_n3A_1203, %add3A_1260 : vector<16xi32>
      %add3A_1262 = arith.constant 1024 : i32
      %add3A_1263 = vector.broadcast %add3A_1262 : i32 to vector<16xi32>
      %add3A_1264 = arith.addi %select_n3A_1208, %add3A_1263 : vector<16xi32>
      %add3A_1265 = arith.constant 1024 : i32
      %add3A_1266 = vector.broadcast %add3A_1265 : i32 to vector<16xi32>
      %add3A_1267 = arith.addi %select_n3A_1213, %add3A_1266 : vector<16xi32>
      %add3A_1268 = arith.constant 1024 : i32
      %add3A_1269 = vector.broadcast %add3A_1268 : i32 to vector<16xi32>
      %add3A_1270 = arith.addi %select_n3A_1218, %add3A_1269 : vector<16xi32>
      %add3A_1271 = arith.constant 1024 : i32
      %add3A_1272 = vector.broadcast %add3A_1271 : i32 to vector<16xi32>
      %add3A_1273 = arith.addi %select_n3A_1223, %add3A_1272 : vector<16xi32>
      %add3A_1274 = arith.constant 1024 : i32
      %add3A_1275 = vector.broadcast %add3A_1274 : i32 to vector<16xi32>
      %add3A_1276 = arith.addi %select_n3A_1228, %add3A_1275 : vector<16xi32>
      %add3A_1277 = arith.constant 1024 : i32
      %add3A_1278 = vector.broadcast %add3A_1277 : i32 to vector<16xi32>
      %add3A_1279 = arith.addi %select_n3A_1233, %add3A_1278 : vector<16xi32>
      %add3A_1280 = arith.constant 1024 : i32
      %add3A_1281 = vector.broadcast %add3A_1280 : i32 to vector<16xi32>
      %add3A_1282 = arith.addi %select_n3A_1238, %add3A_1281 : vector<16xi32>
      %add3A_1283 = arith.constant 1024 : i32
      %add3A_1284 = vector.broadcast %add3A_1283 : i32 to vector<16xi32>
      %add3A_1285 = arith.addi %select_n3A_1243, %add3A_1284 : vector<16xi32>
      %gather3A_1286 = tpu.vector_load_idx %arg8[%add3A_1246] : memref<2080xf32, #tpu.memory_space<vmem>>[vector<16xi32>], vector<16xf32>,
      %gather3A_1287 = tpu.vector_load_idx %arg8[%add3A_1249] : memref<2080xf32, #tpu.memory_space<vmem>>[vector<16xi32>], vector<16xf32>,
      %gather3A_1288 = tpu.vector_load_idx %arg8[%add3A_1252] : memref<2080xf32, #tpu.memory_space<vmem>>[vector<16xi32>], vector<16xf32>,
      %gather3A_1289 = tpu.vector_load_idx %arg8[%add3A_1255] : memref<2080xf32, #tpu.memory_space<vmem>>[vector<16xi32>], vector<16xf32>,
      %gather3A_1290 = tpu.vector_load_idx %arg8[%add3A_1258] : memref<2080xf32, #tpu.memory_space<vmem>>[vector<16xi32>], vector<16xf32>,
      %gather3A_1291 = tpu.vector_load_idx %arg8[%add3A_1261] : memref<2080xf32, #tpu.memory_space<vmem>>[vector<16xi32>], vector<16xf32>,
      %gather3A_1292 = tpu.vector_load_idx %arg8[%add3A_1264] : memref<2080xf32, #tpu.memory_space<vmem>>[vector<16xi32>], vector<16xf32>,
      %gather3A_1293 = tpu.vector_load_idx %arg8[%add3A_1267] : memref<2080xf32, #tpu.memory_space<vmem>>[vector<16xi32>], vector<16xf32>,
      %gather3A_1294 = tpu.vector_load_idx %arg8[%add3A_1270] : memref<2080xf32, #tpu.memory_space<vmem>>[vector<16xi32>], vector<16xf32>,
      %gather3A_1295 = tpu.vector_load_idx %arg8[%add3A_1273] : memref<2080xf32, #tpu.memory_space<vmem>>[vector<16xi32>], vector<16xf32>,
      %gather3A_1296 = tpu.vector_load_idx %arg8[%add3A_1276] : memref<2080xf32, #tpu.memory_space<vmem>>[vector<16xi32>], vector<16xf32>,
      %gather3A_1297 = tpu.vector_load_idx %arg8[%add3A_1279] : memref<2080xf32, #tpu.memory_space<vmem>>[vector<16xi32>], vector<16xf32>,
      %gather3A_1298 = tpu.vector_load_idx %arg8[%add3A_1282] : memref<2080xf32, #tpu.memory_space<vmem>>[vector<16xi32>], vector<16xf32>,
      %gather3A_1299 = tpu.vector_load_idx %arg8[%add3A_1285] : memref<2080xf32, #tpu.memory_space<vmem>>[vector<16xi32>], vector<16xf32>,
      %le3A_1300 = arith.cmpf ole, %gather3A_1286, %get3A_76 : vector<16xf32>
      %add3A_1301 = arith.constant 1 : i32
      %add3A_1302 = vector.broadcast %add3A_1301 : i32 to vector<16xi32>
      %add3A_1303 = arith.addi %select_n3A_1178, %add3A_1302 : vector<16xi32>
      %select_n3A_1304 = arith.select %le3A_1300, %add3A_1303, %select_n3A_1178 : vector<16xi1>, vector<16xi32>
      %le3A_1305 = arith.cmpf ole, %gather3A_1287, %get3A_80 : vector<16xf32>
      %add3A_1306 = arith.constant 1 : i32
      %add3A_1307 = vector.broadcast %add3A_1306 : i32 to vector<16xi32>
      %add3A_1308 = arith.addi %select_n3A_1183, %add3A_1307 : vector<16xi32>
      %select_n3A_1309 = arith.select %le3A_1305, %add3A_1308, %select_n3A_1183 : vector<16xi1>, vector<16xi32>
      %le3A_1310 = arith.cmpf ole, %gather3A_1288, %get3A_84 : vector<16xf32>
      %add3A_1311 = arith.constant 1 : i32
      %add3A_1312 = vector.broadcast %add3A_1311 : i32 to vector<16xi32>
      %add3A_1313 = arith.addi %select_n3A_1188, %add3A_1312 : vector<16xi32>
      %select_n3A_1314 = arith.select %le3A_1310, %add3A_1313, %select_n3A_1188 : vector<16xi1>, vector<16xi32>
      %le3A_1315 = arith.cmpf ole, %gather3A_1289, %get3A_88 : vector<16xf32>
      %add3A_1316 = arith.constant 1 : i32
      %add3A_1317 = vector.broadcast %add3A_1316 : i32 to vector<16xi32>
      %add3A_1318 = arith.addi %select_n3A_1193, %add3A_1317 : vector<16xi32>
      %select_n3A_1319 = arith.select %le3A_1315, %add3A_1318, %select_n3A_1193 : vector<16xi1>, vector<16xi32>
      %le3A_1320 = arith.cmpf ole, %gather3A_1290, %get3A_92 : vector<16xf32>
      %add3A_1321 = arith.constant 1 : i32
      %add3A_1322 = vector.broadcast %add3A_1321 : i32 to vector<16xi32>
      %add3A_1323 = arith.addi %select_n3A_1198, %add3A_1322 : vector<16xi32>
      %select_n3A_1324 = arith.select %le3A_1320, %add3A_1323, %select_n3A_1198 : vector<16xi1>, vector<16xi32>
      %le3A_1325 = arith.cmpf ole, %gather3A_1291, %get3A_96 : vector<16xf32>
      %add3A_1326 = arith.constant 1 : i32
      %add3A_1327 = vector.broadcast %add3A_1326 : i32 to vector<16xi32>
      %add3A_1328 = arith.addi %select_n3A_1203, %add3A_1327 : vector<16xi32>
      %select_n3A_1329 = arith.select %le3A_1325, %add3A_1328, %select_n3A_1203 : vector<16xi1>, vector<16xi32>
      %le3A_1330 = arith.cmpf ole, %gather3A_1292, %get3A_100 : vector<16xf32>
      %add3A_1331 = arith.constant 1 : i32
      %add3A_1332 = vector.broadcast %add3A_1331 : i32 to vector<16xi32>
      %add3A_1333 = arith.addi %select_n3A_1208, %add3A_1332 : vector<16xi32>
      %select_n3A_1334 = arith.select %le3A_1330, %add3A_1333, %select_n3A_1208 : vector<16xi1>, vector<16xi32>
      %le3A_1335 = arith.cmpf ole, %gather3A_1293, %get3A_104 : vector<16xf32>
      %add3A_1336 = arith.constant 1 : i32
      %add3A_1337 = vector.broadcast %add3A_1336 : i32 to vector<16xi32>
      %add3A_1338 = arith.addi %select_n3A_1213, %add3A_1337 : vector<16xi32>
      %select_n3A_1339 = arith.select %le3A_1335, %add3A_1338, %select_n3A_1213 : vector<16xi1>, vector<16xi32>
      %le3A_1340 = arith.cmpf ole, %gather3A_1294, %get3A_108 : vector<16xf32>
      %add3A_1341 = arith.constant 1 : i32
      %add3A_1342 = vector.broadcast %add3A_1341 : i32 to vector<16xi32>
      %add3A_1343 = arith.addi %select_n3A_1218, %add3A_1342 : vector<16xi32>
      %select_n3A_1344 = arith.select %le3A_1340, %add3A_1343, %select_n3A_1218 : vector<16xi1>, vector<16xi32>
      %le3A_1345 = arith.cmpf ole, %gather3A_1295, %get3A_112 : vector<16xf32>
      %add3A_1346 = arith.constant 1 : i32
      %add3A_1347 = vector.broadcast %add3A_1346 : i32 to vector<16xi32>
      %add3A_1348 = arith.addi %select_n3A_1223, %add3A_1347 : vector<16xi32>
      %select_n3A_1349 = arith.select %le3A_1345, %add3A_1348, %select_n3A_1223 : vector<16xi1>, vector<16xi32>
      %le3A_1350 = arith.cmpf ole, %gather3A_1296, %get3A_116 : vector<16xf32>
      %add3A_1351 = arith.constant 1 : i32
      %add3A_1352 = vector.broadcast %add3A_1351 : i32 to vector<16xi32>
      %add3A_1353 = arith.addi %select_n3A_1228, %add3A_1352 : vector<16xi32>
      %select_n3A_1354 = arith.select %le3A_1350, %add3A_1353, %select_n3A_1228 : vector<16xi1>, vector<16xi32>
      %le3A_1355 = arith.cmpf ole, %gather3A_1297, %get3A_120 : vector<16xf32>
      %add3A_1356 = arith.constant 1 : i32
      %add3A_1357 = vector.broadcast %add3A_1356 : i32 to vector<16xi32>
      %add3A_1358 = arith.addi %select_n3A_1233, %add3A_1357 : vector<16xi32>
      %select_n3A_1359 = arith.select %le3A_1355, %add3A_1358, %select_n3A_1233 : vector<16xi1>, vector<16xi32>
      %le3A_1360 = arith.cmpf ole, %gather3A_1298, %get3A_124 : vector<16xf32>
      %add3A_1361 = arith.constant 1 : i32
      %add3A_1362 = vector.broadcast %add3A_1361 : i32 to vector<16xi32>
      %add3A_1363 = arith.addi %select_n3A_1238, %add3A_1362 : vector<16xi32>
      %select_n3A_1364 = arith.select %le3A_1360, %add3A_1363, %select_n3A_1238 : vector<16xi1>, vector<16xi32>
      %le3A_1365 = arith.cmpf ole, %gather3A_1299, %get3A_128 : vector<16xf32>
      %add3A_1366 = arith.constant 1 : i32
      %add3A_1367 = vector.broadcast %add3A_1366 : i32 to vector<16xi32>
      %add3A_1368 = arith.addi %select_n3A_1243, %add3A_1367 : vector<16xi32>
      %select_n3A_1369 = arith.select %le3A_1365, %add3A_1368, %select_n3A_1243 : vector<16xi1>, vector<16xi32>
      %gather3A_1370 = tpu.vector_load_idx %arg8[%select_n3A_1304] : memref<2080xf32, #tpu.memory_space<vmem>>[vector<16xi32>], vector<16xf32>,
      %gather3A_1371 = tpu.vector_load_idx %arg8[%select_n3A_1309] : memref<2080xf32, #tpu.memory_space<vmem>>[vector<16xi32>], vector<16xf32>,
      %gather3A_1372 = tpu.vector_load_idx %arg8[%select_n3A_1314] : memref<2080xf32, #tpu.memory_space<vmem>>[vector<16xi32>], vector<16xf32>,
      %gather3A_1373 = tpu.vector_load_idx %arg8[%select_n3A_1319] : memref<2080xf32, #tpu.memory_space<vmem>>[vector<16xi32>], vector<16xf32>,
      %gather3A_1374 = tpu.vector_load_idx %arg8[%select_n3A_1324] : memref<2080xf32, #tpu.memory_space<vmem>>[vector<16xi32>], vector<16xf32>,
      %gather3A_1375 = tpu.vector_load_idx %arg8[%select_n3A_1329] : memref<2080xf32, #tpu.memory_space<vmem>>[vector<16xi32>], vector<16xf32>,
      %gather3A_1376 = tpu.vector_load_idx %arg8[%select_n3A_1334] : memref<2080xf32, #tpu.memory_space<vmem>>[vector<16xi32>], vector<16xf32>,
      %gather3A_1377 = tpu.vector_load_idx %arg8[%select_n3A_1339] : memref<2080xf32, #tpu.memory_space<vmem>>[vector<16xi32>], vector<16xf32>,
      %gather3A_1378 = tpu.vector_load_idx %arg8[%select_n3A_1344] : memref<2080xf32, #tpu.memory_space<vmem>>[vector<16xi32>], vector<16xf32>,
      %gather3A_1379 = tpu.vector_load_idx %arg8[%select_n3A_1349] : memref<2080xf32, #tpu.memory_space<vmem>>[vector<16xi32>], vector<16xf32>,
      %gather3A_1380 = tpu.vector_load_idx %arg8[%select_n3A_1354] : memref<2080xf32, #tpu.memory_space<vmem>>[vector<16xi32>], vector<16xf32>,
      %gather3A_1381 = tpu.vector_load_idx %arg8[%select_n3A_1359] : memref<2080xf32, #tpu.memory_space<vmem>>[vector<16xi32>], vector<16xf32>,
      %gather3A_1382 = tpu.vector_load_idx %arg8[%select_n3A_1364] : memref<2080xf32, #tpu.memory_space<vmem>>[vector<16xi32>], vector<16xf32>,
      %gather3A_1383 = tpu.vector_load_idx %arg8[%select_n3A_1369] : memref<2080xf32, #tpu.memory_space<vmem>>[vector<16xi32>], vector<16xf32>,
      %add3A_1384 = arith.constant 0 : i32
      %add3A_1385 = arith.addi %multiple_of3A, %add3A_1384 : i32
      %swap3A_1386 = arith.index_cast %add3A_1385 : i32 to index
      %swap3A_1387 = tpu.vector_load %arg7[%swap3A_1386] {strides = array<i32>} : memref<3136xf32, #tpu.memory_space<vmem>>, vector<16xf32>,
      tpu.vector_store %arg7[%swap3A_1386], %gather3A_1370 {strides = array<i32>} : memref<3136xf32, #tpu.memory_space<vmem>>, vector<16xf32>,
      %sub3A_1388 = arith.subf %gather3A_1370, %get3A_76 : vector<16xf32>
      %mul3A_1389 = arith.mulf %sub3A_1388, %sub3A_1388 : vector<16xf32>
      %add3A_1390 = arith.addf %scan3A_57, %mul3A_1389 : vector<16xf32>
      %add3A_1391 = arith.constant 16 : i32
      %add3A_1392 = arith.addi %multiple_of3A, %add3A_1391 : i32
      %swap3A_1393 = arith.index_cast %add3A_1392 : i32 to index
      %swap3A_1394 = tpu.vector_load %arg7[%swap3A_1393] {strides = array<i32>} : memref<3136xf32, #tpu.memory_space<vmem>>, vector<16xf32>,
      tpu.vector_store %arg7[%swap3A_1393], %gather3A_1371 {strides = array<i32>} : memref<3136xf32, #tpu.memory_space<vmem>>, vector<16xf32>,
      %sub3A_1395 = arith.subf %gather3A_1371, %get3A_80 : vector<16xf32>
      %mul3A_1396 = arith.mulf %sub3A_1395, %sub3A_1395 : vector<16xf32>
      %add3A_1397 = arith.addf %scan3A_58, %mul3A_1396 : vector<16xf32>
      %add3A_1398 = arith.constant 32 : i32
      %add3A_1399 = arith.addi %multiple_of3A, %add3A_1398 : i32
      %swap3A_1400 = arith.index_cast %add3A_1399 : i32 to index
      %swap3A_1401 = tpu.vector_load %arg7[%swap3A_1400] {strides = array<i32>} : memref<3136xf32, #tpu.memory_space<vmem>>, vector<16xf32>,
      tpu.vector_store %arg7[%swap3A_1400], %gather3A_1372 {strides = array<i32>} : memref<3136xf32, #tpu.memory_space<vmem>>, vector<16xf32>,
      %sub3A_1402 = arith.subf %gather3A_1372, %get3A_84 : vector<16xf32>
      %mul3A_1403 = arith.mulf %sub3A_1402, %sub3A_1402 : vector<16xf32>
      %add3A_1404 = arith.addf %scan3A_59, %mul3A_1403 : vector<16xf32>
      %add3A_1405 = arith.constant 48 : i32
      %add3A_1406 = arith.addi %multiple_of3A, %add3A_1405 : i32
      %swap3A_1407 = arith.index_cast %add3A_1406 : i32 to index
      %swap3A_1408 = tpu.vector_load %arg7[%swap3A_1407] {strides = array<i32>} : memref<3136xf32, #tpu.memory_space<vmem>>, vector<16xf32>,
      tpu.vector_store %arg7[%swap3A_1407], %gather3A_1373 {strides = array<i32>} : memref<3136xf32, #tpu.memory_space<vmem>>, vector<16xf32>,
      %sub3A_1409 = arith.subf %gather3A_1373, %get3A_88 : vector<16xf32>
      %mul3A_1410 = arith.mulf %sub3A_1409, %sub3A_1409 : vector<16xf32>
      %add3A_1411 = arith.addf %scan3A_60, %mul3A_1410 : vector<16xf32>
      %add3A_1412 = arith.constant 64 : i32
      %add3A_1413 = arith.addi %multiple_of3A, %add3A_1412 : i32
      %swap3A_1414 = arith.index_cast %add3A_1413 : i32 to index
      %swap3A_1415 = tpu.vector_load %arg7[%swap3A_1414] {strides = array<i32>} : memref<3136xf32, #tpu.memory_space<vmem>>, vector<16xf32>,
      tpu.vector_store %arg7[%swap3A_1414], %gather3A_1374 {strides = array<i32>} : memref<3136xf32, #tpu.memory_space<vmem>>, vector<16xf32>,
      %sub3A_1416 = arith.subf %gather3A_1374, %get3A_92 : vector<16xf32>
      %mul3A_1417 = arith.mulf %sub3A_1416, %sub3A_1416 : vector<16xf32>
      %add3A_1418 = arith.addf %scan3A_61, %mul3A_1417 : vector<16xf32>
      %add3A_1419 = arith.constant 80 : i32
      %add3A_1420 = arith.addi %multiple_of3A, %add3A_1419 : i32
      %swap3A_1421 = arith.index_cast %add3A_1420 : i32 to index
      %swap3A_1422 = tpu.vector_load %arg7[%swap3A_1421] {strides = array<i32>} : memref<3136xf32, #tpu.memory_space<vmem>>, vector<16xf32>,
      tpu.vector_store %arg7[%swap3A_1421], %gather3A_1375 {strides = array<i32>} : memref<3136xf32, #tpu.memory_space<vmem>>, vector<16xf32>,
      %sub3A_1423 = arith.subf %gather3A_1375, %get3A_96 : vector<16xf32>
      %mul3A_1424 = arith.mulf %sub3A_1423, %sub3A_1423 : vector<16xf32>
      %add3A_1425 = arith.addf %scan3A_62, %mul3A_1424 : vector<16xf32>
      %add3A_1426 = arith.constant 96 : i32
      %add3A_1427 = arith.addi %multiple_of3A, %add3A_1426 : i32
      %swap3A_1428 = arith.index_cast %add3A_1427 : i32 to index
      %swap3A_1429 = tpu.vector_load %arg7[%swap3A_1428] {strides = array<i32>} : memref<3136xf32, #tpu.memory_space<vmem>>, vector<16xf32>,
      tpu.vector_store %arg7[%swap3A_1428], %gather3A_1376 {strides = array<i32>} : memref<3136xf32, #tpu.memory_space<vmem>>, vector<16xf32>,
      %sub3A_1430 = arith.subf %gather3A_1376, %get3A_100 : vector<16xf32>
      %mul3A_1431 = arith.mulf %sub3A_1430, %sub3A_1430 : vector<16xf32>
      %add3A_1432 = arith.addf %scan3A_63, %mul3A_1431 : vector<16xf32>
      %add3A_1433 = arith.constant 112 : i32
      %add3A_1434 = arith.addi %multiple_of3A, %add3A_1433 : i32
      %swap3A_1435 = arith.index_cast %add3A_1434 : i32 to index
      %swap3A_1436 = tpu.vector_load %arg7[%swap3A_1435] {strides = array<i32>} : memref<3136xf32, #tpu.memory_space<vmem>>, vector<16xf32>,
      tpu.vector_store %arg7[%swap3A_1435], %gather3A_1377 {strides = array<i32>} : memref<3136xf32, #tpu.memory_space<vmem>>, vector<16xf32>,
      %sub3A_1437 = arith.subf %gather3A_1377, %get3A_104 : vector<16xf32>
      %mul3A_1438 = arith.mulf %sub3A_1437, %sub3A_1437 : vector<16xf32>
      %add3A_1439 = arith.addf %scan3A_64, %mul3A_1438 : vector<16xf32>
      %add3A_1440 = arith.constant 128 : i32
      %add3A_1441 = arith.addi %multiple_of3A, %add3A_1440 : i32
      %swap3A_1442 = arith.index_cast %add3A_1441 : i32 to index
      %swap3A_1443 = tpu.vector_load %arg7[%swap3A_1442] {strides = array<i32>} : memref<3136xf32, #tpu.memory_space<vmem>>, vector<16xf32>,
      tpu.vector_store %arg7[%swap3A_1442], %gather3A_1378 {strides = array<i32>} : memref<3136xf32, #tpu.memory_space<vmem>>, vector<16xf32>,
      %sub3A_1444 = arith.subf %gather3A_1378, %get3A_108 : vector<16xf32>
      %mul3A_1445 = arith.mulf %sub3A_1444, %sub3A_1444 : vector<16xf32>
      %add3A_1446 = arith.addf %scan3A_65, %mul3A_1445 : vector<16xf32>
      %add3A_1447 = arith.constant 144 : i32
      %add3A_1448 = arith.addi %multiple_of3A, %add3A_1447 : i32
      %swap3A_1449 = arith.index_cast %add3A_1448 : i32 to index
      %swap3A_1450 = tpu.vector_load %arg7[%swap3A_1449] {strides = array<i32>} : memref<3136xf32, #tpu.memory_space<vmem>>, vector<16xf32>,
      tpu.vector_store %arg7[%swap3A_1449], %gather3A_1379 {strides = array<i32>} : memref<3136xf32, #tpu.memory_space<vmem>>, vector<16xf32>,
      %sub3A_1451 = arith.subf %gather3A_1379, %get3A_112 : vector<16xf32>
      %mul3A_1452 = arith.mulf %sub3A_1451, %sub3A_1451 : vector<16xf32>
      %add3A_1453 = arith.addf %scan3A_66, %mul3A_1452 : vector<16xf32>
      %add3A_1454 = arith.constant 160 : i32
      %add3A_1455 = arith.addi %multiple_of3A, %add3A_1454 : i32
      %swap3A_1456 = arith.index_cast %add3A_1455 : i32 to index
      %swap3A_1457 = tpu.vector_load %arg7[%swap3A_1456] {strides = array<i32>} : memref<3136xf32, #tpu.memory_space<vmem>>, vector<16xf32>,
      tpu.vector_store %arg7[%swap3A_1456], %gather3A_1380 {strides = array<i32>} : memref<3136xf32, #tpu.memory_space<vmem>>, vector<16xf32>,
      %sub3A_1458 = arith.subf %gather3A_1380, %get3A_116 : vector<16xf32>
      %mul3A_1459 = arith.mulf %sub3A_1458, %sub3A_1458 : vector<16xf32>
      %add3A_1460 = arith.addf %scan3A_67, %mul3A_1459 : vector<16xf32>
      %add3A_1461 = arith.constant 176 : i32
      %add3A_1462 = arith.addi %multiple_of3A, %add3A_1461 : i32
      %swap3A_1463 = arith.index_cast %add3A_1462 : i32 to index
      %swap3A_1464 = tpu.vector_load %arg7[%swap3A_1463] {strides = array<i32>} : memref<3136xf32, #tpu.memory_space<vmem>>, vector<16xf32>,
      tpu.vector_store %arg7[%swap3A_1463], %gather3A_1381 {strides = array<i32>} : memref<3136xf32, #tpu.memory_space<vmem>>, vector<16xf32>,
      %sub3A_1465 = arith.subf %gather3A_1381, %get3A_120 : vector<16xf32>
      %mul3A_1466 = arith.mulf %sub3A_1465, %sub3A_1465 : vector<16xf32>
      %add3A_1467 = arith.addf %scan3A_68, %mul3A_1466 : vector<16xf32>
      %add3A_1468 = arith.constant 192 : i32
      %add3A_1469 = arith.addi %multiple_of3A, %add3A_1468 : i32
      %swap3A_1470 = arith.index_cast %add3A_1469 : i32 to index
      %swap3A_1471 = tpu.vector_load %arg7[%swap3A_1470] {strides = array<i32>} : memref<3136xf32, #tpu.memory_space<vmem>>, vector<16xf32>,
      tpu.vector_store %arg7[%swap3A_1470], %gather3A_1382 {strides = array<i32>} : memref<3136xf32, #tpu.memory_space<vmem>>, vector<16xf32>,
      %sub3A_1472 = arith.subf %gather3A_1382, %get3A_124 : vector<16xf32>
      %mul3A_1473 = arith.mulf %sub3A_1472, %sub3A_1472 : vector<16xf32>
      %add3A_1474 = arith.addf %scan3A_69, %mul3A_1473 : vector<16xf32>
      %add3A_1475 = arith.constant 208 : i32
      %add3A_1476 = arith.addi %multiple_of3A, %add3A_1475 : i32
      %swap3A_1477 = arith.index_cast %add3A_1476 : i32 to index
      %swap3A_1478 = tpu.vector_load %arg7[%swap3A_1477] {strides = array<i32>} : memref<3136xf32, #tpu.memory_space<vmem>>, vector<16xf32>,
      tpu.vector_store %arg7[%swap3A_1477], %gather3A_1383 {strides = array<i32>} : memref<3136xf32, #tpu.memory_space<vmem>>, vector<16xf32>,
      %sub3A_1479 = arith.subf %gather3A_1383, %get3A_128 : vector<16xf32>
      %mul3A_1480 = arith.mulf %sub3A_1479, %sub3A_1479 : vector<16xf32>
      %add3A_1481 = arith.addf %scan3A_70, %mul3A_1480 : vector<16xf32>
      scf.yield %add3A_1390, %add3A_1397, %add3A_1404, %add3A_1411, %add3A_1418, %add3A_1425, %add3A_1432, %add3A_1439, %add3A_1446, %add3A_1453, %add3A_1460, %add3A_1467, %add3A_1474, %add3A_1481 : vector<16xf32>, vector<16xf32>, vector<16xf32>, vector<16xf32>, vector<16xf32>, vector<16xf32>, vector<16xf32>, vector<16xf32>, vector<16xf32>, vector<16xf32>, vector<16xf32>, vector<16xf32>, vector<16xf32>, vector<16xf32>
    }
    %scan3A_41 = arith.constant 14 : i32
    %add3A_42 = arith.addf %scan3A_40#0, %scan3A_40#1 : vector<16xf32>
    %add3A_43 = arith.addf %add3A_42, %scan3A_40#2 : vector<16xf32>
    %add3A_44 = arith.addf %add3A_43, %scan3A_40#3 : vector<16xf32>
    %add3A_45 = arith.addf %add3A_44, %scan3A_40#4 : vector<16xf32>
    %add3A_46 = arith.addf %add3A_45, %scan3A_40#5 : vector<16xf32>
    %add3A_47 = arith.addf %add3A_46, %scan3A_40#6 : vector<16xf32>
    %add3A_48 = arith.addf %add3A_47, %scan3A_40#7 : vector<16xf32>
    %add3A_49 = arith.addf %add3A_48, %scan3A_40#8 : vector<16xf32>
    %add3A_50 = arith.addf %add3A_49, %scan3A_40#9 : vector<16xf32>
    %add3A_51 = arith.addf %add3A_50, %scan3A_40#10 : vector<16xf32>
    %add3A_52 = arith.addf %add3A_51, %scan3A_40#11 : vector<16xf32>
    %add3A_53 = arith.addf %add3A_52, %scan3A_40#12 : vector<16xf32>
    %add3A_54 = arith.addf %add3A_53, %scan3A_40#13 : vector<16xf32>
    %swap3A = arith.constant 0 : index
    %swap3A_55 = tpu.vector_load %arg9[%swap3A] {strides = array<i32>} : memref<16xf32, #tpu.memory_space<vmem>>, vector<16xf32>,
    tpu.vector_store %arg9[%swap3A], %add3A_54 {strides = array<i32>} : memref<16xf32, #tpu.memory_space<vmem>>, vector<16xf32>,
    "tpu.region"() ({
      %run_scoped3A = tpu.sem_alloc : memref<!tpu.dma_semaphore, #tpu.memory_space<semaphore_mem>>
      %dma_start3A_56 = tpu.memref_slice %arg4[%mul3A_2] : memref<100352xf32, #tpu.memory_space<hbm>> -> memref<3136xf32, #tpu.memory_space<hbm>>
      %dma_start3A_57 = tpu.memref_slice %arg4[%mul3A_2] : memref<100352xf32, #tpu.memory_space<hbm>> -> memref<3136xf32, #tpu.memory_space<hbm>>
      tpu.enqueue_dma source(%arg7 : memref<3136xf32, #tpu.memory_space<vmem>>) target(%dma_start3A_57 : memref<3136xf32, #tpu.memory_space<hbm>>) target_semaphore(%run_scoped3A : memref<!tpu.dma_semaphore, #tpu.memory_space<semaphore_mem>>)
      %dma_wait3A_58 = tpu.memref_slice %arg4[%mul3A_2] : memref<100352xf32, #tpu.memory_space<hbm>> -> memref<3136xf32, #tpu.memory_space<hbm>>
      %dma_wait3A_59 = tpu.memref_slice %arg4[%mul3A_2] : memref<100352xf32, #tpu.memory_space<hbm>> -> memref<3136xf32, #tpu.memory_space<hbm>>
      tpu.wait_dma2 semaphore(%run_scoped3A : memref<!tpu.dma_semaphore, #tpu.memory_space<semaphore_mem>>) src(%arg7 : memref<3136xf32, #tpu.memory_space<vmem>>) dst(%dma_wait3A_59 : memref<3136xf32, #tpu.memory_space<hbm>>)
      tpu.yield
    }) : () -> ()
    "tpu.region"() ({
      %run_scoped3A = tpu.sem_alloc : memref<!tpu.dma_semaphore, #tpu.memory_space<semaphore_mem>>
      %dma_start3A_56 = arith.constant 0 : i32
      %dma_start3A_57 = tpu.memref_slice %arg5[%add3A, %dma_start3A_56] : memref<32x16xf32, #tpu.memory_space<hbm>> -> memref<1x16xf32, #tpu.memory_space<hbm>>
      %dma_start3A_58 = tpu.memref_squeeze %dma_start3A_57 : memref<1x16xf32, #tpu.memory_space<hbm>> -> memref<16xf32, #tpu.memory_space<hbm>>
      %dma_start3A_59 = arith.constant 0 : i32
      %dma_start3A_60 = tpu.memref_slice %arg5[%add3A, %dma_start3A_59] : memref<32x16xf32, #tpu.memory_space<hbm>> -> memref<1x16xf32, #tpu.memory_space<hbm>>
      %dma_start3A_61 = tpu.memref_squeeze %dma_start3A_60 : memref<1x16xf32, #tpu.memory_space<hbm>> -> memref<16xf32, #tpu.memory_space<hbm>>
      tpu.enqueue_dma source(%arg9 : memref<16xf32, #tpu.memory_space<vmem>>) target(%dma_start3A_61 : memref<16xf32, #tpu.memory_space<hbm>>) target_semaphore(%run_scoped3A : memref<!tpu.dma_semaphore, #tpu.memory_space<semaphore_mem>>)
      %dma_wait3A_62 = arith.constant 0 : i32
      %dma_wait3A_63 = tpu.memref_slice %arg5[%add3A, %dma_wait3A_62] : memref<32x16xf32, #tpu.memory_space<hbm>> -> memref<1x16xf32, #tpu.memory_space<hbm>>
      %dma_wait3A_64 = tpu.memref_squeeze %dma_wait3A_63 : memref<1x16xf32, #tpu.memory_space<hbm>> -> memref<16xf32, #tpu.memory_space<hbm>>
      %dma_wait3A_65 = arith.constant 0 : i32
      %dma_wait3A_66 = tpu.memref_slice %arg5[%add3A, %dma_wait3A_65] : memref<32x16xf32, #tpu.memory_space<hbm>> -> memref<1x16xf32, #tpu.memory_space<hbm>>
      %dma_wait3A_67 = tpu.memref_squeeze %dma_wait3A_66 : memref<1x16xf32, #tpu.memory_space<hbm>> -> memref<16xf32, #tpu.memory_space<hbm>>
      tpu.wait_dma2 semaphore(%run_scoped3A : memref<!tpu.dma_semaphore, #tpu.memory_space<semaphore_mem>>) src(%arg9 : memref<16xf32, #tpu.memory_space<vmem>>) dst(%dma_wait3A_67 : memref<16xf32, #tpu.memory_space<hbm>>)
      tpu.yield
    }) : () -> ()
    return
  }
}

</mosaic_0001>

<sc_bundles>
// kernel: gather_offload_async_start.1
scs
__scs_entry_jumppad:
0x0: {  	(pc) =	sbr.rel $0x88, $3  }
0x1: {  	(tag) =	ssettag $0x0;
	lr =	simm.s32 $0x1  }
0x2: {  	[smem:$0x3F9F] =	sst lr;
	_ =	strace $0xD0000000  }
0x3: {  	_ = 	snop  }
0x4: {  	_ = 	snop  }
0x5: {  	_ = 	snop  }
0x6: {  	_ = 	snop  }
0x7: {  	_ = 	snop  }
__scs_overlays_trampoline_lowered:
0x8: {  	[smem:$0x3FAE] =	sst s0  }
0x9: {  	[smem:$0x3FAF] =	sst s1  }
0xa: {  	[smem:$0x3FB0] =	sst s2  }
0xb: {  	[smem:$0x3FB1] =	sst s3  }
0xc: {  	[smem:$0x3FB2] =	sst s4  }
0xd: {  	[smem:$0x3FB3] =	sst s5  }
0xe: {  	[smem:$0x3FB4] =	sst s6  }
0xf: {  	[smem:$0x3FB5] =	sst s7  }
0x10: {  	[smem:$0x3FB6] =	sst s8  }
0x11: {  	[smem:$0x3FB7] =	sst s9;
	s0 =	simm.s32 @!p0 $0x0  }
0x12: {  	s1 =	sld [smem:$0x3F9D];
	s0 =	simm.s32 @p0 $0x1  }
0x13: {  	[smem:$0x3FB8] =	sst s0;
	s0 =	simm.s32 @!p1 $0x0  }
0x14: {  	s2 =	sld [smem:$0x3F9C];
	s0 =	simm.s32 @p1 $0x1  }
0x15: {  	[smem:$0x3FB9] =	sst s0;
	s0 =	simm.s32 @!p2 $0x0  }
0x16: {  	s3 =	sld [smem:$0x3FDB];
	s0 =	simm.s32 @p2 $0x1  }
0x17: {  	s4 =	simm.s32 $0x1BF5;
	[smem:$0x3FBB] =	sst s0  }
0x18: {  	s0 =	sld [smem:$0x3F9E];
	_ =	swait.ge [sflag:s4], $0x0  }
0x19: {  	s7 =	sld [smem:$0x3F9F]  }
0x1a: {  	s8 =	sadd.s32 $0xFFFFE003, lr  }
0x1b: {  	s9 =	sadd.s32 $0xFFFFFEF7, lr;
	s5 =	simm.s32 $0xFFFFFFFF;
	p2 =	slt.u32 s8, $0xFFFFF086  }
0x1c: {  	p1 =	slt.u32 s9, $0xF7A;
	s5 =	simm.s32 @!p2 $0x0  }
0x1d: {  	s5 =	simm.s32 @p1 $0x1;
	p0 =	seq.s32 s7, s2  }
0x1e: {  	s7 =	smul.u32 @!p0 $0xF7A, s2;
	p2 =	seq.s32 @!p0 s5, $0x0  }
0x1f: {  	s9 =	smul.u32 $0xF7A, s1;
	s8 =	simm.s32 @!p0 $0x1BF5;
	p2 =	por !p2, p0  }
0x20: {  	[sflag:s8] =	ssyncset.s32 @!p0 $0xFFFFF086;
	s6 =	sadd.s32 @!p0 s3, s7;
	s7 =	simm.s32 @!p0 $0x108  }
0x21: {  	s3 =	sadd.s32 s3, s9;
	s6 =	sadd.s32 @!p0 $0x88, s6;
	s7 =	simm.s32 @p2 $0x1082  }
0x22: {  	[simem:s7], [sflag:s8] =	dma.local @!p0 [hbm:s6], $0xF7A  }
0x23: {  	s9 =	sor.u32 $0xD0000000, s2;
	s6 =	simm.s32 $0x108;
	_ =	swait.ge @!p0 [sflag:s8], $0x0  }
0x24: {  	s3 =	sadd.s32 $0x88, s3;
	s6 =	simm.s32 @!p1 $0x1082;
	[sflag:s4] =	ssyncset.s32 $0xFFFFF086  }
0x25: {  	[simem:s6], [sflag:s4] =	dma.local [hbm:s3], $0xF7A  }
0x26: {  	[smem:$0x3F9F] =	sst s1;
	(tag) =	ssettag s2;
	_ =	strace s9  }
0x27: {  	s1 =	sld [smem:$0x3FAF]  }
0x28: {  	s2 =	sld [smem:$0x3FB0]  }
0x29: {  	s4 =	sld [smem:$0x3FB2]  }
0x2a: {  	p0 =	seq.s32 s5, $0x0;
	s5 =	sld [smem:$0x3FB3]  }
0x2b: {  	s6 =	sld [smem:$0x3FB4]  }
0x2c: {  	s7 =	sld [smem:$0x3FB5]  }
0x2d: {  	s3 =	simm.s32 $0x108;
	s8 =	sld [smem:$0x3FB6]  }
0x2e: {  	s3 =	simm.s32 @!p0 $0x1082;
	s9 =	sld [smem:$0x3FB7]  }
0x2f: {  	lr =	sadd.s32 s0, s3;
	s0 =	sld [smem:$0x3FAE]  }
0x30: {  	s3 =	sld [smem:$0x3FB1]  }
0x31: {  	[smem:$0x3FBA] =	sst s10  }
0x32: {  	s10 =	sld [smem:$0x3FB8];
	_ =	sdelay $0x3  }
0x33: {  	p0 =	seq.s32 s10, $0x1;
	s10 =	sld [smem:$0x3FBA];
	_ =	sdelay $0x3  }
0x34: {  	[smem:$0x3FBA] =	sst s10  }
0x35: {  	s10 =	sld [smem:$0x3FB9];
	_ =	sdelay $0x3  }
0x36: {  	p1 =	seq.s32 s10, $0x1;
	s10 =	sld [smem:$0x3FBA];
	_ =	sdelay $0x3  }
0x37: {  	[smem:$0x3FBA] =	sst s10  }
0x38: {  	s10 =	sld [smem:$0x3FBB]  }
0x39: {  	_ = 	snop;
	(pc) =	sbr.ind lr, $3  }
0x3a: {  	_ = 	snop  }
0x3b: {  	_ = 	snop  }
0x3c: {  	p2 =	seq.s32 s10, $0x1;
	s10 =	sld [smem:$0x3FBA]  }
0x3d: {  	_ =	shalt  }
0x3e: {  	_ =	shalt  }
0x3f: {  	_ =	shalt  }
0x40: {  	_ =	shalt  }
0x41: {  	_ =	shalt  }
0x42: {  	_ =	shalt  }
0x43: {  	_ =	shalt  }
0x44: {  	_ =	shalt  }
0x45: {  	_ =	shalt  }
0x46: {  	_ =	shalt  }
0x47: {  	_ =	shalt  }
0x48: {  	_ =	shalt  }
0x49: {  	_ =	shalt  }
0x4a: {  	_ =	shalt  }
0x4b: {  	_ =	shalt  }
0x4c: {  	_ =	shalt  }
0x4d: {  	_ =	shalt  }
0x4e: {  	_ =	shalt  }
0x4f: {  	_ =	shalt  }
0x50: {  	_ =	shalt  }
0x51: {  	_ =	shalt  }
0x52: {  	_ =	shalt  }
0x53: {  	_ =	shalt  }
0x54: {  	_ =	shalt  }
0x55: {  	_ =	shalt  }
0x56: {  	_ =	shalt  }
0x57: {  	_ =	shalt  }
0x58: {  	_ =	shalt  }
0x59: {  	_ =	shalt  }
0x5a: {  	_ =	shalt  }
0x5b: {  	_ =	shalt  }
0x5c: {  	_ =	shalt  }
0x5d: {  	_ =	shalt  }
0x5e: {  	_ =	shalt  }
0x5f: {  	_ =	shalt  }
0x60: {  	_ =	shalt  }
0x61: {  	_ =	shalt  }
0x62: {  	_ =	shalt  }
0x63: {  	_ =	shalt  }
0x64: {  	_ =	shalt  }
0x65: {  	_ =	shalt  }
0x66: {  	_ =	shalt  }
0x67: {  	_ =	shalt  }
0x68: {  	_ =	shalt  }
0x69: {  	_ =	shalt  }
0x6a: {  	_ =	shalt  }
0x6b: {  	_ =	shalt  }
0x6c: {  	_ =	shalt  }
0x6d: {  	_ =	shalt  }
0x6e: {  	_ =	shalt  }
0x6f: {  	_ =	shalt  }
0x70: {  	_ =	shalt  }
0x71: {  	_ =	shalt  }
0x72: {  	_ =	shalt  }
0x73: {  	_ =	shalt  }
0x74: {  	_ =	shalt  }
0x75: {  	_ =	shalt  }
0x76: {  	_ =	shalt  }
0x77: {  	_ =	shalt  }
0x78: {  	_ =	shalt  }
0x79: {  	_ =	shalt  }
0x7a: {  	_ =	shalt  }
0x7b: {  	_ =	shalt  }
0x7c: {  	_ =	shalt  }
0x7d: {  	_ =	shalt  }
0x7e: {  	_ =	shalt  }
0x7f: {  	_ =	shalt  }
0x80: {  	_ =	shalt  }
0x81: {  	_ =	shalt  }
0x82: {  	_ =	shalt  }
0x83: {  	_ =	shalt  }
0x84: {  	_ =	shalt  }
0x85: {  	_ =	shalt  }
0x86: {  	_ =	shalt  }
0x87: {  	_ =	shalt  }
.Lfunc_end0:
.L_simem_size_0:
called_computation.1_lowered:
.L_overlay_start_0:
0x88: {  	s2 =	sld [smem:$0x3FD9]  }
0x89: {  	s3 =	sld [smem:$0x3FFE];
	_ =	sdelay $0x1  }
0x8a: {  	s1 =	srdreg.scid  }
0x8b: {  	s0 =	sand.u32 $0x1, s1  }
0x8c: {  	s16 =	sshll.u32 s0, $0xA;
	s2 =	sadd.s32 s3, s2  }
0x8d: {  	s2 =	sadd.s32 s2, s16  }
0x8e: {  	[smem:$0x3FC6] =	sst s2  }
0x8f: {  	_ = 	snop  }
0x90: {  	(tm) =	ssettm $0x1  }
0x91: {  	s17 =	sld [smem:$0x3FFB];
	_ =	sdelay $0x3  }
0x92: {  	_ =	strace s17  }
0x93: {  	s2 =	sld [smem:$0x3FFC];
	_ =	sdelay $0x3  }
0x94: {  	_ =	strace s2  }
0x95: {  	s2 =	sld [smem:$0x3FFD];
	_ =	sdelay $0x3  }
0x96: {  	_ =	strace s2  }
0x97: {  	_ =	strace $0x8FFFFFFF  }
0x98: {  	s18 =	sld [smem:$0x3FDB];
	_ =	sdelay $0x1  }
0x99: {  	s19 =	simm.s32 $_scs_section_size  }
0x9a: {  	s4 =	simm.s32 $_size__tile_overlayer_lowered;
	s5 =	simm.s32 $_tile_overlayer_lowered  }
0x9b: {  	s22 =	simm.s32 $0x1BFF;
	s21 =	sshll.u32 s5, $0x1;
	s2 =	sadd.s32 s19, s18  }
0x9c: {  	s6 =	simm.s32 $0x0;
	s20 =	sshll.u32 s4, $0x1;
	s4 =	sadd.s32 s21, s2  }
0x9d: {  	[timem:s6], [sflag:s22] =	dma.local [hbm:s4], s20  }
0x9e: {  	_ =	swait.ge [sflag:s22], s20  }
0x9f: {  	s3 =	ssub.s32 $0x0, s20;
	[sflag:s22] =	ssyncset.done $0x0  }
0xa0: {  	[sflag:s22] =	ssyncadd.s32 s3;
	_ =	sdelay $0x1  }
0xa1: {  	s23 =	simm.s32 $0x1B8B  }
0xa2: {  	_ =	swait.ge [sflag:s23], $0x1  }
0xa3: {  	[sflag:s23] =	ssyncset.done $0x0  }
0xa4: {  	s25 =	simm.s32 $0x1B8E;
	s24 =	sld [smem:$0x3FFE];
	[sflag:s23] =	ssyncadd.s32 $0xFFFFFFFF  }
0xa5: {  	s26 =	simm.s32 $execute0_lowered;
	[smem:$0x3FD2] =	sst s25  }
0xa6: {  	s4 =	sshll.u32 s26, $0x1;
	_ =	strace $0x80000046;
	[dreg:$0x1] =	wrdreg $0xFFFFFFFF  }
0xa7: {  	s28 =	simm.s32 $_size_execute0_lowered;
	s2 =	sadd.s32 s2, s4;
	[dreg:$0x0] =	wrdreg $0x0  }
0xa8: {  	s4 =	sshll.u32 s28, $0x1;
	[dreg:$0x2] =	wrdreg s2  }
0xa9: {  	[dreg:$0x3] =	wrdreg s4  }
0xaa: {  	[dreg:$0x4] =	wrdreg $0xC0  }
0xab: {  	_ =	task [dreg:s6], $0x5FFFF  }
0xac: {  	[dreg:$0x1] =	wrdreg $0xFFFFFFFF  }
0xad: {  	[dreg:$0x0] =	wrdreg $0x60  }
0xae: {  	[dreg:$0x2] =	wrdreg s24  }
0xaf: {  	[dreg:$0x3] =	wrdreg $0xA  }
0xb0: {  	_ =	task.clear_ibuf [dreg:s6], $0x4FFFF;
	_ =	strace $0x90000046  }
0xb1: {  	s29 =	simm.s32 $0xA;
	_ =	strace $0x80000048  }
0xb2: {  	_ =	swait.ge [sflag:s29], $0x1  }
0xb3: {  	[sflag:s29] =	ssyncadd.s32 $0xFFFFFFFF  }
0xb4: {  	_ =	strace $0x90000048  }
0xb5: {  	_ =	sfence  }
0xb6: {  	s30 =	sld [smem:$0x0];
	_ =	sdelay $0x2  }
0xb7: {  	s31 =	sshll.u32 s1, $0xD;
	s1 =	sshrl.u32 s1, $0x2  }
0xb8: {  	s3 =	sand.u32 $0x4000, s31;
	s1 =	sadd.s32 s1, s30  }
0xb9: {  	s0 =	sor.u32 s3, s0;
	s1 =	sshll.u32 s1, $0x11  }
0xba: {  	s0 =	sor.u32 s1, s0  }
0xbb: {  	s0 =	sadd.s32 $0x8F2B, s0  }
0xbc: {  	[sflag:s0] =	ssyncadd.remote.s32 $0x1  }
0xbd: {  	_ =	sfence.sel $0xFFFF  }
0xbe: {  	[dreg:$0x0] =	wrdreg $0xFFFFFFFF;
	(pc) =	sbr.abs _section_cstart, $3  }
0xbf: {  	[dreg:$0x1] =	wrdreg $0xFFFFFFFF  }
0xc0: {  	_ =	task.clear_ibuf [dreg:s6], $0x2FFFF;
	_ =	strace $0x9FFFFFFF  }
0xc1: {  	(tm) =	ssettm $0x7FFFFFFF  }
tec
execute0_lowered:
.L_overlay_start_1:
0x0: {  	(tag) =	ssettag $0x1  }
0x1: {  	s1 =	srdreg.scid  }
0x2: {  	s0 =	stileid.u32;
	s2 =	rddreg [dreg:$0x0];
	s1 =	sshll.u32 s1, $0x4  }
0x3: {  	s6 =	simm.s32 $0x1;
	s3 =	sshll.u32 s0, $0x5;
	s1 =	sand.u32 $0x10, s1  }
0x4: {  	s30 =	simm.s32 $0x2;
	s31 =	simm.s32 $0x3;
	s3 =	sor.u32 s3, s1  }
0x5: {  	s11 =	simm.s32 $0x0;
	s8 =	simm.s32 $0x0;
	s5 =	ssub.s32 $0x420, s3  }
0x6: {  	s9 =	simm.s32 $0x0;
	s4 =	sadd.s32 $0x400, s2;
	s7 =	sand.u32 $0x1F0, s5  }
0x7: {  	s1 =	rddreg [dreg:$0x1];
	_ =	strace $0x80000047;
	p0 =	sne.s32 s7, $0x0  }
0x8: {  	[sflag:s6] =	ssyncpa.u1 $0x0;
	s5 =	sshrl.u32 s5, $0x9;
	s6 =	simm.s32 @!p0 $0x0  }
0x9: {  	s10 =	smov.u32 s3;
	[sflag:s30] =	ssyncpa.u1 $0x0;
	s5 =	sadd.s32 s6, s5  }
0xa: {  	[sflag:s31] =	ssyncpa.u1 $0x0;
	s6 =	sadd.s32 $0x600, s2;
	s7 =	sadd.s32 $0x1, s5  }
.LBB2_1:
0xb: {  	p0 =	sge.u32 s9, s5  }
0xc: {  	s31 =	sadd.s32 $0xFFFFFFFF, s9;
	s12 =	sxor.u32 @!p0 $0xFFFFFFFF, s8;
	s13 =	sshrl.u32 @!p0 s10, $0x3  }
0xd: {  	s14 =	sand.u32 @!p0 $0x7, s10;
	s12 =	sand.u32 @!p0 $0x10, s12;
	s13 =	sadd.s32 @!p0 s4, s13  }
0xe: {  	[tilespmem:s12], [sflag:$0x2] =	stream.linear.gather @!p0 [hbm4b:s13+s14], $0x10, $0x38;
	[tilespmem:$0x40] =	vst v63  }
0xf: {  	p0 =	sge.u32 s31, s5  }
0x10: {  	s12 =	simm.s32 @!p0 $0x2  }
0x11: {  	_ =	swait.ge @!p0 [sflag:s12], $0x10  }
0x12: {  	[sflag:s12] =	ssyncset.done @!p0 $0x0  }
0x13: {  	[sflag:s12] =	ssyncadd.s32 @!p0 $0xFFFFFFF0;
	s12 =	sand.u32 @!p0 $0x10, s8  }
0x14: {  	(ifvalue) =	ssetifvalue @!p0 $0x7FFFFFFF;
	v0 =	vld.msk @!p0 [tilespmem:s12+$0x0 ss:$0x1], $0xffff;
	_ =	sdelay $0x4  }
0x15: {  	vm0 =	vgt.s32 @!p0 v0, $0x0  }
0x16: {  	v0 =	vnsel @!p0 vm0, $0x0, v0  }
0x17: {  	v0 =	vmin.u32 @!p0 v0, $0x3FF;
	_ =	sdelay $0x3  }
0x18: {  	s13 =	simm.s32 @!p0 $0x0;
	s12 =	sor.u32 @!p0 $0x20, s12;
	(ifvalue) =	ssetifvalue @!p0 $0x7FFFFFFF;
	vm0 =	vmmov @!p0 $0xffff  }
0x19: {  	[tilespmem:s12], [sflag:$0x1] =	stream.indirect_vreg.gather @!p0 [hbm4b:s2+s13], $0x1, v0, vm0, $0x4038;
	[tilespmem:$0x40] =	vst v63  }
0x1a: {  	s13 =	simm.s32 @!p0 $0x1  }
0x1b: {  	_ =	swait.ge @!p0 [sflag:s13], $0x10  }
0x1c: {  	s14 =	sshrl.u32 @!p0 s11, $0x3;
	[sflag:s13] =	ssyncset.done @!p0 $0x0  }
0x1d: {  	s11 =	sand.u32 @!p0 $0x7, s11;
	[sflag:s13] =	ssyncadd.s32 @!p0 $0xFFFFFFF0;
	s13 =	sadd.s32 @!p0 s6, s14  }
0x1e: {  	[hbm4b:s13+s11] =	stream.linear.scatter @!p0 [tilespmem:s12], [sflag:$0x3], $0x10, $0x38;
	[tilespmem:$0x40] =	vst v63  }
0x1f: {  	s13 =	sadd.s32 $0x200, s10  }
0x20: {  	p1 =	sgt.s32 s13, $0x41F  }
0x21: {  	s13 =	smov.u32 @p1 s3;
	p1 =	sne.s32 s9, s7  }
.Ltmp0:
0x22: {  	p0 =	slt.u32 s9, $0x2;
	(pc) =	sbr.rel @p1 .LBB2_1-.Ltmp0, $4  }
0x23: {  	s12 =	simm.s32 @!p0 $0x3  }
0x24: {  	_ =	swait.ge @!p0 [sflag:s12], $0x10  }
0x25: {  	s8 =	sadd.s32 $0x10, s8;
	s11 =	smov.u32 s10;
	[sflag:s12] =	ssyncset.done @!p0 $0x0  }
0x26: {  	s9 =	sadd.s32 $0x1, s9;
	s10 =	smov.u32 s13;
	[sflag:s12] =	ssyncadd.s32 @!p0 $0xFFFFFFF0  }
0x27: {  	_ =	sfence.sel $0x180000  }
0x28: {  	s2 =	simm.s32 $0x2;
	[bflag:$0x0] =	sbarrier.arrive $0xFFFF  }
0x29: {  	s30 =	simm.s32 $0x3;
	[sflag:s2] =	ssyncpa.u1 $0x1  }
0x2a: {  	s31 =	simm.s32 $0x1;
	[sflag:s30] =	ssyncpa.u1 $0x1  }
0x2b: {  	[sflag:s31] =	ssyncpa.u1 $0x1  }
0x2c: {  	p0 =	sne.s32 s0, $0x0;
	_ =	strace $0x90000047  }
0x2d: {  	s0 =	sadd.s32 @!p0 $0x100000, s1;
	[bflag:$0x2] =	sbarrier.arrive $0xFFFF  }
0x2e: {  	[sflag:s0] =	ssyncadd.tile.s32 @!p0 $0x1;
	_ =	shalt  }
.Lfunc_end2:
_tile_overlayer_lowered:
.L_overlay_start_2:
0x2f: {  	(tag) =	ssettag $0x2  }
0x30: {  	s0 =	rddreg [dreg:$0x0];
	s2 =	stileid.u32  }
0x31: {  	s1 =	rddreg [dreg:$0x1];
	p0 =	sne.s32 s2, $0x0  }
0x32: {  	s3 =	rddreg [dreg:$0x2];
	[bflag:$0x3] =	sbarrier.arrive $0xFFFF;
	s2 =	simm.s32 @!p0 $0x1C01  }
0x33: {  	[timem:s3], [sflag:s2] =	dma.local @!p0 [hbm:s0], s1  }
0x34: {  	s0 =	simm.s32 @!p0 $0x1  }
0x35: {  	_ =	swait.ge @!p0 [sflag:s0], s1  }
0x36: {  	s1 =	ssub.s32 @!p0 $0x0, s1;
	[sflag:s0] =	ssyncset.done @!p0 $0x0  }
0x37: {  	[sflag:s0] =	ssyncadd.s32 @!p0 s1  }
0x38: {  	[bflag:$0x3] =	sbarrier.arrive $0xFFFF  }
0x39: {  	_ =	shalt  }

// kernel: gather_offload_async_start
scs
__scs_entry_jumppad:
0x0: {  	(pc) =	sbr.rel $0x88, $3  }
0x1: {  	(tag) =	ssettag $0x0;
	lr =	simm.s32 $0x1  }
0x2: {  	[smem:$0x3F9F] =	sst lr;
	_ =	strace $0xD0000000  }
0x3: {  	_ = 	snop  }
0x4: {  	_ = 	snop  }
0x5: {  	_ = 	snop  }
0x6: {  	_ = 	snop  }
0x7: {  	_ = 	snop  }
__scs_overlays_trampoline_lowered:
0x8: {  	[smem:$0x3FAE] =	sst s0  }
0x9: {  	[smem:$0x3FAF] =	sst s1  }
0xa: {  	[smem:$0x3FB0] =	sst s2  }
0xb: {  	[smem:$0x3FB1] =	sst s3  }
0xc: {  	[smem:$0x3FB2] =	sst s4  }
0xd: {  	[smem:$0x3FB3] =	sst s5  }
0xe: {  	[smem:$0x3FB4] =	sst s6  }
0xf: {  	[smem:$0x3FB5] =	sst s7  }
0x10: {  	[smem:$0x3FB6] =	sst s8  }
0x11: {  	[smem:$0x3FB7] =	sst s9;
	s0 =	simm.s32 @!p0 $0x0  }
0x12: {  	s1 =	sld [smem:$0x3F9D];
	s0 =	simm.s32 @p0 $0x1  }
0x13: {  	[smem:$0x3FB8] =	sst s0;
	s0 =	simm.s32 @!p1 $0x0  }
0x14: {  	s2 =	sld [smem:$0x3F9C];
	s0 =	simm.s32 @p1 $0x1  }
0x15: {  	[smem:$0x3FB9] =	sst s0;
	s0 =	simm.s32 @!p2 $0x0  }
0x16: {  	s3 =	sld [smem:$0x3FDB];
	s0 =	simm.s32 @p2 $0x1  }
0x17: {  	s4 =	simm.s32 $0x1BF5;
	[smem:$0x3FBB] =	sst s0  }
0x18: {  	s0 =	sld [smem:$0x3F9E];
	_ =	swait.ge [sflag:s4], $0x0  }
0x19: {  	s7 =	sld [smem:$0x3F9F]  }
0x1a: {  	s8 =	sadd.s32 $0xFFFFE003, lr  }
0x1b: {  	s9 =	sadd.s32 $0xFFFFFEF7, lr;
	s5 =	simm.s32 $0xFFFFFFFF;
	p2 =	slt.u32 s8, $0xFFFFF086  }
0x1c: {  	p1 =	slt.u32 s9, $0xF7A;
	s5 =	simm.s32 @!p2 $0x0  }
0x1d: {  	s5 =	simm.s32 @p1 $0x1;
	p0 =	seq.s32 s7, s2  }
0x1e: {  	s7 =	smul.u32 @!p0 $0xF7A, s2;
	p2 =	seq.s32 @!p0 s5, $0x0  }
0x1f: {  	s9 =	smul.u32 $0xF7A, s1;
	s8 =	simm.s32 @!p0 $0x1BF5;
	p2 =	por !p2, p0  }
0x20: {  	[sflag:s8] =	ssyncset.s32 @!p0 $0xFFFFF086;
	s6 =	sadd.s32 @!p0 s3, s7;
	s7 =	simm.s32 @!p0 $0x108  }
0x21: {  	s3 =	sadd.s32 s3, s9;
	s6 =	sadd.s32 @!p0 $0x88, s6;
	s7 =	simm.s32 @p2 $0x1082  }
0x22: {  	[simem:s7], [sflag:s8] =	dma.local @!p0 [hbm:s6], $0xF7A  }
0x23: {  	s9 =	sor.u32 $0xD0000000, s2;
	s6 =	simm.s32 $0x108;
	_ =	swait.ge @!p0 [sflag:s8], $0x0  }
0x24: {  	s3 =	sadd.s32 $0x88, s3;
	s6 =	simm.s32 @!p1 $0x1082;
	[sflag:s4] =	ssyncset.s32 $0xFFFFF086  }
0x25: {  	[simem:s6], [sflag:s4] =	dma.local [hbm:s3], $0xF7A  }
0x26: {  	[smem:$0x3F9F] =	sst s1;
	(tag) =	ssettag s2;
	_ =	strace s9  }
0x27: {  	s1 =	sld [smem:$0x3FAF]  }
0x28: {  	s2 =	sld [smem:$0x3FB0]  }
0x29: {  	s4 =	sld [smem:$0x3FB2]  }
0x2a: {  	p0 =	seq.s32 s5, $0x0;
	s5 =	sld [smem:$0x3FB3]  }
0x2b: {  	s6 =	sld [smem:$0x3FB4]  }
0x2c: {  	s7 =	sld [smem:$0x3FB5]  }
0x2d: {  	s3 =	simm.s32 $0x108;
	s8 =	sld [smem:$0x3FB6]  }
0x2e: {  	s3 =	simm.s32 @!p0 $0x1082;
	s9 =	sld [smem:$0x3FB7]  }
0x2f: {  	lr =	sadd.s32 s0, s3;
	s0 =	sld [smem:$0x3FAE]  }
0x30: {  	s3 =	sld [smem:$0x3FB1]  }
0x31: {  	[smem:$0x3FBA] =	sst s10  }
0x32: {  	s10 =	sld [smem:$0x3FB8];
	_ =	sdelay $0x3  }
0x33: {  	p0 =	seq.s32 s10, $0x1;
	s10 =	sld [smem:$0x3FBA];
	_ =	sdelay $0x3  }
0x34: {  	[smem:$0x3FBA] =	sst s10  }
0x35: {  	s10 =	sld [smem:$0x3FB9];
	_ =	sdelay $0x3  }
0x36: {  	p1 =	seq.s32 s10, $0x1;
	s10 =	sld [smem:$0x3FBA];
	_ =	sdelay $0x3  }
0x37: {  	[smem:$0x3FBA] =	sst s10  }
0x38: {  	s10 =	sld [smem:$0x3FBB]  }
0x39: {  	_ = 	snop;
	(pc) =	sbr.ind lr, $3  }
0x3a: {  	_ = 	snop  }
0x3b: {  	_ = 	snop  }
0x3c: {  	p2 =	seq.s32 s10, $0x1;
	s10 =	sld [smem:$0x3FBA]  }
0x3d: {  	_ =	shalt  }
0x3e: {  	_ =	shalt  }
0x3f: {  	_ =	shalt  }
0x40: {  	_ =	shalt  }
0x41: {  	_ =	shalt  }
0x42: {  	_ =	shalt  }
0x43: {  	_ =	shalt  }
0x44: {  	_ =	shalt  }
0x45: {  	_ =	shalt  }
0x46: {  	_ =	shalt  }
0x47: {  	_ =	shalt  }
0x48: {  	_ =	shalt  }
0x49: {  	_ =	shalt  }
0x4a: {  	_ =	shalt  }
0x4b: {  	_ =	shalt  }
0x4c: {  	_ =	shalt  }
0x4d: {  	_ =	shalt  }
0x4e: {  	_ =	shalt  }
0x4f: {  	_ =	shalt  }
0x50: {  	_ =	shalt  }
0x51: {  	_ =	shalt  }
0x52: {  	_ =	shalt  }
0x53: {  	_ =	shalt  }
0x54: {  	_ =	shalt  }
0x55: {  	_ =	shalt  }
0x56: {  	_ =	shalt  }
0x57: {  	_ =	shalt  }
0x58: {  	_ =	shalt  }
0x59: {  	_ =	shalt  }
0x5a: {  	_ =	shalt  }
0x5b: {  	_ =	shalt  }
0x5c: {  	_ =	shalt  }
0x5d: {  	_ =	shalt  }
0x5e: {  	_ =	shalt  }
0x5f: {  	_ =	shalt  }
0x60: {  	_ =	shalt  }
0x61: {  	_ =	shalt  }
0x62: {  	_ =	shalt  }
0x63: {  	_ =	shalt  }
0x64: {  	_ =	shalt  }
0x65: {  	_ =	shalt  }
0x66: {  	_ =	shalt  }
0x67: {  	_ =	shalt  }
0x68: {  	_ =	shalt  }
0x69: {  	_ =	shalt  }
0x6a: {  	_ =	shalt  }
0x6b: {  	_ =	shalt  }
0x6c: {  	_ =	shalt  }
0x6d: {  	_ =	shalt  }
0x6e: {  	_ =	shalt  }
0x6f: {  	_ =	shalt  }
0x70: {  	_ =	shalt  }
0x71: {  	_ =	shalt  }
0x72: {  	_ =	shalt  }
0x73: {  	_ =	shalt  }
0x74: {  	_ =	shalt  }
0x75: {  	_ =	shalt  }
0x76: {  	_ =	shalt  }
0x77: {  	_ =	shalt  }
0x78: {  	_ =	shalt  }
0x79: {  	_ =	shalt  }
0x7a: {  	_ =	shalt  }
0x7b: {  	_ =	shalt  }
0x7c: {  	_ =	shalt  }
0x7d: {  	_ =	shalt  }
0x7e: {  	_ =	shalt  }
0x7f: {  	_ =	shalt  }
0x80: {  	_ =	shalt  }
0x81: {  	_ =	shalt  }
0x82: {  	_ =	shalt  }
0x83: {  	_ =	shalt  }
0x84: {  	_ =	shalt  }
0x85: {  	_ =	shalt  }
0x86: {  	_ =	shalt  }
0x87: {  	_ =	shalt  }
.Lfunc_end0:
.L_simem_size_0:
called_computation_lowered:
.L_overlay_start_0:
0x88: {  	s2 =	sld [smem:$0x3FD9]  }
0x89: {  	s3 =	sld [smem:$0x3FFE];
	_ =	sdelay $0x1  }
0x8a: {  	s1 =	srdreg.scid  }
0x8b: {  	s0 =	sand.u32 $0x1, s1  }
0x8c: {  	s17 =	sshll.u32 s0, $0xA;
	s2 =	sadd.s32 s3, s2  }
0x8d: {  	s2 =	sadd.s32 s2, s17  }
0x8e: {  	[smem:$0x3FC6] =	sst s2  }
0x8f: {  	_ = 	snop  }
0x90: {  	(tm) =	ssettm $0x1  }
0x91: {  	s18 =	sld [smem:$0x3FFB];
	_ =	sdelay $0x3  }
0x92: {  	_ =	strace s18  }
0x93: {  	s2 =	sld [smem:$0x3FFC];
	_ =	sdelay $0x3  }
0x94: {  	_ =	strace s2  }
0x95: {  	s2 =	sld [smem:$0x3FFD];
	_ =	sdelay $0x3  }
0x96: {  	_ =	strace s2  }
0x97: {  	_ =	strace $0x8FFFFFFF  }
0x98: {  	s19 =	sld [smem:$0x3FDB];
	_ =	sdelay $0x1  }
0x99: {  	s20 =	simm.s32 $_scs_section_size  }
0x9a: {  	s4 =	simm.s32 $_size__tile_overlayer_lowered;
	s5 =	simm.s32 $_tile_overlayer_lowered  }
0x9b: {  	s6 =	simm.s32 $0x1BFF;
	s21 =	sshll.u32 s5, $0x1;
	s3 =	sadd.s32 s20, s19  }
0x9c: {  	s22 =	simm.s32 $0x0;
	s4 =	sshll.u32 s4, $0x1;
	s5 =	sadd.s32 s21, s3  }
0x9d: {  	[timem:s22], [sflag:s6] =	dma.local [hbm:s5], s4  }
0x9e: {  	_ =	swait.ge [sflag:s6], s4  }
0x9f: {  	s4 =	ssub.s32 $0x0, s4;
	[sflag:s6] =	ssyncset.done $0x0  }
0xa0: {  	[sflag:s6] =	ssyncadd.s32 s4;
	_ =	sdelay $0x1  }
0xa1: {  	s23 =	simm.s32 $0x1B8B  }
0xa2: {  	_ =	swait.ge [sflag:s23], $0x1  }
0xa3: {  	[sflag:s23] =	ssyncset.done $0x0  }
0xa4: {  	[sflag:s23] =	ssyncadd.s32 $0xFFFFFFFF  }
0xa5: {  	s4 =	sld [smem:$0x0]  }
0xa6: {  	s5 =	sand.u32 $0xFFFFFFFE, s1  }
0xa7: {  	p0 =	sne.s32 s1, s5  }
0xa8: {  	s5 =	sshll.u32 @p0 s5, $0xE  }
0xa9: {  	s5 =	sadd.s32 @p0 $0x11B8D, s5;
	s6 =	sshll.u32 @p0 s4, $0x11  }
0xaa: {  	s5 =	sor.u32 @p0 s6, s5  }
0xab: {  	[sflag:s5] =	ssyncadd.remote.s32 @p0 $0x1;
	_ =	sdelay $0x1  }
0xac: {  	s5 =	simm.s32 @p0 $0x1B8D  }
0xad: {  	_ =	swait.eq @p0 [sflag:s5], $0x1  }
0xae: {  	[sflag:s5] =	ssyncadd.s32 @p0 $0xFFFFFFFF  }
0xaf: {  	s6 =	sshll.u32 @!p0 s1, $0xE  }
0xb0: {  	s6 =	sor.u32 @!p0 $0x4000, s6;
	s5 =	simm.s32 @!p0 $0x1B8D  }
0xb1: {  	s4 =	sshll.u32 @!p0 s4, $0x11;
	s6 =	sadd.s32 @!p0 $0x11B8D, s6;
	_ =	swait.eq @!p0 [sflag:s5], $0x1  }
0xb2: {  	s4 =	sor.u32 @!p0 s4, s6;
	[sflag:s5] =	ssyncadd.s32 @!p0 $0xFFFFFFFF  }
0xb3: {  	s25 =	simm.s32 $0x1B8E;
	s24 =	sld [smem:$0x3FFE];
	[sflag:s4] =	ssyncadd.remote.s32 @!p0 $0x1  }
0xb4: {  	s26 =	simm.s32 $execute0_lowered;
	[smem:$0x3FD2] =	sst s25  }
0xb5: {  	s5 =	sshll.u32 s26, $0x1;
	_ =	strace $0x80000049;
	[dreg:$0x1] =	wrdreg $0xFFFFFFFF  }
0xb6: {  	s28 =	simm.s32 $_size_execute0_lowered;
	s3 =	sadd.s32 s3, s5;
	[dreg:$0x0] =	wrdreg $0x0  }
0xb7: {  	s5 =	sshll.u32 s28, $0x1;
	[dreg:$0x2] =	wrdreg s3  }
0xb8: {  	[dreg:$0x3] =	wrdreg s5  }
0xb9: {  	[dreg:$0x4] =	wrdreg $0xC0  }
0xba: {  	_ =	task [dreg:s22], $0x5FFFF  }
0xbb: {  	[dreg:$0x1] =	wrdreg $0xFFFFFFFF  }
0xbc: {  	[dreg:$0x0] =	wrdreg $0x60  }
0xbd: {  	[dreg:$0x2] =	wrdreg s24  }
0xbe: {  	[dreg:$0x3] =	wrdreg $0x9  }
0xbf: {  	_ =	task.clear_ibuf [dreg:s22], $0x4FFFF;
	_ =	strace $0x90000049  }
0xc0: {  	s29 =	simm.s32 $0x9;
	_ =	strace $0x8000004B  }
0xc1: {  	_ =	swait.ge [sflag:s29], $0x1  }
0xc2: {  	[sflag:s29] =	ssyncadd.s32 $0xFFFFFFFF  }
0xc3: {  	_ =	strace $0x9000004B  }
0xc4: {  	_ =	sfence  }
0xc5: {  	s30 =	sld [smem:$0x0];
	_ =	sdelay $0x2  }
0xc6: {  	s31 =	sshll.u32 s1, $0xD;
	s1 =	sshrl.u32 s1, $0x2  }
0xc7: {  	s4 =	sand.u32 $0x4000, s31;
	s1 =	sadd.s32 s1, s30  }
0xc8: {  	s0 =	sor.u32 s4, s0;
	s1 =	sshll.u32 s1, $0x11  }
0xc9: {  	s0 =	sor.u32 s1, s0  }
0xca: {  	s0 =	sadd.s32 $0x8F2B, s0  }
0xcb: {  	[sflag:s0] =	ssyncadd.remote.s32 $0x1  }
0xcc: {  	_ =	sfence.sel $0xFFFF  }
0xcd: {  	[dreg:$0x0] =	wrdreg $0xFFFFFFFF;
	(pc) =	sbr.abs _section_cstart, $3  }
0xce: {  	[dreg:$0x1] =	wrdreg $0xFFFFFFFF  }
0xcf: {  	_ =	task.clear_ibuf [dreg:s22], $0x2FFFF;
	_ =	strace $0x9FFFFFFF  }
0xd0: {  	(tm) =	ssettm $0x7FFFFFFF  }
0xd1: {  	_ =	shalt  }
tec
execute0_lowered:
.L_overlay_start_1:
0x0: {  	(tag) =	ssettag $0x1  }
0x1: {  	s1 =	srdreg.scid  }
0x2: {  	s0 =	stileid.u32;
	s2 =	rddreg [dreg:$0x0];
	s1 =	sshll.u32 s1, $0x4  }
0x3: {  	s6 =	simm.s32 $0x1;
	s3 =	sshll.u32 s0, $0x5;
	s1 =	sand.u32 $0x10, s1  }
0x4: {  	s30 =	simm.s32 $0x2;
	s31 =	simm.s32 $0x3;
	s3 =	sor.u32 s3, s1  }
0x5: {  	s11 =	simm.s32 $0x0;
	s8 =	simm.s32 $0x0;
	s5 =	ssub.s32 $0x420, s3  }
0x6: {  	s9 =	simm.s32 $0x0;
	s4 =	sadd.s32 $0x200, s2;
	s7 =	sand.u32 $0x1F0, s5  }
0x7: {  	s1 =	rddreg [dreg:$0x1];
	_ =	strace $0x8000004A;
	p0 =	sne.s32 s7, $0x0  }
0x8: {  	[sflag:s6] =	ssyncpa.u1 $0x0;
	s5 =	sshrl.u32 s5, $0x9;
	s6 =	simm.s32 @!p0 $0x0  }
0x9: {  	s10 =	smov.u32 s3;
	[sflag:s30] =	ssyncpa.u1 $0x0;
	s5 =	sadd.s32 s6, s5  }
0xa: {  	[sflag:s31] =	ssyncpa.u1 $0x0;
	s6 =	sadd.s32 $0x800, s2;
	s7 =	sadd.s32 $0x1, s5  }
.LBB2_1:
0xb: {  	p0 =	sge.u32 s9, s5  }
0xc: {  	s31 =	sadd.s32 $0xFFFFFFFF, s9;
	s12 =	sxor.u32 @!p0 $0xFFFFFFFF, s8;
	s13 =	sshrl.u32 @!p0 s10, $0x3  }
0xd: {  	s14 =	sand.u32 @!p0 $0x7, s10;
	s12 =	sand.u32 @!p0 $0x10, s12;
	s13 =	sadd.s32 @!p0 s4, s13  }
0xe: {  	[tilespmem:s12], [sflag:$0x2] =	stream.linear.gather @!p0 [hbm4b:s13+s14], $0x10, $0x38;
	[tilespmem:$0x40] =	vst v63  }
0xf: {  	p0 =	sge.u32 s31, s5  }
0x10: {  	s12 =	simm.s32 @!p0 $0x2  }
0x11: {  	_ =	swait.ge @!p0 [sflag:s12], $0x10  }
0x12: {  	[sflag:s12] =	ssyncset.done @!p0 $0x0  }
0x13: {  	[sflag:s12] =	ssyncadd.s32 @!p0 $0xFFFFFFF0;
	s12 =	sand.u32 @!p0 $0x10, s8  }
0x14: {  	(ifvalue) =	ssetifvalue @!p0 $0x7FFFFFFF;
	v0 =	vld.msk @!p0 [tilespmem:s12+$0x0 ss:$0x1], $0xffff;
	_ =	sdelay $0x4  }
0x15: {  	vm0 =	vgt.s32 @!p0 v0, $0x0  }
0x16: {  	v0 =	vnsel @!p0 vm0, $0x0, v0  }
0x17: {  	v0 =	vmin.u32 @!p0 v0, $0x3FF;
	_ =	sdelay $0x3  }
0x18: {  	s13 =	simm.s32 @!p0 $0x0;
	s12 =	sor.u32 @!p0 $0x20, s12;
	(ifvalue) =	ssetifvalue @!p0 $0x7FFFFFFF;
	vm0 =	vmmov @!p0 $0xffff  }
0x19: {  	[tilespmem:s12], [sflag:$0x1] =	stream.indirect_vreg.gather @!p0 [hbm4b:s2+s13], $0x1, v0, vm0, $0x4038;
	[tilespmem:$0x40] =	vst v63  }
0x1a: {  	s13 =	simm.s32 @!p0 $0x1  }
0x1b: {  	_ =	swait.ge @!p0 [sflag:s13], $0x10  }
0x1c: {  	s14 =	sshrl.u32 @!p0 s11, $0x3;
	[sflag:s13] =	ssyncset.done @!p0 $0x0  }
0x1d: {  	s11 =	sand.u32 @!p0 $0x7, s11;
	[sflag:s13] =	ssyncadd.s32 @!p0 $0xFFFFFFF0;
	s13 =	sadd.s32 @!p0 s6, s14  }
0x1e: {  	[hbm4b:s13+s11] =	stream.linear.scatter @!p0 [tilespmem:s12], [sflag:$0x3], $0x10, $0x38;
	[tilespmem:$0x40] =	vst v63  }
0x1f: {  	s13 =	sadd.s32 $0x200, s10  }
0x20: {  	p1 =	sgt.s32 s13, $0x41F  }
0x21: {  	s13 =	smov.u32 @p1 s3;
	p1 =	sne.s32 s9, s7  }
.Ltmp0:
0x22: {  	p0 =	slt.u32 s9, $0x2;
	(pc) =	sbr.rel @p1 .LBB2_1-.Ltmp0, $4  }
0x23: {  	s12 =	simm.s32 @!p0 $0x3  }
0x24: {  	_ =	swait.ge @!p0 [sflag:s12], $0x10  }
0x25: {  	s8 =	sadd.s32 $0x10, s8;
	s11 =	smov.u32 s10;
	[sflag:s12] =	ssyncset.done @!p0 $0x0  }
0x26: {  	s9 =	sadd.s32 $0x1, s9;
	s10 =	smov.u32 s13;
	[sflag:s12] =	ssyncadd.s32 @!p0 $0xFFFFFFF0  }
0x27: {  	_ =	sfence.sel $0x180000  }
0x28: {  	s2 =	simm.s32 $0x2;
	[bflag:$0x0] =	sbarrier.arrive $0xFFFF  }
0x29: {  	s30 =	simm.s32 $0x3;
	[sflag:s2] =	ssyncpa.u1 $0x1  }
0x2a: {  	s31 =	simm.s32 $0x1;
	[sflag:s30] =	ssyncpa.u1 $0x1  }
0x2b: {  	[sflag:s31] =	ssyncpa.u1 $0x1  }
0x2c: {  	p0 =	sne.s32 s0, $0x0;
	_ =	strace $0x9000004A  }
0x2d: {  	s0 =	sadd.s32 @!p0 $0x100000, s1;
	[bflag:$0x2] =	sbarrier.arrive $0xFFFF  }
0x2e: {  	[sflag:s0] =	ssyncadd.tile.s32 @!p0 $0x1;
	_ =	shalt  }
.Lfunc_end2:
_tile_overlayer_lowered:
.L_overlay_start_2:
0x2f: {  	(tag) =	ssettag $0x2  }
0x30: {  	s0 =	rddreg [dreg:$0x0];
	s2 =	stileid.u32  }
0x31: {  	s1 =	rddreg [dreg:$0x1];
	p0 =	sne.s32 s2, $0x0  }
0x32: {  	s3 =	rddreg [dreg:$0x2];
	[bflag:$0x3] =	sbarrier.arrive $0xFFFF;
	s2 =	simm.s32 @!p0 $0x1C01  }
0x33: {  	[timem:s3], [sflag:s2] =	dma.local @!p0 [hbm:s0], s1  }
0x34: {  	s0 =	simm.s32 @!p0 $0x1  }
0x35: {  	_ =	swait.ge @!p0 [sflag:s0], s1  }
0x36: {  	s1 =	ssub.s32 @!p0 $0x0, s1;
	[sflag:s0] =	ssyncset.done @!p0 $0x0  }
0x37: {  	[sflag:s0] =	ssyncadd.s32 @!p0 s1  }
0x38: {  	[bflag:$0x3] =	sbarrier.arrive $0xFFFF  }
0x39: {  	_ =	shalt  }

// kernel: kernel.3.cloned.1.call-start
scs
__scs_entry_jumppad:
0x0: {  	(pc) =	sbr.rel $0x88, $3  }
0x1: {  	(tag) =	ssettag $0x0;
	lr =	simm.s32 $0x1  }
0x2: {  	[smem:$0x3F9F] =	sst lr;
	_ =	strace $0xD0000000  }
0x3: {  	_ = 	snop  }
0x4: {  	_ = 	snop  }
0x5: {  	_ = 	snop  }
0x6: {  	_ = 	snop  }
0x7: {  	_ = 	snop  }
__scs_overlays_trampoline_lowered:
0x8: {  	[smem:$0x3FAE] =	sst s0  }
0x9: {  	[smem:$0x3FAF] =	sst s1  }
0xa: {  	[smem:$0x3FB0] =	sst s2  }
0xb: {  	[smem:$0x3FB1] =	sst s3  }
0xc: {  	[smem:$0x3FB2] =	sst s4  }
0xd: {  	[smem:$0x3FB3] =	sst s5  }
0xe: {  	[smem:$0x3FB4] =	sst s6  }
0xf: {  	[smem:$0x3FB5] =	sst s7  }
0x10: {  	[smem:$0x3FB6] =	sst s8  }
0x11: {  	[smem:$0x3FB7] =	sst s9;
	s0 =	simm.s32 @!p0 $0x0  }
0x12: {  	s1 =	sld [smem:$0x3F9D];
	s0 =	simm.s32 @p0 $0x1  }
0x13: {  	[smem:$0x3FB8] =	sst s0;
	s0 =	simm.s32 @!p1 $0x0  }
0x14: {  	s2 =	sld [smem:$0x3F9C];
	s0 =	simm.s32 @p1 $0x1  }
0x15: {  	[smem:$0x3FB9] =	sst s0;
	s0 =	simm.s32 @!p2 $0x0  }
0x16: {  	s3 =	sld [smem:$0x3FDB];
	s0 =	simm.s32 @p2 $0x1  }
0x17: {  	s4 =	simm.s32 $0x1BF5;
	[smem:$0x3FBB] =	sst s0  }
0x18: {  	s0 =	sld [smem:$0x3F9E];
	_ =	swait.ge [sflag:s4], $0x0  }
0x19: {  	s7 =	sld [smem:$0x3F9F]  }
0x1a: {  	s8 =	sadd.s32 $0xFFFFE003, lr  }
0x1b: {  	s9 =	sadd.s32 $0xFFFFFEF7, lr;
	s5 =	simm.s32 $0xFFFFFFFF;
	p2 =	slt.u32 s8, $0xFFFFF086  }
0x1c: {  	p1 =	slt.u32 s9, $0xF7A;
	s5 =	simm.s32 @!p2 $0x0  }
0x1d: {  	s5 =	simm.s32 @p1 $0x1;
	p0 =	seq.s32 s7, s2  }
0x1e: {  	s7 =	smul.u32 @!p0 $0xF7A, s2;
	p2 =	seq.s32 @!p0 s5, $0x0  }
0x1f: {  	s9 =	smul.u32 $0xF7A, s1;
	s8 =	simm.s32 @!p0 $0x1BF5;
	p2 =	por !p2, p0  }
0x20: {  	[sflag:s8] =	ssyncset.s32 @!p0 $0xFFFFF086;
	s6 =	sadd.s32 @!p0 s3, s7;
	s7 =	simm.s32 @!p0 $0x108  }
0x21: {  	s3 =	sadd.s32 s3, s9;
	s6 =	sadd.s32 @!p0 $0x88, s6;
	s7 =	simm.s32 @p2 $0x1082  }
0x22: {  	[simem:s7], [sflag:s8] =	dma.local @!p0 [hbm:s6], $0xF7A  }
0x23: {  	s9 =	sor.u32 $0xD0000000, s2;
	s6 =	simm.s32 $0x108;
	_ =	swait.ge @!p0 [sflag:s8], $0x0  }
0x24: {  	s3 =	sadd.s32 $0x88, s3;
	s6 =	simm.s32 @!p1 $0x1082;
	[sflag:s4] =	ssyncset.s32 $0xFFFFF086  }
0x25: {  	[simem:s6], [sflag:s4] =	dma.local [hbm:s3], $0xF7A  }
0x26: {  	[smem:$0x3F9F] =	sst s1;
	(tag) =	ssettag s2;
	_ =	strace s9  }
0x27: {  	s1 =	sld [smem:$0x3FAF]  }
0x28: {  	s2 =	sld [smem:$0x3FB0]  }
0x29: {  	s4 =	sld [smem:$0x3FB2]  }
0x2a: {  	p0 =	seq.s32 s5, $0x0;
	s5 =	sld [smem:$0x3FB3]  }
0x2b: {  	s6 =	sld [smem:$0x3FB4]  }
0x2c: {  	s7 =	sld [smem:$0x3FB5]  }
0x2d: {  	s3 =	simm.s32 $0x108;
	s8 =	sld [smem:$0x3FB6]  }
0x2e: {  	s3 =	simm.s32 @!p0 $0x1082;
	s9 =	sld [smem:$0x3FB7]  }
0x2f: {  	lr =	sadd.s32 s0, s3;
	s0 =	sld [smem:$0x3FAE]  }
0x30: {  	s3 =	sld [smem:$0x3FB1]  }
0x31: {  	[smem:$0x3FBA] =	sst s10  }
0x32: {  	s10 =	sld [smem:$0x3FB8];
	_ =	sdelay $0x3  }
0x33: {  	p0 =	seq.s32 s10, $0x1;
	s10 =	sld [smem:$0x3FBA];
	_ =	sdelay $0x3  }
0x34: {  	[smem:$0x3FBA] =	sst s10  }
0x35: {  	s10 =	sld [smem:$0x3FB9];
	_ =	sdelay $0x3  }
0x36: {  	p1 =	seq.s32 s10, $0x1;
	s10 =	sld [smem:$0x3FBA];
	_ =	sdelay $0x3  }
0x37: {  	[smem:$0x3FBA] =	sst s10  }
0x38: {  	s10 =	sld [smem:$0x3FBB]  }
0x39: {  	_ = 	snop;
	(pc) =	sbr.ind lr, $3  }
0x3a: {  	_ = 	snop  }
0x3b: {  	_ = 	snop  }
0x3c: {  	p2 =	seq.s32 s10, $0x1;
	s10 =	sld [smem:$0x3FBA]  }
0x3d: {  	_ =	shalt  }
0x3e: {  	_ =	shalt  }
0x3f: {  	_ =	shalt  }
0x40: {  	_ =	shalt  }
0x41: {  	_ =	shalt  }
0x42: {  	_ =	shalt  }
0x43: {  	_ =	shalt  }
0x44: {  	_ =	shalt  }
0x45: {  	_ =	shalt  }
0x46: {  	_ =	shalt  }
0x47: {  	_ =	shalt  }
0x48: {  	_ =	shalt  }
0x49: {  	_ =	shalt  }
0x4a: {  	_ =	shalt  }
0x4b: {  	_ =	shalt  }
0x4c: {  	_ =	shalt  }
0x4d: {  	_ =	shalt  }
0x4e: {  	_ =	shalt  }
0x4f: {  	_ =	shalt  }
0x50: {  	_ =	shalt  }
0x51: {  	_ =	shalt  }
0x52: {  	_ =	shalt  }
0x53: {  	_ =	shalt  }
0x54: {  	_ =	shalt  }
0x55: {  	_ =	shalt  }
0x56: {  	_ =	shalt  }
0x57: {  	_ =	shalt  }
0x58: {  	_ =	shalt  }
0x59: {  	_ =	shalt  }
0x5a: {  	_ =	shalt  }
0x5b: {  	_ =	shalt  }
0x5c: {  	_ =	shalt  }
0x5d: {  	_ =	shalt  }
0x5e: {  	_ =	shalt  }
0x5f: {  	_ =	shalt  }
0x60: {  	_ =	shalt  }
0x61: {  	_ =	shalt  }
0x62: {  	_ =	shalt  }
0x63: {  	_ =	shalt  }
0x64: {  	_ =	shalt  }
0x65: {  	_ =	shalt  }
0x66: {  	_ =	shalt  }
0x67: {  	_ =	shalt  }
0x68: {  	_ =	shalt  }
0x69: {  	_ =	shalt  }
0x6a: {  	_ =	shalt  }
0x6b: {  	_ =	shalt  }
0x6c: {  	_ =	shalt  }
0x6d: {  	_ =	shalt  }
0x6e: {  	_ =	shalt  }
0x6f: {  	_ =	shalt  }
0x70: {  	_ =	shalt  }
0x71: {  	_ =	shalt  }
0x72: {  	_ =	shalt  }
0x73: {  	_ =	shalt  }
0x74: {  	_ =	shalt  }
0x75: {  	_ =	shalt  }
0x76: {  	_ =	shalt  }
0x77: {  	_ =	shalt  }
0x78: {  	_ =	shalt  }
0x79: {  	_ =	shalt  }
0x7a: {  	_ =	shalt  }
0x7b: {  	_ =	shalt  }
0x7c: {  	_ =	shalt  }
0x7d: {  	_ =	shalt  }
0x7e: {  	_ =	shalt  }
0x7f: {  	_ =	shalt  }
0x80: {  	_ =	shalt  }
0x81: {  	_ =	shalt  }
0x82: {  	_ =	shalt  }
0x83: {  	_ =	shalt  }
0x84: {  	_ =	shalt  }
0x85: {  	_ =	shalt  }
0x86: {  	_ =	shalt  }
0x87: {  	_ =	shalt  }
.Lfunc_end0:
.L_simem_size_0:
called_computation.2_lowered:
.L_overlay_start_0:
0x88: {  	s2 =	sld [smem:$0x3FD9]  }
0x89: {  	s3 =	sld [smem:$0x3FFE];
	_ =	sdelay $0x1  }
0x8a: {  	s1 =	srdreg.scid  }
0x8b: {  	s0 =	sand.u32 $0x1, s1  }
0x8c: {  	s14 =	sshll.u32 s0, $0xA;
	s2 =	sadd.s32 s3, s2  }
0x8d: {  	s2 =	sadd.s32 s2, s14  }
0x8e: {  	[smem:$0x3FC6] =	sst s2  }
0x8f: {  	_ = 	snop  }
0x90: {  	s2 =	sld [smem:$0x3FD0];
	_ =	sdelay $0x2  }
0x91: {  	s15 =	simm.s32 $0xB;
	s4 =	simm.s32 $0x10  }
0x92: {  	[smem:s4], [sflag:s15] =	dma.local [hbm:s2], $0x1  }
0x93: {  	_ =	swait.eq [sflag:s15], $0x1  }
0x94: {  	[sflag:s15] =	ssyncset.done $0x0  }
0x95: {  	[sflag:s15] =	ssyncadd.s32 $0xFFFFFFFF  }
0x96: {  	s16 =	sld [smem:$0x10];
	(tm) =	ssettm $0x1  }
0x97: {  	s17 =	sld [smem:$0x3FFB];
	_ =	sdelay $0x3  }
0x98: {  	_ =	strace s17  }
0x99: {  	s3 =	sld [smem:$0x3FFC];
	_ =	sdelay $0x3  }
0x9a: {  	_ =	strace s3  }
0x9b: {  	s3 =	sld [smem:$0x3FFD];
	_ =	sdelay $0x3  }
0x9c: {  	_ =	strace s3  }
0x9d: {  	_ =	strace $0x8FFFFFFF  }
0x9e: {  	s18 =	sld [smem:$0x3FDB];
	_ =	sdelay $0x1  }
0x9f: {  	s19 =	simm.s32 $_scs_section_size  }
0xa0: {  	s5 =	simm.s32 $_size__tile_overlayer_lowered;
	s6 =	simm.s32 $_tile_overlayer_lowered  }
0xa1: {  	s22 =	simm.s32 $0x1BFF;
	s21 =	sshll.u32 s6, $0x1;
	s3 =	sadd.s32 s19, s18  }
0xa2: {  	s7 =	simm.s32 $0x0;
	s20 =	sshll.u32 s5, $0x1;
	s5 =	sadd.s32 s21, s3  }
0xa3: {  	[timem:s7], [sflag:s22] =	dma.local [hbm:s5], s20  }
0xa4: {  	_ =	swait.ge [sflag:s22], s20  }
0xa5: {  	s4 =	ssub.s32 $0x0, s20;
	[sflag:s22] =	ssyncset.done $0x0  }
0xa6: {  	[sflag:s22] =	ssyncadd.s32 s4;
	_ =	sdelay $0x1  }
0xa7: {  	s23 =	simm.s32 $0x1B8B  }
0xa8: {  	_ =	swait.ge [sflag:s23], $0x1  }
0xa9: {  	[sflag:s23] =	ssyncset.done $0x0  }
0xaa: {  	s25 =	simm.s32 $0x1B8E;
	s24 =	sld [smem:$0x3FFE];
	[sflag:s23] =	ssyncadd.s32 $0xFFFFFFFF  }
0xab: {  	s26 =	simm.s32 $execute0_lowered;
	[smem:$0x3FD2] =	sst s25  }
0xac: {  	s5 =	sshll.u32 s26, $0x1;
	_ =	strace $0x8000004C;
	[dreg:$0x1] =	wrdreg $0xFFFFFFFF  }
0xad: {  	s28 =	simm.s32 $_size_execute0_lowered;
	s3 =	sadd.s32 s3, s5;
	[dreg:$0x0] =	wrdreg $0x0  }
0xae: {  	s5 =	sshll.u32 s28, $0x1;
	[dreg:$0x2] =	wrdreg s3  }
0xaf: {  	[dreg:$0x3] =	wrdreg s5  }
0xb0: {  	[dreg:$0x4] =	wrdreg $0xC0  }
0xb1: {  	_ =	task [dreg:s7], $0x5FFFF  }
0xb2: {  	[dreg:$0x1] =	wrdreg $0xFFFFFFFF  }
0xb3: {  	[dreg:$0x0] =	wrdreg $0x60  }
0xb4: {  	[dreg:$0x2] =	wrdreg s16  }
0xb5: {  	[dreg:$0x3] =	wrdreg s24  }
0xb6: {  	[dreg:$0x4] =	wrdreg $0x9  }
0xb7: {  	_ =	task.clear_ibuf [dreg:s7], $0x5FFFF;
	_ =	strace $0x9000004C  }
0xb8: {  	s29 =	simm.s32 $0x9;
	_ =	strace $0x8000004E  }
0xb9: {  	_ =	swait.ge [sflag:s29], $0x1  }
0xba: {  	[sflag:s29] =	ssyncadd.s32 $0xFFFFFFFF  }
0xbb: {  	_ =	strace $0x9000004E  }
0xbc: {  	_ =	sfence  }
0xbd: {  	s30 =	sld [smem:$0x0];
	_ =	sdelay $0x2  }
0xbe: {  	s31 =	sshll.u32 s1, $0xD;
	s1 =	sshrl.u32 s1, $0x2  }
0xbf: {  	s3 =	sand.u32 $0x4000, s31;
	s1 =	sadd.s32 s1, s30  }
0xc0: {  	s0 =	sor.u32 s3, s0;
	s1 =	sshll.u32 s1, $0x11  }
0xc1: {  	s0 =	sor.u32 s1, s0  }
0xc2: {  	s0 =	sadd.s32 $0x8F2B, s0  }
0xc3: {  	[sflag:s0] =	ssyncadd.remote.s32 $0x1  }
0xc4: {  	_ =	sfence.sel $0xFFFF  }
0xc5: {  	[dreg:$0x0] =	wrdreg $0xFFFFFFFF;
	(pc) =	sbr.abs _section_cstart, $3  }
0xc6: {  	[dreg:$0x1] =	wrdreg $0xFFFFFFFF  }
0xc7: {  	_ =	task.clear_ibuf [dreg:s7], $0x2FFFF;
	_ =	strace $0x9FFFFFFF  }
0xc8: {  	(tm) =	ssettm $0x7FFFFFFF  }
0xc9: {  	_ =	shalt  }
tec
execute0_lowered:
.L_overlay_start_1:
0x0: {  	(tag) =	ssettag $0x1  }
0x1: {  	s4 =	rddreg [dreg:$0x0];
	s1 =	srdreg.scid  }
0x2: {  	s0 =	stileid.u32;
	s2 =	rddreg [dreg:$0x1];
	s3 =	simm.s32 $0x0  }
0x3: {  	s10 =	simm.s32 $0x2;
	s11 =	simm.s32 $0xC80;
	s12 =	simm.s32 $0x3  }
0x4: {  	s13 =	simm.s32 $0x2180;
	s5 =	sand.u32 $0x1, s1;
	s6 =	sshll.u32 s0, $0x1  }
0x5: {  	s14 =	simm.s32 $0x0;
	s1 =	rddreg [dreg:$0x2];
	s6 =	sor.u32 s5, s6  }
0x6: {  	[smem:$0x7FF] =	sst s3;
	s5 =	ssub.s32 $0x2, s5;
	s7 =	smul.u32 $0x188, s6  }
0x7: {  	_ =	strace $0x8000004D;
	s6 =	sshll.u32 s6, $0x4;
	s9 =	sshrl.u32 s5, $0x1  }
0x8: {  	s6 =	sadd.s32 s6, s2;
	s9 =	ssub.s32 s5, s9;
	s8 =	sadd.s32 s7, s2  }
0x9: {  	v1 =	vimm.s32 $0x2;
	s4 =	sadd.s32 s4, s7;
	s6 =	sadd.s32 $0x3400, s6;
	s7 =	smax.u32 s9, $0x1  }
0xa: {  	v2 =	vimm.s32 $0x4;
	v3 =	vimm.s32 $0x0;
	v4 =	vimm.s32 $0xFFFFFC00;
	s9 =	simm.s32 $0x1;
	s5 =	sadd.s32 $0x200, s8;
	s8 =	simm.s32 $0x1900  }
.LBB2_1:
0xb: {  	[tilespmem:s3], [sflag:$0x1] =	stream.linear.gather [hbm4b:s4+s3], $0xC40, $0x38;
	[tilespmem:$0x2200] =	vst v63  }
0xc: {  	_ = 	snop  }
0xd: {  	[tilespmem:s8], [sflag:$0x2] =	stream.linear.gather [hbm4b:s2+s3], $0x880, $0x38;
	[tilespmem:$0x2200] =	vst v63  }
0xe: {  	_ =	swait.ge [sflag:s9], $0xC40  }
0xf: {  	[sflag:s9] =	ssyncset.done $0x0  }
0x10: {  	[sflag:s9] =	ssyncadd.s32 $0xFFFFF3C0  }
0x11: {  	_ =	swait.ge [sflag:s10], $0x880  }
0x12: {  	[sflag:s10] =	ssyncset.done $0x0  }
0x13: {  	[sflag:s10] =	ssyncadd.s32 $0xFFFFF780  }
0x14: {  	v0 =	vimm.s32 $0x1;
	v11 =	vld [tilespmem:$0x2100]  }
0x15: {  	v5 =	vimm.f32 $0.0e+00;
	v6 =	vimm.f32 $0.0e+00;
	v22 =	vimm.f32 $0.0e+00  }
0x16: {  	v8 =	vimm.f32 $0.0e+00;
	v9 =	vimm.f32 $0.0e+00;
	v10 =	vimm.f32 $0.0e+00  }
0x17: {  	v12 =	vimm.f32 $0.0e+00;
	v14 =	vimm.f32 $0.0e+00;
	v15 =	vimm.f32 $0.0e+00  }
0x18: {  	v16 =	vimm.f32 $0.0e+00;
	v17 =	vimm.f32 $0.0e+00;
	v19 =	vimm.f32 $0.0e+00  }
0x19: {  	s15 =	simm.s32 $0xCF0;
	s16 =	simm.s32 $0x70;
	s17 =	simm.s32 $0x0;
	v20 =	vimm.f32 $0.0e+00;
	v21 =	vimm.f32 $0.0e+00;
	v18 =	vld [tilespmem:$0x2110];
	v13 =	vperm.xlane v11, v0  }
.LBB2_2:
0x1a: {  	v34 =	vld [tilespmem:s16+$0xFFFFFF90]  }
0x1b: {  	v35 =	vld [tilespmem:s16+$0xFFFFFFA0]  }
0x1c: {  	v32 =	vld [tilespmem:s16+$0xFFFFFFB0]  }
0x1d: {  	v33 =	vld [tilespmem:s16+$0xFFFFFFC0]  }
0x1e: {  	v30 =	vld [tilespmem:s16+$0xFFFFFFD0]  }
0x1f: {  	v31 =	vld [tilespmem:s16+$0xFFFFFFE0]  }
0x20: {  	v28 =	vld [tilespmem:s16+$0xFFFFFFF0]  }
0x21: {  	v27 =	vld [tilespmem:s16+$0x0]  }
0x22: {  	[tilespmem:$0x1FFD0] =	vst v22;
	v22 =	vld [tilespmem:s16+$0x20]  }
0x23: {  	v23 =	vld [tilespmem:s16+$0x30]  }
0x24: {  	v25 =	vld [tilespmem:s16+$0x40]  }
0x25: {  	v26 =	vld [tilespmem:s16+$0x50]  }
0x26: {  	v29 =	vld [tilespmem:s16+$0x60]  }
0x27: {  	vm13 =	vle.f32 v13, v34  }
0x28: {  	s18 =	sand.u32 $0xFE0, s17;
	vm12 =	vle.f32 v13, v35;
	vm11 =	vle.f32 v13, v32;
	vm8 =	vle.f32 v13, v33  }
0x29: {  	v24 =	vld [tilespmem:s18+$0x80];
	vm10 =	vle.f32 v13, v30;
	vm9 =	vle.f32 v13, v31;
	vm6 =	vle.f32 v13, v28  }
0x2a: {  	vm7 =	vle.f32 v13, v27;
	vm1 =	vle.f32 v13, v22;
	vm4 =	vle.f32 v13, v23  }
0x2b: {  	vm2 =	vle.f32 v13, v25;
	vm3 =	vle.f32 v13, v26;
	vm0 =	vle.f32 v13, v29  }
0x2c: {  	v36 =	vsel vm13, $0x3, v1;
	v37 =	vsel vm12, $0x3, v1;
	v38 =	vsel vm11, $0x3, v1  }
0x2d: {  	v39 =	vsel vm8, $0x3, v1;
	v40 =	vsel vm10, $0x3, v1;
	v41 =	vsel vm9, $0x3, v1  }
0x2e: {  	v42 =	vsel vm6, $0x3, v1;
	v43 =	vsel vm7, $0x3, v1;
	vm5 =	vle.f32 v13, v24  }
0x2f: {  	v45 =	vsel vm1, $0x3, v1;
	v46 =	vsel vm4, $0x3, v1;
	v47 =	vsel vm2, $0x3, v1  }
0x30: {  	v48 =	vsel vm3, $0x3, v1;
	v49 =	vsel vm0, $0x3, v1;
	v50 =	vsel vm13, $0x6, v2  }
0x31: {  	v54 =	vsel vm12, $0x6, v2;
	v55 =	vsel vm11, $0x6, v2;
	v57 =	vsel vm8, $0x6, v2  }
0x32: {  	v59 =	vsel vm10, $0x6, v2;
	v36 =	vperm.xlane v11, v36;
	v37 =	vperm.xlane v11, v37  }
0x33: {  	v60 =	vsel vm9, $0x6, v2;
	v38 =	vperm.xlane v11, v38;
	v39 =	vperm.xlane v11, v39  }
0x34: {  	v61 =	vsel vm6, $0x6, v2;
	v40 =	vperm.xlane v11, v40;
	v41 =	vperm.xlane v11, v41  }
0x35: {  	v62 =	vsel vm7, $0x6, v2;
	v42 =	vperm.xlane v11, v42;
	v43 =	vperm.xlane v11, v43  }
0x36: {  	v44 =	vsel vm5, $0x3, v1;
	v45 =	vperm.xlane v11, v45;
	v46 =	vperm.xlane v11, v46  }
0x37: {  	v47 =	vperm.xlane v11, v47;
	v44 =	vperm.xlane v11, v44;
	vm13 =	vle.f32 v36, v34  }
0x38: {  	v36 =	vperm.xlane v11, v48;
	vm12 =	vle.f32 v38, v32;
	vm15 =	vle.f32 v39, v33  }
0x39: {  	vm14 =	vle.f32 v42, v28;
	v63 =	vsel vm13, $0x1, v3;
	vm13 =	vle.f32 v37, v35  }
0x3a: {  	v37 =	vperm.xlane v11, v49;
	v56 =	vsel vm12, $0x1, v3;
	v58 =	vsel vm15, $0x1, v3  }
0x3b: {  	vm12 =	vle.f32 v40, v30;
	vm15 =	vle.f32 v43, v27;
	v42 =	vsel vm14, $0x1, v3  }
0x3c: {  	vm14 =	vle.f32 v46, v23;
	v46 =	vsel vm0, $0x6, v2;
	v51 =	vsel vm13, $0x1, v3  }
0x3d: {  	v48 =	vor.u32 v63, v50;
	v38 =	vor.u32 v56, v55;
	vm13 =	vle.f32 v41, v31  }
0x3e: {  	v40 =	vsel vm12, $0x1, v3;
	v50 =	vor.u32 v58, v57;
	v63 =	vsel vm15, $0x1, v3  }
0x3f: {  	vm12 =	vle.f32 v44, v24;
	v55 =	vsel vm5, $0x6, v2;
	v57 =	vsel vm1, $0x6, v2  }
0x40: {  	vm15 =	vle.f32 v47, v25;
	vm7 =	vle.f32 v36, v26;
	v49 =	vor.u32 v51, v54  }
0x41: {  	v52 =	vsel vm13, $0x1, v3;
	v40 =	vor.u32 v40, v59;
	v51 =	vor.u32 v63, v62  }
0x42: {  	v56 =	vsel vm12, $0x1, v3;
	vm13 =	vle.f32 v45, v22;
	v59 =	vsel vm4, $0x6, v2  }
0x43: {  	v47 =	vsel vm15, $0x1, v3;
	v62 =	vsel vm3, $0x6, v2;
	v36 =	vperm.xlane v11, v48  }
0x44: {  	v63 =	vsel vm7, $0x1, v3;
	vm8 =	vle.f32 v37, v29;
	v41 =	vor.u32 v52, v60  }
0x45: {  	v52 =	vor.u32 v42, v61;
	v44 =	vor.u32 v56, v55;
	v58 =	vsel vm13, $0x1, v3  }
0x46: {  	v60 =	vsel vm14, $0x1, v3;
	v61 =	vsel vm2, $0x6, v2;
	v43 =	vperm.xlane v11, v49  }
0x47: {  	v55 =	vor.u32 v63, v62;
	v42 =	vperm.xlane v11, v50;
	v56 =	vperm.xlane v11, v40  }
0x48: {  	v37 =	vsel vm8, $0x1, v3;
	v39 =	vshll.u32 v49, $0x1;
	v40 =	vshll.u32 v40, $0x1  }
0x49: {  	v53 =	vor.u32 v58, v57;
	v54 =	vor.u32 v47, v61;
	v47 =	vperm.xlane v11, v38  }
0x4a: {  	v45 =	vor.u32 v60, v59;
	v57 =	vperm.xlane v11, v41;
	v58 =	vperm.xlane v11, v52  }
0x4b: {  	v59 =	vperm.xlane v11, v51;
	v60 =	vperm.xlane v11, v44;
	v63 =	vor.u32 v37, v46  }
0x4c: {  	[tilespmem:$0x1FFE0] =	vst v5;
	v5 =	vperm.xlane v11, v55;
	v46 =	vshll.u32 v48, $0x1;
	vm9 =	vle.f32 v36, v34  }
0x4d: {  	v48 =	vshll.u32 v50, $0x1;
	v61 =	vperm.xlane v11, v53;
	v62 =	vperm.xlane v11, v45  }
0x4e: {  	v0 =	vperm.xlane v11, v54;
	vm10 =	vle.f32 v43, v35;
	v36 =	vsel vm9, $0x1, v3  }
0x4f: {  	v49 =	vperm.xlane v11, v63;
	vm12 =	vle.f32 v42, v33;
	vm13 =	vle.f32 v56, v30  }
0x50: {  	v56 =	vshll.u32 v52, $0x1;
	v52 =	vshll.u32 v44, $0x1;
	v43 =	vsel vm10, $0x1, v3  }
0x51: {  	v46 =	vor.u32 v36, v46;
	v36 =	vshll.u32 v38, $0x1;
	vm11 =	vle.f32 v47, v32  }
0x52: {  	v50 =	vsel vm12, $0x1, v3;
	vm14 =	vle.f32 v57, v31;
	vm15 =	vle.f32 v58, v28  }
0x53: {  	vm4 =	vle.f32 v59, v27;
	v58 =	vshll.u32 v51, $0x1;
	vm5 =	vle.f32 v60, v24  }
0x54: {  	vm9 =	vle.f32 v5, v26;
	v39 =	vor.u32 v43, v39;
	v47 =	vsel vm11, $0x1, v3  }
0x55: {  	v37 =	vor.u32 v50, v48;
	v43 =	vsel vm13, $0x1, v3;
	v57 =	vsel vm15, $0x1, v3  }
0x56: {  	v59 =	vsel vm4, $0x1, v3;
	vm6 =	vle.f32 v61, v22;
	vm7 =	vle.f32 v62, v23  }
0x57: {  	vm8 =	vle.f32 v0, v25;
	v0 =	vshll.u32 v54, $0x1;
	v5 =	vsel vm9, $0x1, v3  }
0x58: {  	v50 =	vperm.xlane v11, v46;
	v62 =	vshll.u32 v63, $0x1;
	vm10 =	vle.f32 v49, v29  }
0x59: {  	v42 =	vor.u32 v47, v36;
	v43 =	vor.u32 v43, v40;
	v36 =	vshll.u32 v41, $0x1  }
0x5a: {  	v47 =	vsel vm14, $0x1, v3;
	v40 =	vor.u32 v59, v58;
	v58 =	vsel vm6, $0x1, v3  }
0x5b: {  	v59 =	vshll.u32 v45, $0x1;
	v60 =	vsel vm7, $0x1, v3;
	v61 =	vsel vm8, $0x1, v3  }
0x5c: {  	v51 =	vperm.xlane v11, v39;
	v49 =	vsel vm10, $0x1, v3;
	v48 =	vor.u32 v47, v36  }
0x5d: {  	v47 =	vor.u32 v57, v56;
	v56 =	vsel vm5, $0x1, v3;
	v57 =	vshll.u32 v53, $0x1  }
0x5e: {  	v41 =	vor.u32 v60, v59;
	v38 =	vor.u32 v61, v0;
	v0 =	vshll.u32 v55, $0x1  }
0x5f: {  	v53 =	vperm.xlane v11, v43;
	v49 =	vor.u32 v49, v62;
	v62 =	vshll.u32 v46, $0x1  }
0x60: {  	vm11 =	vle.f32 v50, v34;
	v45 =	vor.u32 v5, v0;
	v0 =	vperm.xlane v11, v42  }
0x61: {  	v46 =	vshll.u32 v46, $0x7;
	v5 =	vperm.xlane v11, v37;
	v54 =	vperm.xlane v11, v48  }
0x62: {  	v44 =	vor.u32 v56, v52;
	v55 =	vperm.xlane v11, v47;
	v56 =	vperm.xlane v11, v40  }
0x63: {  	v36 =	vor.u32 v58, v57;
	v52 =	vperm.xlane v11, v41;
	v59 =	vperm.xlane v11, v38  }
0x64: {  	v61 =	vperm.xlane v11, v49;
	vm12 =	vle.f32 v51, v35;
	v50 =	vsel vm11, $0x1, v3  }
0x65: {  	v51 =	vshll.u32 v39, $0x1;
	v39 =	vshll.u32 v39, $0x7;
	v57 =	vperm.xlane v11, v44  }
0x66: {  	v58 =	vperm.xlane v11, v36;
	v60 =	vperm.xlane v11, v45;
	v63 =	vsel vm12, $0x1, v3  }
0x67: {  	v50 =	vor.u32 v50, v62;
	vm15 =	vle.f32 v53, v30;
	v51 =	vor.u32 v63, v51  }
0x68: {  	vm13 =	vle.f32 v0, v32;
	v0 =	vshll.u32 v42, $0x1;
	vm14 =	vle.f32 v5, v33  }
0x69: {  	v5 =	vshll.u32 v37, $0x1;
	v63 =	vshll.u32 v43, $0x1;
	vm4 =	vle.f32 v54, v31  }
0x6a: {  	v53 =	vsel vm15, $0x1, v3;
	v54 =	vshll.u32 v48, $0x1;
	vm5 =	vle.f32 v55, v28  }
0x6b: {  	vm6 =	vle.f32 v56, v27;
	v56 =	vshll.u32 v40, $0x1;
	vm9 =	vle.f32 v52, v23  }
0x6c: {  	vm10 =	vle.f32 v59, v25;
	v59 =	vshll.u32 v38, $0x1;
	vm12 =	vle.f32 v61, v29  }
0x6d: {  	v61 =	vshll.u32 v49, $0x1;
	v42 =	vshll.u32 v42, $0x7;
	v37 =	vshll.u32 v37, $0x7  }
0x6e: {  	v43 =	vshll.u32 v43, $0x7;
	v48 =	vshll.u32 v48, $0x7;
	v40 =	vshll.u32 v40, $0x7  }
0x6f: {  	v38 =	vshll.u32 v38, $0x7;
	v49 =	vshll.u32 v49, $0x7;
	v62 =	vsel vm13, $0x1, v3  }
0x70: {  	[tilespmem:$0x1FFF0] =	vst v6;
	v6 =	vsel vm4, $0x1, v3;
	v53 =	vor.u32 v53, v63;
	v55 =	vsel vm5, $0x1, v3  }
0x71: {  	vm7 =	vle.f32 v57, v24;
	v63 =	vshll.u32 v44, $0x1;
	vm8 =	vle.f32 v58, v22  }
0x72: {  	v52 =	vsel vm9, $0x1, v3;
	vm11 =	vle.f32 v60, v26;
	v44 =	vshll.u32 v44, $0x7  }
0x73: {  	v0 =	vor.u32 v62, v0;
	v62 =	vsel vm14, $0x1, v3;
	v6 =	vor.u32 v6, v54  }
0x74: {  	v54 =	vshll.u32 v47, $0x1;
	v57 =	vsel vm7, $0x1, v3;
	v58 =	vsel vm8, $0x1, v3  }
0x75: {  	v60 =	vsel vm11, $0x1, v3;
	v5 =	vor.u32 v62, v5;
	v62 =	vsel vm6, $0x1, v3  }
0x76: {  	v47 =	vshll.u32 v47, $0x7;
	v54 =	vor.u32 v55, v54;
	v55 =	vor.u32 v62, v56  }
0x77: {  	v56 =	vor.u32 v57, v63;
	v57 =	vshll.u32 v36, $0x1;
	v62 =	vshll.u32 v41, $0x1  }
0x78: {  	v63 =	vsel vm10, $0x1, v3;
	v7 =	vadd.s32 $0xFFFFFFF0, v5;
	v5 =	vshll.u32 v5, $0x6  }
0x79: {  	v36 =	vshll.u32 v36, $0x7;
	v41 =	vshll.u32 v41, $0x7;
	v57 =	vor.u32 v58, v57  }
0x7a: {  	v52 =	vor.u32 v52, v62;
	v58 =	vor.u32 v63, v59;
	v59 =	vshll.u32 v45, $0x1  }
0x7b: {  	v62 =	vsel vm12, $0x1, v3;
	v63 =	vadd.s32 $0xFFFFFFF0, v0;
	v7 =	vperm.xlane v18, v7  }
0x7c: {  	v0 =	vshll.u32 v0, $0x6;
	v45 =	vshll.u32 v45, $0x7;
	v59 =	vor.u32 v60, v59  }
0x7d: {  	v60 =	vor.u32 v62, v61;
	v61 =	vadd.s32 $0xFFFFFFF0, v50;
	v62 =	vadd.s32 $0xFFFFFFF0, v51  }
0x7e: {  	v63 =	vperm.xlane v18, v63;
	v50 =	vshll.u32 v50, $0x6;
	v61 =	vperm.xlane v18, v61  }
0x7f: {  	v62 =	vperm.xlane v18, v62;
	vm4 =	vle.f32 v7, v33;
	v7 =	vadd.s32 $0xFFFFFFF0, v55  }
0x80: {  	vm9 =	vle.f32 v63, v32;
	v63 =	vadd.s32 $0xFFFFFFF0, v54;
	v7 =	vperm.xlane v18, v7  }
0x81: {  	v54 =	vshll.u32 v54, $0x6;
	vm0 =	vle.f32 v61, v34;
	v61 =	vadd.s32 $0xFFFFFFF0, v53  }
0x82: {  	vm3 =	vle.f32 v62, v35;
	v62 =	vadd.s32 $0xFFFFFFF0, v6;
	v61 =	vperm.xlane v18, v61  }
0x83: {  	v63 =	vperm.xlane v18, v63;
	v53 =	vshll.u32 v53, $0x6;
	v62 =	vperm.xlane v18, v62  }
0x84: {  	vm6 =	vle.f32 v7, v27;
	vm10 =	vle.f32 v61, v30;
	v61 =	vadd.s32 $0xFFFFFFF0, v56  }
0x85: {  	vm5 =	vle.f32 v62, v31;
	v62 =	vadd.s32 $0xFFFFFFF0, v57;
	v61 =	vperm.xlane v18, v61  }
0x86: {  	v7 =	vadd.s32 $0xFFFFFFF0, v58;
	vm11 =	vle.f32 v63, v28;
	v62 =	vperm.xlane v18, v62  }
0x87: {  	v63 =	vadd.s32 $0xFFFFFFF0, v52;
	v7 =	vperm.xlane v18, v7;
	vm12 =	vle.f32 v61, v24  }
0x88: {  	v61 =	vadd.s32 $0xFFFFFFF0, v59;
	vm7 =	vle.f32 v62, v22;
	v62 =	vadd.s32 $0xFFFFFFF0, v60  }
0x89: {  	vm13 =	vle.f32 v7, v25;
	v61 =	vperm.xlane v18, v61;
	v7 =	vperm.xlane v18, v62  }
0x8a: {  	v6 =	vshll.u32 v6, $0x6;
	v52 =	vshll.u32 v52, $0x6;
	v63 =	vperm.xlane v18, v63  }
0x8b: {  	vm14 =	vle.f32 v61, v26;
	v61 =	vsel vm0, $0x20, v3;
	vm15 =	vle.f32 v7, v29  }
0x8c: {  	v7 =	vor.u32 v50, v61;
	v50 =	vshll.u32 v51, $0x6;
	v51 =	vsel vm3, $0x20, v3  }
0x8d: {  	v61 =	vsel vm9, $0x20, v3;
	v50 =	vor.u32 v50, v51;
	v51 =	vsel vm4, $0x20, v3  }
0x8e: {  	v0 =	vor.u32 v0, v61;
	v61 =	vsel vm10, $0x20, v3;
	v5 =	vor.u32 v5, v51  }
0x8f: {  	v51 =	vor.u32 v53, v61;
	v53 =	vsel vm5, $0x20, v3;
	v61 =	vsel vm11, $0x20, v3  }
0x90: {  	v56 =	vshll.u32 v56, $0x6;
	v6 =	vor.u32 v6, v53;
	v53 =	vor.u32 v54, v61  }
0x91: {  	v54 =	vshll.u32 v55, $0x6;
	v55 =	vsel vm6, $0x20, v3;
	v61 =	vsel vm12, $0x20, v3  }
0x92: {  	vm8 =	vle.f32 v63, v23;
	v54 =	vor.u32 v54, v55;
	v55 =	vor.u32 v56, v61  }
0x93: {  	v56 =	vshll.u32 v57, $0x6;
	v57 =	vsel vm7, $0x20, v3;
	v61 =	vsel vm8, $0x20, v3  }
0x94: {  	v59 =	vshll.u32 v59, $0x6;
	v56 =	vor.u32 v56, v57;
	v52 =	vor.u32 v52, v61  }
0x95: {  	v57 =	vshll.u32 v58, $0x6;
	v58 =	vsel vm13, $0x20, v3;
	v61 =	vsel vm14, $0x20, v3  }
0x96: {  	v57 =	vor.u32 v57, v58;
	v58 =	vor.u32 v59, v61;
	v61 =	vand.u32 $0x60, v7  }
0x97: {  	v59 =	vshll.u32 v60, $0x6;
	v60 =	vsel vm15, $0x20, v3;
	v46 =	vor.u32 v46, v61  }
0x98: {  	v61 =	vand.u32 $0x60, v50;
	v59 =	vor.u32 v59, v60;
	v60 =	vand.u32 $0x60, v0  }
0x99: {  	v46 =	vor.u32 $0xF, v46;
	v42 =	vor.u32 v42, v60;
	v60 =	vand.u32 $0x60, v5  }
0x9a: {  	v39 =	vor.u32 v39, v61;
	v37 =	vor.u32 v37, v60;
	v60 =	vand.u32 $0x60, v51  }
0x9b: {  	v39 =	vor.u32 $0xF, v39;
	v43 =	vor.u32 v43, v60;
	v60 =	vand.u32 $0x60, v6  }
0x9c: {  	v42 =	vor.u32 $0xF, v42;
	v48 =	vor.u32 v48, v60;
	v60 =	vand.u32 $0x60, v53  }
0x9d: {  	v37 =	vor.u32 $0xF, v37;
	v47 =	vor.u32 v47, v60;
	v60 =	vand.u32 $0x60, v54  }
0x9e: {  	v43 =	vor.u32 $0xF, v43;
	v40 =	vor.u32 v40, v60;
	v60 =	vand.u32 $0x60, v55  }
0x9f: {  	v48 =	vor.u32 $0xF, v48;
	v46 =	vld.idx.msk [tilespmem:v46+s8+$0x0], $0xffff;
	v44 =	vor.u32 v44, v60;
	v60 =	vand.u32 $0x60, v56  }
0xa0: {  	v47 =	vor.u32 $0xF, v47;
	v39 =	vld.idx.msk [tilespmem:v39+s8+$0x0], $0xffff;
	v36 =	vor.u32 v36, v60;
	v60 =	vand.u32 $0x60, v52  }
0xa1: {  	v40 =	vor.u32 $0xF, v40;
	v42 =	vld.idx.msk [tilespmem:v42+s8+$0x0], $0xffff;
	v41 =	vor.u32 v41, v60;
	v60 =	vand.u32 $0x60, v57  }
0xa2: {  	v37 =	vld.idx.msk [tilespmem:v37+s8+$0x0], $0xffff;
	v44 =	vor.u32 $0xF, v44;
	v38 =	vor.u32 v38, v60;
	v60 =	vand.u32 $0x60, v58  }
0xa3: {  	v36 =	vor.u32 $0xF, v36;
	v41 =	vor.u32 $0xF, v41;
	v45 =	vor.u32 v45, v60  }
0xa4: {  	v43 =	vld.idx.msk [tilespmem:v43+s8+$0x0], $0xffff;
	v60 =	vand.u32 $0x60, v59;
	vm6 =	vle.f32 v46, v34;
	v38 =	vor.u32 $0xF, v38  }
0xa5: {  	v47 =	vld.idx.msk [tilespmem:v47+s8+$0x0], $0xffff;
	v49 =	vor.u32 v49, v60;
	v45 =	vor.u32 $0xF, v45;
	vm7 =	vle.f32 v39, v35  }
0xa6: {  	v60 =	vld.idx.msk [tilespmem:v48+s8+$0x0], $0xffff;
	v61 =	vsel vm6, $0xFFFFFC10, v4;
	vm8 =	vle.f32 v42, v32;
	v48 =	vor.u32 $0xF, v49  }
0xa7: {  	v40 =	vld.idx.msk [tilespmem:v40+s8+$0x0], $0xffff;
	v7 =	vadd.s32 v7, v61;
	v62 =	vsel vm7, $0xFFFFFC10, v4;
	vm9 =	vle.f32 v37, v33  }
0xa8: {  	v63 =	vld.idx.msk [tilespmem:v44+s8+$0x0], $0xffff;
	v42 =	vsel vm8, $0xFFFFFC10, v4;
	v39 =	vadd.s32 v50, v62;
	v49 =	vsel vm9, $0xFFFFFC10, v4  }
0xa9: {  	vm10 =	vle.f32 v43, v30;
	v0 =	vadd.s32 v0, v42;
	v62 =	vadd.s32 $0x407, v7  }
0xaa: {  	v36 =	vld.idx.msk [tilespmem:v36+s8+$0x0], $0xffff;
	v5 =	vadd.s32 v5, v49;
	v50 =	vsel vm10, $0xFFFFFC10, v4;
	vm12 =	vle.f32 v47, v28  }
0xab: {  	v41 =	vld.idx.msk [tilespmem:v41+s8+$0x0], $0xffff;
	v42 =	vadd.s32 v51, v50;
	vm11 =	vle.f32 v60, v31;
	v60 =	vsel vm12, $0xFFFFFC10, v4  }
0xac: {  	v38 =	vld.idx.msk [tilespmem:v38+s8+$0x0], $0xffff;
	vm13 =	vle.f32 v40, v27;
	v51 =	vsel vm11, $0xFFFFFC10, v4;
	v40 =	vadd.s32 v53, v60  }
0xad: {  	v61 =	vsel vm13, $0xFFFFFC10, v4;
	vm14 =	vle.f32 v63, v24;
	v63 =	vld.idx.msk [tilespmem:v48+s8+$0x0], $0xffff;
	v48 =	vadd.s32 $0x407, v0  }
0xae: {  	v44 =	vld.idx.msk [tilespmem:v45+s8+$0x0], $0xffff;
	v6 =	vadd.s32 v6, v51;
	v43 =	vadd.s32 v54, v61;
	v53 =	vsel vm14, $0xFFFFFC10, v4  }
0xaf: {  	vm15 =	vle.f32 v36, v22;
	v54 =	vadd.s32 $0x407, v39;
	v37 =	vld.idx.msk [tilespmem:v62+s8+$0x0], $0xffff;
	v62 =	vadd.s32 $0x407, v40  }
0xb0: {  	v46 =	vadd.s32 v55, v53;
	v55 =	vsel vm15, $0xFFFFFC10, v4;
	vm4 =	vle.f32 v41, v23  }
0xb1: {  	v41 =	vadd.s32 $0x407, v5;
	v51 =	vadd.s32 $0x407, v6;
	v47 =	vadd.s32 v56, v55  }
0xb2: {  	v60 =	vsel vm4, $0xFFFFFC10, v4;
	vm5 =	vle.f32 v38, v25;
	v38 =	vadd.s32 $0x407, v42  }
0xb3: {  	v49 =	vadd.s32 v52, v60;
	v61 =	vsel vm5, $0xFFFFFC10, v4;
	vm6 =	vle.f32 v44, v26  }
0xb4: {  	v60 =	vadd.s32 $0x407, v43;
	v55 =	vadd.s32 $0x407, v47;
	vm7 =	vle.f32 v63, v29;
	v48 =	vld.idx.msk [tilespmem:v48+s8+$0x0], $0xffff  }
0xb5: {  	v63 =	vsel vm6, $0xFFFFFC10, v4;
	v50 =	vadd.s32 v57, v61;
	v61 =	vadd.s32 $0x407, v46;
	v36 =	vld.idx.msk [tilespmem:v54+s8+$0x0], $0xffff  }
0xb6: {  	v56 =	vsel vm7, $0xFFFFFC10, v4;
	v45 =	vadd.s32 v58, v63;
	vm8 =	vle.f32 v37, v34;
	v37 =	vld.idx.msk [tilespmem:v62+s8+$0x0], $0xffff  }
0xb7: {  	v57 =	vadd.s32 $0x407, v50;
	v62 =	vor.u32 $0x8, v7;
	v63 =	vor.u32 $0x8, v39;
	v41 =	vld.idx.msk [tilespmem:v41+s8+$0x0], $0xffff  }
0xb8: {  	v52 =	vadd.s32 v59, v56;
	v56 =	vadd.s32 $0x407, v49;
	v58 =	vadd.s32 $0x407, v45;
	v51 =	vld.idx.msk [tilespmem:v51+s8+$0x0], $0xffff  }
0xb9: {  	v7 =	vsel vm8, v62, v7;
	v59 =	vor.u32 $0x8, v0;
	v62 =	vor.u32 $0x8, v6;
	v38 =	vld.idx.msk [tilespmem:v38+s8+$0x0], $0xffff  }
0xba: {  	v44 =	vadd.s32 $0x407, v52;
	v53 =	vld.idx.msk [tilespmem:v60+s8+$0x0], $0xffff;
	v60 =	vor.u32 $0x8, v5;
	vm10 =	vle.f32 v48, v32  }
0xbb: {  	v54 =	vld.idx.msk [tilespmem:v55+s8+$0x0], $0xffff;
	v55 =	vor.u32 $0x8, v43;
	vm9 =	vle.f32 v36, v35;
	v0 =	vsel vm10, v59, v0  }
0xbc: {  	vm14 =	vle.f32 v37, v28;
	v36 =	vsel vm9, v63, v39;
	vm11 =	vle.f32 v41, v33;
	v41 =	vld.idx.msk [tilespmem:v61+s8+$0x0], $0xffff  }
0xbd: {  	v61 =	vor.u32 $0x8, v42;
	vm13 =	vle.f32 v51, v31;
	v59 =	vld.idx.msk [tilespmem:v56+s8+$0x0], $0xffff;
	v63 =	vor.u32 $0x8, v40  }
0xbe: {  	v56 =	vld.idx.msk [tilespmem:v57+s8+$0x0], $0xffff;
	v57 =	vadd.s32 $0x403, v0;
	vm12 =	vle.f32 v38, v30;
	v5 =	vsel vm11, v60, v5  }
0xbf: {  	v6 =	vsel vm13, v62, v6;
	v39 =	vsel vm14, v63, v40;
	v60 =	vor.u32 $0x8, v46  }
0xc0: {  	v62 =	vor.u32 $0x8, v47;
	v63 =	vadd.s32 $0x403, v36;
	v38 =	vsel vm12, v61, v42  }
0xc1: {  	v44 =	vld.idx.msk [tilespmem:v44+s8+$0x0], $0xffff;
	vm15 =	vle.f32 v53, v27;
	v42 =	vadd.s32 $0x403, v7;
	vm5 =	vle.f32 v54, v22  }
0xc2: {  	v61 =	vld.idx.msk [tilespmem:v58+s8+$0x0], $0xffff;
	v58 =	vor.u32 $0x8, v49;
	v51 =	vadd.s32 $0x403, v39;
	v40 =	vsel vm15, v55, v43  }
0xc3: {  	v54 =	vadd.s32 $0x403, v38;
	v55 =	vadd.s32 $0x403, v40;
	vm4 =	vle.f32 v41, v24  }
0xc4: {  	vm6 =	vle.f32 v59, v23;
	v59 =	vadd.s32 $0x403, v5;
	vm7 =	vle.f32 v56, v25  }
0xc5: {  	v41 =	vsel vm4, v60, v46;
	v46 =	vsel vm5, v62, v47;
	v60 =	vor.u32 $0x8, v50;
	v53 =	vld.idx.msk [tilespmem:v63+s8+$0x0], $0xffff  }
0xc6: {  	v37 =	vsel vm6, v58, v49;
	vm9 =	vle.f32 v44, v29;
	v62 =	vor.u32 $0x8, v52;
	v47 =	vld.idx.msk [tilespmem:v57+s8+$0x0], $0xffff  }
0xc7: {  	v49 =	vsel vm7, v60, v50;
	v50 =	vadd.s32 $0x403, v6;
	v42 =	vld.idx.msk [tilespmem:v42+s8+$0x0], $0xffff;
	v63 =	vadd.s32 $0x403, v41  }
0xc8: {  	vm8 =	vle.f32 v61, v26;
	v61 =	vor.u32 $0x8, v45;
	v60 =	vadd.s32 $0x403, v46;
	v51 =	vld.idx.msk [tilespmem:v51+s8+$0x0], $0xffff  }
0xc9: {  	v44 =	vsel vm9, v62, v52;
	v56 =	vadd.s32 $0x403, v37;
	v62 =	vor.u32 $0x4, v36;
	v54 =	vld.idx.msk [tilespmem:v54+s8+$0x0], $0xffff  }
0xca: {  	v43 =	vsel vm8, v61, v45;
	v57 =	vadd.s32 $0x403, v49;
	v61 =	vor.u32 $0x4, v7;
	v55 =	vld.idx.msk [tilespmem:v55+s8+$0x0], $0xffff  }
0xcb: {  	v58 =	vadd.s32 $0x403, v43;
	v48 =	vld.idx.msk [tilespmem:v59+s8+$0x0], $0xffff;
	v59 =	vor.u32 $0x4, v5;
	vm11 =	vle.f32 v53, v35  }
0xcc: {  	v53 =	vadd.s32 $0x403, v44;
	vm12 =	vle.f32 v47, v32;
	vm10 =	vle.f32 v42, v34;
	v42 =	vld.idx.msk [tilespmem:v63+s8+$0x0], $0xffff  }
0xcd: {  	v36 =	vsel vm11, v62, v36;
	v63 =	vor.u32 $0x4, v0;
	v45 =	vld.idx.msk [tilespmem:v60+s8+$0x0], $0xffff;
	v60 =	vor.u32 $0x4, v38  }
0xce: {  	vm4 =	vle.f32 v51, v28;
	v62 =	vor.u32 $0x4, v39;
	v7 =	vsel vm10, v61, v7  }
0xcf: {  	v50 =	vld.idx.msk [tilespmem:v50+s8+$0x0], $0xffff;
	v0 =	vsel vm12, v63, v0;
	vm14 =	vle.f32 v54, v30;
	v61 =	vor.u32 $0x4, v6  }
0xd0: {  	v63 =	vor.u32 $0x4, v40;
	v51 =	vld.idx.msk [tilespmem:v57+s8+$0x0], $0xffff;
	v57 =	vor.u32 $0x4, v41;
	v39 =	vsel vm4, v62, v39  }
0xd1: {  	v47 =	vadd.s32 $0x401, v36;
	v62 =	vor.u32 $0x4, v37;
	v38 =	vsel vm14, v60, v38  }
0xd2: {  	vm5 =	vle.f32 v55, v27;
	v52 =	vadd.s32 $0x401, v7;
	vm13 =	vle.f32 v48, v33  }
0xd3: {  	v40 =	vsel vm5, v63, v40;
	v63 =	vadd.s32 $0x401, v0;
	v5 =	vsel vm13, v59, v5;
	v59 =	vld.idx.msk [tilespmem:v58+s8+$0x0], $0xffff  }
0xd4: {  	v58 =	vor.u32 $0x4, v49;
	vm15 =	vle.f32 v50, v31;
	v50 =	vld.idx.msk [tilespmem:v56+s8+$0x0], $0xffff;
	vm6 =	vle.f32 v42, v24  }
0xd5: {  	v60 =	vld.idx.msk [tilespmem:v53+s8+$0x0], $0xffff;
	vm7 =	vle.f32 v45, v22;
	v6 =	vsel vm15, v61, v6;
	v41 =	vsel vm6, v57, v41  }
0xd6: {  	v61 =	vor.u32 $0x4, v46;
	v57 =	vadd.s32 $0x401, v5;
	vm9 =	vle.f32 v51, v25  }
0xd7: {  	v51 =	vadd.s32 $0x401, v38;
	v45 =	vsel vm7, v61, v46;
	v54 =	vadd.s32 $0x401, v6  }
0xd8: {  	v47 =	vld.idx.msk [tilespmem:v47+s8+$0x0], $0xffff;
	v61 =	vadd.s32 $0x401, v39;
	v48 =	vsel vm9, v58, v49;
	v49 =	vadd.s32 $0x2, v5  }
0xd9: {  	v52 =	vld.idx.msk [tilespmem:v52+s8+$0x0], $0xffff;
	v53 =	vadd.s32 $0x401, v45;
	vm10 =	vle.f32 v59, v26;
	vm8 =	vle.f32 v50, v23  }
0xda: {  	v59 =	vor.u32 $0x4, v43;
	vm11 =	vle.f32 v60, v29;
	v37 =	vsel vm8, v62, v37;
	v62 =	vld.idx.msk [tilespmem:v63+s8+$0x0], $0xffff  }
0xdb: {  	v60 =	vor.u32 $0x4, v44;
	v43 =	vsel vm10, v59, v43;
	v50 =	vadd.s32 $0x401, v41;
	v46 =	vld.idx.msk [tilespmem:v57+s8+$0x0], $0xffff  }
0xdc: {  	v42 =	vsel vm11, v60, v44;
	v60 =	vadd.s32 $0x2, v7;
	v63 =	vadd.s32 $0x401, v40;
	v51 =	vld.idx.msk [tilespmem:v51+s8+$0x0], $0xffff  }
0xdd: {  	v57 =	vadd.s32 $0x401, v48;
	v58 =	vadd.s32 $0x401, v43;
	vm13 =	vle.f32 v47, v35;
	v54 =	vld.idx.msk [tilespmem:v54+s8+$0x0], $0xffff  }
0xde: {  	v56 =	vadd.s32 $0x401, v37;
	vm12 =	vle.f32 v52, v34;
	v55 =	vld.idx.msk [tilespmem:v61+s8+$0x0], $0xffff;
	v61 =	vadd.s32 $0x2, v36  }
0xdf: {  	v52 =	vadd.s32 $0x401, v42;
	v7 =	vsel vm12, v60, v7;
	v36 =	vsel vm13, v61, v36  }
0xe0: {  	v60 =	vadd.s32 $0x2, v38;
	v61 =	vadd.s32 $0x2, v6;
	v44 =	vadd.s32 $0x400, v36;
	v59 =	vld.idx.msk [tilespmem:v50+s8+$0x0], $0xffff  }
0xe1: {  	vm14 =	vle.f32 v62, v32;
	v62 =	vadd.s32 $0x2, v0;
	v63 =	vld.idx.msk [tilespmem:v63+s8+$0x0], $0xffff;
	vm15 =	vle.f32 v46, v33  }
0xe2: {  	vm4 =	vle.f32 v51, v30;
	v51 =	vadd.s32 $0x400, v7;
	v50 =	vld.idx.msk [tilespmem:v57+s8+$0x0], $0xffff;
	v0 =	vsel vm14, v62, v0  }
0xe3: {  	v5 =	vsel vm15, v49, v5;
	v38 =	vsel vm4, v60, v38;
	vm5 =	vle.f32 v54, v31;
	v49 =	vld.idx.msk [tilespmem:v53+s8+$0x0], $0xffff  }
0xe4: {  	vm6 =	vle.f32 v55, v28;
	v62 =	vadd.s32 $0x2, v39;
	v53 =	vld.idx.msk [tilespmem:v56+s8+$0x0], $0xffff;
	v60 =	vadd.s32 $0x2, v41  }
0xe5: {  	v55 =	vld.idx.msk [tilespmem:v58+s8+$0x0], $0xffff;
	v6 =	vsel vm5, v61, v6;
	v39 =	vsel vm6, v62, v39;
	v54 =	vadd.s32 $0x400, v0  }
0xe6: {  	v52 =	vld.idx.msk [tilespmem:v52+s8+$0x0], $0xffff;
	v61 =	vadd.s32 $0x400, v5;
	v46 =	vadd.s32 $0x400, v38;
	v62 =	vadd.s32 $0x2, v45  }
0xe7: {  	v57 =	vadd.s32 $0x400, v39;
	vm8 =	vle.f32 v59, v24;
	vm7 =	vle.f32 v63, v27  }
0xe8: {  	v63 =	vadd.s32 $0x2, v40;
	v41 =	vsel vm8, v60, v41;
	vm11 =	vle.f32 v50, v25  }
0xe9: {  	v44 =	vld.idx.msk [tilespmem:v44+s8+$0x0], $0xffff;
	v60 =	vadd.s32 $0x2, v48;
	v40 =	vsel vm7, v63, v40;
	vm9 =	vle.f32 v49, v22  }
0xea: {  	v49 =	vld.idx.msk [tilespmem:v51+s8+$0x0], $0xffff;
	v51 =	vadd.s32 $0x400, v6;
	vm10 =	vle.f32 v53, v23;
	v63 =	vadd.s32 $0x2, v37  }
0xeb: {  	vm12 =	vle.f32 v55, v26;
	v48 =	vsel vm11, v60, v48;
	vm13 =	vle.f32 v52, v29  }
0xec: {  	v45 =	vsel vm9, v62, v45;
	v37 =	vsel vm10, v63, v37;
	v47 =	vld.idx.msk [tilespmem:v54+s8+$0x0], $0xffff;
	v53 =	vadd.s32 $0x400, v40  }
0xed: {  	v54 =	vld.idx.msk [tilespmem:v61+s8+$0x0], $0xffff;
	v61 =	vadd.s32 $0x400, v41;
	v62 =	vadd.s32 $0x2, v43;
	v63 =	vadd.s32 $0x2, v42  }
0xee: {  	v46 =	vld.idx.msk [tilespmem:v46+s8+$0x0], $0xffff;
	v58 =	vadd.s32 $0x400, v45;
	v43 =	vsel vm12, v62, v43;
	vm15 =	vle.f32 v44, v35  }
0xef: {  	v55 =	vld.idx.msk [tilespmem:v57+s8+$0x0], $0xffff;
	v42 =	vsel vm13, v63, v42;
	v60 =	vadd.s32 $0x400, v43;
	v63 =	vsel vm15, $0x1, v3  }
0xf0: {  	v36 =	vadd.s32 v63, v36;
	v50 =	vld.idx.msk [tilespmem:v51+s8+$0x0], $0xffff  }
0xf1: {  	v51 =	vadd.s32 $0x400, v37;
	v52 =	vld.idx.msk [tilespmem:v53+s8+$0x0], $0xffff  }
0xf2: {  	v57 =	vadd.s32 $0x400, v48;
	vm14 =	vle.f32 v49, v34;
	v49 =	vld.idx.msk [tilespmem:v61+s8+$0x0], $0xffff;
	v61 =	vadd.s32 $0x400, v42  }
0xf3: {  	v62 =	vsel vm14, $0x1, v3;
	vm4 =	vle.f32 v47, v32;
	vm5 =	vle.f32 v54, v33;
	v44 =	vld.idx.msk [tilespmem:v58+s8+$0x0], $0xffff  }
0xf4: {  	vm6 =	vle.f32 v46, v30;
	v7 =	vadd.s32 v62, v7;
	v58 =	vsel vm4, $0x1, v3;
	v46 =	vld.idx.msk [tilespmem:v60+s8+$0x0], $0xffff  }
0xf5: {  	v59 =	vsel vm5, $0x1, v3;
	v0 =	vadd.s32 v58, v0;
	v36 =	vld.idx.msk [tilespmem:v36+s8+$0x0], $0xffff  }
0xf6: {  	vm8 =	vle.f32 v55, v28;
	v5 =	vadd.s32 v59, v5;
	v60 =	vsel vm6, $0x1, v3;
	v47 =	vld.idx.msk [tilespmem:v51+s8+$0x0], $0xffff  }
0xf7: {  	v63 =	vsel vm8, $0x1, v3;
	v38 =	vadd.s32 v60, v38;
	v51 =	vld.idx.msk [tilespmem:v57+s8+$0x0], $0xffff;
	vm7 =	vle.f32 v50, v31  }
0xf8: {  	v39 =	vadd.s32 v63, v39;
	v61 =	vld.idx.msk [tilespmem:v61+s8+$0x0], $0xffff;
	v62 =	vsel vm7, $0x1, v3;
	vm9 =	vle.f32 v52, v27  }
0xf9: {  	vm10 =	vle.f32 v49, v24;
	v6 =	vadd.s32 v62, v6;
	v7 =	vld.idx.msk [tilespmem:v7+s8+$0x0], $0xffff;
	v56 =	vsel vm9, $0x1, v3  }
0xfa: {  	vm11 =	vle.f32 v44, v22;
	v57 =	vsel vm10, $0x1, v3;
	v40 =	vadd.s32 v56, v40;
	v0 =	vld.idx.msk [tilespmem:v0+s8+$0x0], $0xffff  }
0xfb: {  	v41 =	vadd.s32 v57, v41;
	v58 =	vsel vm11, $0x1, v3;
	v5 =	vld.idx.msk [tilespmem:v5+s8+$0x0], $0xffff;
	vm14 =	vle.f32 v46, v26  }
0xfc: {  	v44 =	vadd.s32 v58, v45;
	v38 =	vld.idx.msk [tilespmem:v38+s8+$0x0], $0xffff;
	v46 =	vsel vm14, $0x1, v3;
	vm12 =	vle.f32 v47, v23  }
0xfd: {  	v39 =	vld.idx.msk [tilespmem:v39+s8+$0x0], $0xffff;
	vm13 =	vle.f32 v51, v25;
	v43 =	vadd.s32 v46, v43;
	v59 =	vsel vm12, $0x1, v3  }
0xfe: {  	v60 =	vsel vm13, $0x1, v3;
	vm15 =	vle.f32 v61, v29;
	v37 =	vadd.s32 v59, v37;
	v6 =	vld.idx.msk [tilespmem:v6+s8+$0x0], $0xffff  }
0xff: {  	v45 =	vadd.s32 v60, v48;
	v61 =	vsel vm15, $0x1, v3;
	v40 =	vld.idx.msk [tilespmem:v40+s8+$0x0], $0xffff  }
0x100: {  	v42 =	vadd.s32 v61, v42;
	v41 =	vld.idx.msk [tilespmem:v41+s8+$0x0], $0xffff  }
0x101: {  	v44 =	vld.idx.msk [tilespmem:v44+s8+$0x0], $0xffff  }
0x102: {  	v43 =	vld.idx.msk [tilespmem:v43+s8+$0x0], $0xffff  }
0x103: {  	v37 =	vld.idx.msk [tilespmem:v37+s8+$0x0], $0xffff  }
0x104: {  	v45 =	vld.idx.msk [tilespmem:v45+s8+$0x0], $0xffff  }
0x105: {  	v34 =	vsub.f32 v7, v34;
	v42 =	vld.idx.msk [tilespmem:v42+s8+$0x0], $0xffff;
	[tilespmem:s15+$0xFFFFFF90] =	vst v7  }
0x106: {  	v7 =	vsub.f32 v0, v32;
	[tilespmem:s15+$0xFFFFFFB0] =	vst v0;
	v0 =	vsub.f32 v38, v30;
	_ =	sdelay $0x1  }
0x107: {  	v27 =	vsub.f32 v40, v27;
	v0 =	vmul.f32 v0, v0  }
0x108: {  	v62 =	vsub.f32 v5, v33;
	v28 =	vsub.f32 v39, v28;
	[tilespmem:s15+$0xFFFFFFC0] =	vst v5;
	v5 =	vmul.f32 v7, v7  }
0x109: {  	v16 =	vadd.f32 v0, v16;
	v0 =	vmul.f32 v27, v27  }
0x10a: {  	v19 =	vadd.f32 v5, v19;
	v5 =	vmul.f32 v28, v28  }
0x10b: {  	v12 =	vadd.f32 v0, v12;
	v0 =	vsub.f32 v44, v22  }
0x10c: {  	v14 =	vadd.f32 v5, v14  }
0x10d: {  	v5 =	vsub.f32 v41, v24;
	v22 =	vsub.f32 v43, v26;
	v0 =	vmul.f32 v0, v0  }
0x10e: {  	v63 =	vsub.f32 v6, v31;
	[tilespmem:s15+$0xFFFFFFE0] =	vst v6;
	v7 =	vmul.f32 v62, v62;
	v6 =	vsub.f32 v37, v23  }
0x10f: {  	v5 =	vmul.f32 v5, v5;
	v9 =	vadd.f32 v0, v9;
	v0 =	vmul.f32 v22, v22;
	v22 =	vld [tilespmem:$0x1FFD0]  }
0x110: {  	[tilespmem:s15+$0xFFFFFFA0] =	vst v36;
	v17 =	vadd.f32 v7, v17;
	v7 =	vsub.f32 v45, v25  }
0x111: {  	[tilespmem:s15+$0xFFFFFFD0] =	vst v38;
	v10 =	vadd.f32 v5, v10;
	v5 =	vmul.f32 v6, v6  }
0x112: {  	[tilespmem:s15+$0xFFFFFFF0] =	vst v39;
	v6 =	vmul.f32 v7, v7  }
0x113: {  	v35 =	vsub.f32 v36, v35;
	[tilespmem:s15+$0x0] =	vst v40;
	v8 =	vadd.f32 v5, v8;
	v5 =	vld [tilespmem:$0x1FFE0]  }
0x114: {  	p0 =	sne.s32 s17, $0xB60;
	[tilespmem:s18+$0xD00] =	vst v41;
	v22 =	vadd.f32 v6, v22;
	v6 =	vld [tilespmem:$0x1FFF0]  }
.Ltmp0:
0x115: {  	v35 =	vmul.f32 v35, v35;
	[tilespmem:s15+$0x20] =	vst v44;
	v23 =	vsub.f32 v42, v29;
	(pc) =	sbr.rel @p0 .LBB2_2-.Ltmp0, $4  }
0x116: {  	v34 =	vmul.f32 v34, v34;
	v30 =	vmul.f32 v63, v63;
	[tilespmem:s15+$0x50] =	vst v43  }
0x117: {  	v20 =	vadd.f32 v35, v20;
	[tilespmem:s15+$0x30] =	vst v37;
	v7 =	vmul.f32 v23, v23  }
0x118: {  	v21 =	vadd.f32 v34, v21;
	v15 =	vadd.f32 v30, v15;
	[tilespmem:s15+$0x40] =	vst v45  }
0x119: {  	s16 =	sadd.s32 $0xE0, s16;
	s17 =	sadd.s32 $0xE0, s17;
	[tilespmem:s15+$0x60] =	vst v42;
	s15 =	sadd.s32 $0xE0, s15;
	v5 =	vadd.f32 v7, v5;
	v6 =	vadd.f32 v0, v6  }
0x11a: {  	v0 =	vadd.f32 v20, v21;
	_ =	sdelay $0x1  }
0x11b: {  	v0 =	vadd.f32 v19, v0;
	_ =	sdelay $0x1  }
0x11c: {  	v0 =	vadd.f32 v17, v0;
	_ =	sdelay $0x1  }
0x11d: {  	v0 =	vadd.f32 v16, v0;
	_ =	sdelay $0x1  }
0x11e: {  	v0 =	vadd.f32 v15, v0;
	_ =	sdelay $0x1  }
0x11f: {  	v0 =	vadd.f32 v14, v0;
	_ =	sdelay $0x1  }
0x120: {  	v0 =	vadd.f32 v12, v0;
	_ =	sdelay $0x1  }
0x121: {  	v0 =	vadd.f32 v10, v0;
	_ =	sdelay $0x1  }
0x122: {  	v0 =	vadd.f32 v9, v0;
	_ =	sdelay $0x1  }
0x123: {  	v0 =	vadd.f32 v8, v0;
	_ =	sdelay $0x1  }
0x124: {  	v0 =	vadd.f32 v22, v0;
	_ =	sdelay $0x1  }
0x125: {  	v0 =	vadd.f32 v6, v0;
	_ =	sdelay $0x1  }
0x126: {  	v0 =	vadd.f32 v5, v0;
	_ =	sdelay $0x1  }
0x127: {  	[tilespmem:$0x2180] =	vst v0  }
0x128: {  	[hbm4b:s5+s3] =	stream.linear.scatter [tilespmem:s11], [sflag:$0x3], $0xC40, $0x38;
	[tilespmem:$0x2200] =	vst v63  }
0x129: {  	s14 =	sadd.s32 $0x1, s14;
	_ =	swait.ge [sflag:s12], $0xC40  }
0x12a: {  	p0 =	sne.s32 s14, s7;
	[sflag:s12] =	ssyncset.done $0x0  }
.Ltmp1:
0x12b: {  	[sflag:s12] =	ssyncadd.s32 $0xFFFFF3C0;
	(pc) =	sbr.rel @p0 .LBB2_1-.Ltmp1, $4  }
0x12c: {  	[hbm4b:s6+s3] =	stream.linear.scatter [tilespmem:s13], [sflag:$0x3], $0x80, $0x38;
	[tilespmem:$0x2200] =	vst v63  }
0x12d: {  	_ =	swait.ge [sflag:s12], $0x80  }
0x12e: {  	[sflag:s12] =	ssyncset.done $0x0  }
0x12f: {  	[sflag:s12] =	ssyncadd.s32 $0xFFFFFF80  }
0x130: {  	_ =	sfence.sel $0x180000  }
0x131: {  	[bflag:$0x0] =	sbarrier.arrive $0xFFFF  }
0x132: {  	p0 =	sne.s32 s0, $0x0;
	_ =	strace $0x9000004D  }
0x133: {  	s0 =	sadd.s32 @!p0 $0x100000, s1;
	[bflag:$0x2] =	sbarrier.arrive $0xFFFF  }
0x134: {  	[sflag:s0] =	ssyncadd.tile.s32 @!p0 $0x1;
	_ =	shalt  }
.Lfunc_end2:
_tile_overlayer_lowered:
.L_overlay_start_2:
0x135: {  	(tag) =	ssettag $0x2  }
0x136: {  	s0 =	rddreg [dreg:$0x0];
	s2 =	stileid.u32  }
0x137: {  	s1 =	rddreg [dreg:$0x1];
	p0 =	sne.s32 s2, $0x0  }
0x138: {  	s3 =	rddreg [dreg:$0x2];
	[bflag:$0x3] =	sbarrier.arrive $0xFFFF;
	s2 =	simm.s32 @!p0 $0x1C03  }
0x139: {  	[timem:s3], [sflag:s2] =	dma.local @!p0 [hbm:s0], s1  }
0x13a: {  	s0 =	simm.s32 @!p0 $0x3  }
0x13b: {  	_ =	swait.ge @!p0 [sflag:s0], s1  }
0x13c: {  	s1 =	ssub.s32 @!p0 $0x0, s1;
	[sflag:s0] =	ssyncset.done @!p0 $0x0  }
0x13d: {  	[sflag:s0] =	ssyncadd.s32 @!p0 s1  }
0x13e: {  	[bflag:$0x3] =	sbarrier.arrive $0xFFFF  }
0x13f: {  	_ =	shalt  }

</sc_bundles>
